<compile_context>
chip_gen: v7x
topology: tpu7x:2x2x1
jax: 0.10.2.dev20260603
libtpu: 0.0.44.dev20260713+nightly
codegen_flags: <defaults>
</compile_context>

<pallas_src>
import jax
import jax.numpy as jnp
from jax.experimental import pallas as pl
from jax.experimental.pallas import tpu as pltpu

_PRE = 2000
_S = 128
_B = 16
_PAD = _B * _S
_OUT = 300
_T = 0.5


def _nms_kernel(x1r, y1r, x2r, y2r, x1c, y1c, x2c, y2c, sup_ref, iou_scr):
    iota = jax.lax.broadcasted_iota(jnp.int32, (1, _S), 1)
    for b in range(_B):
        bx1r = x1r[pl.ds(b, 1), :]
        by1r = y1r[pl.ds(b, 1), :]
        bx2r = x2r[pl.ds(b, 1), :]
        by2r = y2r[pl.ds(b, 1), :]
        area_br = (bx2r - bx1r) * (by2r - by1r)

        bx1c = x1c[pl.ds(b * _S, _S), :]
        by1c = y1c[pl.ds(b * _S, _S), :]
        bx2c = x2c[pl.ds(b * _S, _S), :]
        by2c = y2c[pl.ds(b * _S, _S), :]
        area_bc = (bx2c - bx1c) * (by2c - by1c)

        w = jnp.maximum(jnp.minimum(bx2c, bx2r) - jnp.maximum(bx1c, bx1r), 0.0)
        h = jnp.maximum(jnp.minimum(by2c, by2r) - jnp.maximum(by1c, by1r), 0.0)
        inter = w * h
        union = area_bc + area_br - inter
        iou = inter / jnp.maximum(union, 1e-9)
        iou_scr[...] = jnp.where(iou > _T, 1.0, 0.0)

        def cross_body(a, acc):
            ax1c = x1c[pl.ds(a * _S, _S), :]
            ay1c = y1c[pl.ds(a * _S, _S), :]
            ax2c = x2c[pl.ds(a * _S, _S), :]
            ay2c = y2c[pl.ds(a * _S, _S), :]
            area_ac = (ax2c - ax1c) * (ay2c - ay1c)
            w = jnp.maximum(jnp.minimum(ax2c, bx2r) - jnp.maximum(ax1c, bx1r), 0.0)
            h = jnp.maximum(jnp.minimum(ay2c, by2r) - jnp.maximum(ay1c, by1r), 0.0)
            inter = w * h
            union = area_ac + area_br - inter
            m = jnp.where(inter / jnp.maximum(union, 1e-9) > _T, 1.0, 0.0)
            keep_a = 1.0 - sup_ref[pl.ds(a, 1), :]
            return acc + jax.lax.dot_general(
                keep_a, m, (((1,), (0,)), ((), ())),
                preferred_element_type=jnp.float32)

        if b > 0:
            acc = jax.lax.fori_loop(0, b, cross_body,
                                    jnp.zeros((1, _S), jnp.float32))
            sup0 = jnp.where(acc > 0.0, 1.0, 0.0)
        else:
            sup0 = jnp.zeros((1, _S), jnp.float32)

        def within_body(i, sup):
            row = iou_scr[pl.ds(i, 1), :]
            si = jnp.sum(sup * jnp.where(iota == i, 1.0, 0.0))
            later = jnp.where(iota > i, 1.0, 0.0)
            add = row * later * jnp.where(si < 0.5, 1.0, 0.0)
            return jnp.maximum(sup, add)

        sup_b = jax.lax.fori_loop(0, _S, within_body, sup0)
        sup_ref[pl.ds(b, 1), :] = sup_b


def kernel(boxes, scores):
    top_scores, top_idx = jax.lax.top_k(scores, _PRE)
    top_boxes = jnp.take(boxes, top_idx, axis=0)
    pb = jnp.pad(top_boxes, ((0, _PAD - _PRE), (0, 0)))
    x1, y1, x2, y2 = pb[:, 0], pb[:, 1], pb[:, 2], pb[:, 3]

    def row(v):
        return v.reshape(_B, _S)

    def col(v):
        return v.reshape(_PAD, 1)

    sup = pl.pallas_call(
        _nms_kernel,
        out_shape=jax.ShapeDtypeStruct((_B, _S), jnp.float32),
        scratch_shapes=[pltpu.VMEM((_S, _S), jnp.float32)],
    )(row(x1), row(y1), row(x2), row(y2),
      col(x1), col(y1), col(x2), col(y2))

    keep = sup.reshape(_PAD)[:_PRE] < 0.5
    masked = jnp.where(keep, top_scores, jnp.full_like(top_scores, -1e6))
    out_s, out_i = jax.lax.top_k(masked, _OUT)
    out_b = jnp.take(top_boxes, out_i, axis=0)
    return jnp.concatenate([out_s[:, None], out_b], axis=1)

# --- scband reference (transcript-rebuilt; emitter-appended) ---
"""Pipeline reference for scband-network-41326175322490 (READ-ONLY COPY).

The authoritative reference and input builder live on the scoring server;
editing this copy changes nothing except your own understanding.
"""

import jax, jax.numpy as jnp
import numpy as np

N = 5000
PRE_NMS_TOPK = 2000
MAX_OUT = 300
IOU_THRESH = 0.5


def setup_inputs(seed: int = 0) -> dict:
    key = jax.random.key(seed)
    k1, k2, k3 = jax.random.split(key, 3)
    xy = jax.random.uniform(k1, (N, 2), dtype=jnp.float32) * 1000.0
    wh = jax.random.uniform(k2, (N, 2), dtype=jnp.float32) * 120.0 + 8.0
    boxes = jnp.concatenate([xy, xy + wh], axis=1).astype(jnp.float32)
    scores = jax.random.uniform(k3, (N,), dtype=jnp.float32)
    return {"boxes": boxes, "scores": scores}


def _pairwise_iou(b):
    area = (b[:, 2] - b[:, 0]) * (b[:, 3] - b[:, 1])
    lt = jnp.maximum(b[:, None, :2], b[None, :, :2])
    rb = jnp.minimum(b[:, None, 2:], b[None, :, 2:])
    wh = jnp.clip(rb - lt, 0.0, None)
    inter = wh[..., 0] * wh[..., 1]
    union = area[:, None] + area[None, :] - inter
    return inter / jnp.maximum(union, 1e-9)


def _nms_keep_mask(iou, n, thresh):
    idx = jnp.arange(n)

    def body(i, suppressed):
        row = (iou[i] > thresh) & (idx > i) & jnp.logical_not(suppressed[i])
        return suppressed | row

    suppressed = jax.lax.fori_loop(0, n, body, jnp.zeros((n,), dtype=bool))
    return jnp.logical_not(suppressed)


def reference(boxes, scores):
    # pre-NMS top-k by score (proposal_top_layer style)
    top_scores, top_idx = jax.lax.top_k(scores, PRE_NMS_TOPK)
    top_boxes = jnp.take(boxes, top_idx, axis=0)
    # greedy hard NMS over sorted proposals
    iou = _pairwise_iou(jax.lax.stop_gradient(top_boxes))
    keep = _nms_keep_mask(iou, PRE_NMS_TOPK, IOU_THRESH)
    masked_scores = jnp.where(keep, top_scores, jnp.full_like(top_scores, -1e6))
    out_scores, out_idx = jax.lax.top_k(masked_scores, MAX_OUT)
    out_boxes = jnp.take(top_boxes, out_idx, axis=0)
    return jnp.concatenate([out_scores[:, None], out_boxes], axis=1)

if __name__ == "__main__":
    import jax
    _d = setup_inputs()
    print(jax.jit(kernel)(*tuple(_d.values())))

</pallas_src>

<mosaic_0001>
module attributes {stable_mosaic.version = 14 : i64} {
  func.func @_nms_kernel(%arg0: memref<16x128xf32, #tpu.memory_space<vmem>>, %arg1: memref<16x128xf32, #tpu.memory_space<vmem>>, %arg2: memref<16x128xf32, #tpu.memory_space<vmem>>, %arg3: memref<16x128xf32, #tpu.memory_space<vmem>>, %arg4: memref<2048x1xf32, #tpu.memory_space<vmem>>, %arg5: memref<2048x1xf32, #tpu.memory_space<vmem>>, %arg6: memref<2048x1xf32, #tpu.memory_space<vmem>>, %arg7: memref<2048x1xf32, #tpu.memory_space<vmem>>, %arg8: memref<16x128xf32, #tpu.memory_space<vmem>>, %arg9: memref<128x128xf32, #tpu.memory_space<vmem>>) attributes {dimension_semantics = [], scalar_prefetch = 0 : i64, scratch_operands = 1 : i64, tpu.core_type = #tpu.core_type<tc>} {
    %iota3A = tpu.iota {dimensions = array<i32: 1>} : vector<1x128xi32>
    %get3A = arith.constant 0 : index
    %get3A_0 = arith.constant 0 : index
    %get3A_1 = vector.load %arg0[%get3A, %get3A_0] : memref<16x128xf32, #tpu.memory_space<vmem>>, vector<1x128xf32>
    %get3A_2 = arith.constant 0 : index
    %get3A_3 = arith.constant 0 : index
    %get3A_4 = vector.load %arg1[%get3A_2, %get3A_3] : memref<16x128xf32, #tpu.memory_space<vmem>>, vector<1x128xf32>
    %get3A_5 = arith.constant 0 : index
    %get3A_6 = arith.constant 0 : index
    %get3A_7 = vector.load %arg2[%get3A_5, %get3A_6] : memref<16x128xf32, #tpu.memory_space<vmem>>, vector<1x128xf32>
    %get3A_8 = arith.constant 0 : index
    %get3A_9 = arith.constant 0 : index
    %get3A_10 = vector.load %arg3[%get3A_8, %get3A_9] : memref<16x128xf32, #tpu.memory_space<vmem>>, vector<1x128xf32>
    %sub3A = arith.subf %get3A_7, %get3A_1 : vector<1x128xf32>
    %sub3A_11 = arith.subf %get3A_10, %get3A_4 : vector<1x128xf32>
    %mul3A = arith.mulf %sub3A, %sub3A_11 : vector<1x128xf32>
    %get3A_12 = arith.constant 0 : index
    %get3A_13 = arith.constant 0 : index
    %get3A_14 = vector.load %arg4[%get3A_12, %get3A_13] : memref<2048x1xf32, #tpu.memory_space<vmem>>, vector<128x1xf32>
    %get3A_15 = arith.constant 0 : index
    %get3A_16 = arith.constant 0 : index
    %get3A_17 = vector.load %arg5[%get3A_15, %get3A_16] : memref<2048x1xf32, #tpu.memory_space<vmem>>, vector<128x1xf32>
    %get3A_18 = arith.constant 0 : index
    %get3A_19 = arith.constant 0 : index
    %get3A_20 = vector.load %arg6[%get3A_18, %get3A_19] : memref<2048x1xf32, #tpu.memory_space<vmem>>, vector<128x1xf32>
    %get3A_21 = arith.constant 0 : index
    %get3A_22 = arith.constant 0 : index
    %get3A_23 = vector.load %arg7[%get3A_21, %get3A_22] : memref<2048x1xf32, #tpu.memory_space<vmem>>, vector<128x1xf32>
    %sub3A_24 = arith.subf %get3A_20, %get3A_14 : vector<128x1xf32>
    %sub3A_25 = arith.subf %get3A_23, %get3A_17 : vector<128x1xf32>
    %mul3A_26 = arith.mulf %sub3A_24, %sub3A_25 : vector<128x1xf32>
    %min3A = vector.broadcast %get3A_20 : vector<128x1xf32> to vector<128x128xf32>
    %min3A_27 = vector.broadcast %get3A_7 : vector<1x128xf32> to vector<128x128xf32>
    %min3A_28 = arith.minimumf %min3A, %min3A_27 : vector<128x128xf32>
    %max3A = vector.broadcast %get3A_14 : vector<128x1xf32> to vector<128x128xf32>
    %max3A_29 = vector.broadcast %get3A_1 : vector<1x128xf32> to vector<128x128xf32>
    %max3A_30 = arith.maximumf %max3A, %max3A_29 : vector<128x128xf32>
    %sub3A_31 = arith.subf %min3A_28, %max3A_30 : vector<128x128xf32>
    %max3A_32 = arith.constant 0.000000e+00 : f32
    %max3A_33 = vector.broadcast %max3A_32 : f32 to vector<128x128xf32>
    %max3A_34 = arith.maximumf %sub3A_31, %max3A_33 : vector<128x128xf32>
    %min3A_35 = vector.broadcast %get3A_23 : vector<128x1xf32> to vector<128x128xf32>
    %min3A_36 = vector.broadcast %get3A_10 : vector<1x128xf32> to vector<128x128xf32>
    %min3A_37 = arith.minimumf %min3A_35, %min3A_36 : vector<128x128xf32>
    %max3A_38 = vector.broadcast %get3A_17 : vector<128x1xf32> to vector<128x128xf32>
    %max3A_39 = vector.broadcast %get3A_4 : vector<1x128xf32> to vector<128x128xf32>
    %max3A_40 = arith.maximumf %max3A_38, %max3A_39 : vector<128x128xf32>
    %sub3A_41 = arith.subf %min3A_37, %max3A_40 : vector<128x128xf32>
    %max3A_42 = arith.constant 0.000000e+00 : f32
    %max3A_43 = vector.broadcast %max3A_42 : f32 to vector<128x128xf32>
    %max3A_44 = arith.maximumf %sub3A_41, %max3A_43 : vector<128x128xf32>
    %mul3A_45 = arith.mulf %max3A_34, %max3A_44 : vector<128x128xf32>
    %add3A = vector.broadcast %mul3A_26 : vector<128x1xf32> to vector<128x128xf32>
    %add3A_46 = vector.broadcast %mul3A : vector<1x128xf32> to vector<128x128xf32>
    %add3A_47 = arith.addf %add3A, %add3A_46 : vector<128x128xf32>
    %sub3A_48 = arith.subf %add3A_47, %mul3A_45 : vector<128x128xf32>
    %max3A_49 = arith.constant 9.99999971E-10 : f32
    %max3A_50 = vector.broadcast %max3A_49 : f32 to vector<128x128xf32>
    %max3A_51 = arith.maximumf %sub3A_48, %max3A_50 : vector<128x128xf32>
    %div3A = arith.divf %mul3A_45, %max3A_51 : vector<128x128xf32>
    %gt3A = arith.constant 5.000000e-01 : f32
    %gt3A_52 = vector.broadcast %gt3A : f32 to vector<128x128xf32>
    %gt3A_53 = arith.cmpf ogt, %div3A, %gt3A_52 : vector<128x128xf32>
    %jit3A = arith.constant 1.000000e+00 : f32
    %jit3A_54 = arith.constant 0.000000e+00 : f32
    %broadcast_in_dim3A = vector.broadcast %jit3A : f32 to vector<128x128xf32>
    %broadcast_in_dim3A_55 = vector.broadcast %jit3A_54 : f32 to vector<128x128xf32>
    %select_n3A = arith.select %gt3A_53, %broadcast_in_dim3A, %broadcast_in_dim3A_55 : vector<128x128xi1>, vector<128x128xf32>
    %swap3A = arith.constant 0 : index
    %swap3A_56 = arith.constant 0 : index
    %swap3A_57 = vector.load %arg9[%swap3A, %swap3A_56] : memref<128x128xf32, #tpu.memory_space<vmem>>, vector<128x128xf32>
    tpu.vector_store %arg9[%swap3A, %swap3A_56], %select_n3A {strides = array<i32>} : memref<128x128xf32, #tpu.memory_space<vmem>>, vector<128x128xf32>,
    %broadcast_in_dim3A_58 = arith.constant 0.000000e+00 : f32
    %broadcast_in_dim3A_59 = vector.broadcast %broadcast_in_dim3A_58 : f32 to vector<1x128xf32>
    %scan3A = arith.constant 0 : i32
    %scan3A_60 = arith.constant 128 : i32
    %scan3A_61 = arith.addi %scan3A, %scan3A_60 : i32
    %scan3A_62 = arith.constant 1 : i32
    %scan3A_63 = scf.for %scan3A_1557 = %scan3A to %scan3A_61 step %scan3A_62 iter_args(%scan3A_1558 = %broadcast_in_dim3A_59) -> (vector<1x128xf32>)  : i32 {
      %get3A_1559 = arith.index_cast %scan3A_1557 : i32 to index
      %get3A_1560 = arith.constant 0 : index
      %get3A_1561 = vector.load %arg9[%get3A_1559, %get3A_1560] : memref<128x128xf32, #tpu.memory_space<vmem>>, vector<1x128xf32>
      %eq3A = vector.broadcast %scan3A_1557 : i32 to vector<1x128xi32>
      %eq3A_1562 = arith.cmpi eq, %iota3A, %eq3A : vector<1x128xi32>
      %jit3A_1563 = arith.constant 1.000000e+00 : f32
      %jit3A_1564 = arith.constant 0.000000e+00 : f32
      %broadcast_in_dim3A_1565 = vector.broadcast %jit3A_1563 : f32 to vector<1x128xf32>
      %broadcast_in_dim3A_1566 = vector.broadcast %jit3A_1564 : f32 to vector<1x128xf32>
      %select_n3A_1567 = arith.select %eq3A_1562, %broadcast_in_dim3A_1565, %broadcast_in_dim3A_1566 : vector<1x128xi1>, vector<1x128xf32>
      %mul3A_1568 = arith.mulf %scan3A_1558, %select_n3A_1567 : vector<1x128xf32>
      %reduce_sum3A = vector.shape_cast %mul3A_1568 : vector<1x128xf32> to vector<1x1x128xf32>
      %reduce_sum3A_1569 = arith.constant dense<0.000000e+00> : vector<1xf32>
      %reduce_sum3A_1570 = vector.multi_reduction <add>, %reduce_sum3A, %reduce_sum3A_1569 [1, 2] : vector<1x1x128xf32> to vector<1xf32>
      %reduce_sum3A_1571 = vector.shape_cast %reduce_sum3A_1570 : vector<1xf32> to vector<1x1x1xf32>
      %reduce_sum3A_1572 = vector.extract %reduce_sum3A_1571[0, 0, 0] : f32 from vector<1x1x1xf32>
      %gt3A_1573 = vector.broadcast %scan3A_1557 : i32 to vector<1x128xi32>
      %gt3A_1574 = arith.cmpi sgt, %iota3A, %gt3A_1573 : vector<1x128xi32>
      %jit3A_1575 = arith.constant 1.000000e+00 : f32
      %jit3A_1576 = arith.constant 0.000000e+00 : f32
      %broadcast_in_dim3A_1577 = vector.broadcast %jit3A_1575 : f32 to vector<1x128xf32>
      %broadcast_in_dim3A_1578 = vector.broadcast %jit3A_1576 : f32 to vector<1x128xf32>
      %select_n3A_1579 = arith.select %gt3A_1574, %broadcast_in_dim3A_1577, %broadcast_in_dim3A_1578 : vector<1x128xi1>, vector<1x128xf32>
      %mul3A_1580 = arith.mulf %get3A_1561, %select_n3A_1579 : vector<1x128xf32>
      %lt3A = arith.constant 5.000000e-01 : f32
      %lt3A_1581 = arith.cmpf olt, %reduce_sum3A_1572, %lt3A : f32
      %jit3A_1582 = arith.constant 1.000000e+00 : f32
      %jit3A_1583 = arith.constant 0.000000e+00 : f32
      %select_n3A_1584 = arith.select %lt3A_1581, %jit3A_1582, %jit3A_1583 : f32
      %mul3A_1585 = vector.broadcast %select_n3A_1584 : f32 to vector<1x128xf32>
      %mul3A_1586 = arith.mulf %mul3A_1580, %mul3A_1585 : vector<1x128xf32>
      %max3A_1587 = arith.maximumf %scan3A_1558, %mul3A_1586 : vector<1x128xf32>
      scf.yield %max3A_1587 : vector<1x128xf32>
    }
    %scan3A_64 = arith.constant 128 : i32
    %swap3A_65 = arith.constant 0 : index
    %swap3A_66 = arith.constant 0 : index
    %swap3A_67 = vector.load %arg8[%swap3A_65, %swap3A_66] : memref<16x128xf32, #tpu.memory_space<vmem>>, vector<1x128xf32>
    tpu.vector_store %arg8[%swap3A_65, %swap3A_66], %scan3A_63 {strides = array<i32>} : memref<16x128xf32, #tpu.memory_space<vmem>>, vector<1x128xf32>,
    %get3A_68 = arith.constant 1 : index
    %get3A_69 = arith.constant 0 : index
    %get3A_70 = vector.load %arg0[%get3A_68, %get3A_69] : memref<16x128xf32, #tpu.memory_space<vmem>>, vector<1x128xf32>
    %get3A_71 = arith.constant 1 : index
    %get3A_72 = arith.constant 0 : index
    %get3A_73 = vector.load %arg1[%get3A_71, %get3A_72] : memref<16x128xf32, #tpu.memory_space<vmem>>, vector<1x128xf32>
    %get3A_74 = arith.constant 1 : index
    %get3A_75 = arith.constant 0 : index
    %get3A_76 = vector.load %arg2[%get3A_74, %get3A_75] : memref<16x128xf32, #tpu.memory_space<vmem>>, vector<1x128xf32>
    %get3A_77 = arith.constant 1 : index
    %get3A_78 = arith.constant 0 : index
    %get3A_79 = vector.load %arg3[%get3A_77, %get3A_78] : memref<16x128xf32, #tpu.memory_space<vmem>>, vector<1x128xf32>
    %sub3A_80 = arith.subf %get3A_76, %get3A_70 : vector<1x128xf32>
    %sub3A_81 = arith.subf %get3A_79, %get3A_73 : vector<1x128xf32>
    %mul3A_82 = arith.mulf %sub3A_80, %sub3A_81 : vector<1x128xf32>
    %get3A_83 = arith.constant 128 : index
    %get3A_84 = arith.constant 0 : index
    %get3A_85 = vector.load %arg4[%get3A_83, %get3A_84] : memref<2048x1xf32, #tpu.memory_space<vmem>>, vector<128x1xf32>
    %get3A_86 = arith.constant 128 : index
    %get3A_87 = arith.constant 0 : index
    %get3A_88 = vector.load %arg5[%get3A_86, %get3A_87] : memref<2048x1xf32, #tpu.memory_space<vmem>>, vector<128x1xf32>
    %get3A_89 = arith.constant 128 : index
    %get3A_90 = arith.constant 0 : index
    %get3A_91 = vector.load %arg6[%get3A_89, %get3A_90] : memref<2048x1xf32, #tpu.memory_space<vmem>>, vector<128x1xf32>
    %get3A_92 = arith.constant 128 : index
    %get3A_93 = arith.constant 0 : index
    %get3A_94 = vector.load %arg7[%get3A_92, %get3A_93] : memref<2048x1xf32, #tpu.memory_space<vmem>>, vector<128x1xf32>
    %sub3A_95 = arith.subf %get3A_91, %get3A_85 : vector<128x1xf32>
    %sub3A_96 = arith.subf %get3A_94, %get3A_88 : vector<128x1xf32>
    %mul3A_97 = arith.mulf %sub3A_95, %sub3A_96 : vector<128x1xf32>
    %min3A_98 = vector.broadcast %get3A_91 : vector<128x1xf32> to vector<128x128xf32>
    %min3A_99 = vector.broadcast %get3A_76 : vector<1x128xf32> to vector<128x128xf32>
    %min3A_100 = arith.minimumf %min3A_98, %min3A_99 : vector<128x128xf32>
    %max3A_101 = vector.broadcast %get3A_85 : vector<128x1xf32> to vector<128x128xf32>
    %max3A_102 = vector.broadcast %get3A_70 : vector<1x128xf32> to vector<128x128xf32>
    %max3A_103 = arith.maximumf %max3A_101, %max3A_102 : vector<128x128xf32>
    %sub3A_104 = arith.subf %min3A_100, %max3A_103 : vector<128x128xf32>
    %max3A_105 = arith.constant 0.000000e+00 : f32
    %max3A_106 = vector.broadcast %max3A_105 : f32 to vector<128x128xf32>
    %max3A_107 = arith.maximumf %sub3A_104, %max3A_106 : vector<128x128xf32>
    %min3A_108 = vector.broadcast %get3A_94 : vector<128x1xf32> to vector<128x128xf32>
    %min3A_109 = vector.broadcast %get3A_79 : vector<1x128xf32> to vector<128x128xf32>
    %min3A_110 = arith.minimumf %min3A_108, %min3A_109 : vector<128x128xf32>
    %max3A_111 = vector.broadcast %get3A_88 : vector<128x1xf32> to vector<128x128xf32>
    %max3A_112 = vector.broadcast %get3A_73 : vector<1x128xf32> to vector<128x128xf32>
    %max3A_113 = arith.maximumf %max3A_111, %max3A_112 : vector<128x128xf32>
    %sub3A_114 = arith.subf %min3A_110, %max3A_113 : vector<128x128xf32>
    %max3A_115 = arith.constant 0.000000e+00 : f32
    %max3A_116 = vector.broadcast %max3A_115 : f32 to vector<128x128xf32>
    %max3A_117 = arith.maximumf %sub3A_114, %max3A_116 : vector<128x128xf32>
    %mul3A_118 = arith.mulf %max3A_107, %max3A_117 : vector<128x128xf32>
    %add3A_119 = vector.broadcast %mul3A_97 : vector<128x1xf32> to vector<128x128xf32>
    %add3A_120 = vector.broadcast %mul3A_82 : vector<1x128xf32> to vector<128x128xf32>
    %add3A_121 = arith.addf %add3A_119, %add3A_120 : vector<128x128xf32>
    %sub3A_122 = arith.subf %add3A_121, %mul3A_118 : vector<128x128xf32>
    %max3A_123 = arith.constant 9.99999971E-10 : f32
    %max3A_124 = vector.broadcast %max3A_123 : f32 to vector<128x128xf32>
    %max3A_125 = arith.maximumf %sub3A_122, %max3A_124 : vector<128x128xf32>
    %div3A_126 = arith.divf %mul3A_118, %max3A_125 : vector<128x128xf32>
    %gt3A_127 = arith.constant 5.000000e-01 : f32
    %gt3A_128 = vector.broadcast %gt3A_127 : f32 to vector<128x128xf32>
    %gt3A_129 = arith.cmpf ogt, %div3A_126, %gt3A_128 : vector<128x128xf32>
    %jit3A_130 = arith.constant 1.000000e+00 : f32
    %jit3A_131 = arith.constant 0.000000e+00 : f32
    %broadcast_in_dim3A_132 = vector.broadcast %jit3A_130 : f32 to vector<128x128xf32>
    %broadcast_in_dim3A_133 = vector.broadcast %jit3A_131 : f32 to vector<128x128xf32>
    %select_n3A_134 = arith.select %gt3A_129, %broadcast_in_dim3A_132, %broadcast_in_dim3A_133 : vector<128x128xi1>, vector<128x128xf32>
    %swap3A_135 = arith.constant 0 : index
    %swap3A_136 = arith.constant 0 : index
    %swap3A_137 = vector.load %arg9[%swap3A_135, %swap3A_136] : memref<128x128xf32, #tpu.memory_space<vmem>>, vector<128x128xf32>
    tpu.vector_store %arg9[%swap3A_135, %swap3A_136], %select_n3A_134 {strides = array<i32>} : memref<128x128xf32, #tpu.memory_space<vmem>>, vector<128x128xf32>,
    %broadcast_in_dim3A_138 = arith.constant 0.000000e+00 : f32
    %broadcast_in_dim3A_139 = vector.broadcast %broadcast_in_dim3A_138 : f32 to vector<1x128xf32>
    %scan3A_140 = arith.constant 0 : i32
    %mul3A_141 = arith.constant 128 : i32
    %mul3A_142 = arith.muli %scan3A_140, %mul3A_141 : i32
    %get3A_143 = arith.index_cast %mul3A_142 : i32 to index
    %get3A_144 = arith.constant 0 : index
    %get3A_145 = vector.load %arg4[%get3A_143, %get3A_144] : memref<2048x1xf32, #tpu.memory_space<vmem>>, vector<128x1xf32>
    %mul3A_146 = arith.constant 128 : i32
    %mul3A_147 = arith.muli %scan3A_140, %mul3A_146 : i32
    %get3A_148 = arith.index_cast %mul3A_147 : i32 to index
    %get3A_149 = arith.constant 0 : index
    %get3A_150 = vector.load %arg5[%get3A_148, %get3A_149] : memref<2048x1xf32, #tpu.memory_space<vmem>>, vector<128x1xf32>
    %mul3A_151 = arith.constant 128 : i32
    %mul3A_152 = arith.muli %scan3A_140, %mul3A_151 : i32
    %get3A_153 = arith.index_cast %mul3A_152 : i32 to index
    %get3A_154 = arith.constant 0 : index
    %get3A_155 = vector.load %arg6[%get3A_153, %get3A_154] : memref<2048x1xf32, #tpu.memory_space<vmem>>, vector<128x1xf32>
    %mul3A_156 = arith.constant 128 : i32
    %mul3A_157 = arith.muli %scan3A_140, %mul3A_156 : i32
    %get3A_158 = arith.index_cast %mul3A_157 : i32 to index
    %get3A_159 = arith.constant 0 : index
    %get3A_160 = vector.load %arg7[%get3A_158, %get3A_159] : memref<2048x1xf32, #tpu.memory_space<vmem>>, vector<128x1xf32>
    %sub3A_161 = arith.subf %get3A_155, %get3A_145 : vector<128x1xf32>
    %sub3A_162 = arith.subf %get3A_160, %get3A_150 : vector<128x1xf32>
    %mul3A_163 = arith.mulf %sub3A_161, %sub3A_162 : vector<128x1xf32>
    %min3A_164 = vector.broadcast %get3A_155 : vector<128x1xf32> to vector<128x128xf32>
    %min3A_165 = vector.broadcast %get3A_76 : vector<1x128xf32> to vector<128x128xf32>
    %min3A_166 = arith.minimumf %min3A_164, %min3A_165 : vector<128x128xf32>
    %max3A_167 = vector.broadcast %get3A_145 : vector<128x1xf32> to vector<128x128xf32>
    %max3A_168 = vector.broadcast %get3A_70 : vector<1x128xf32> to vector<128x128xf32>
    %max3A_169 = arith.maximumf %max3A_167, %max3A_168 : vector<128x128xf32>
    %sub3A_170 = arith.subf %min3A_166, %max3A_169 : vector<128x128xf32>
    %max3A_171 = arith.constant 0.000000e+00 : f32
    %max3A_172 = vector.broadcast %max3A_171 : f32 to vector<128x128xf32>
    %max3A_173 = arith.maximumf %sub3A_170, %max3A_172 : vector<128x128xf32>
    %min3A_174 = vector.broadcast %get3A_160 : vector<128x1xf32> to vector<128x128xf32>
    %min3A_175 = vector.broadcast %get3A_79 : vector<1x128xf32> to vector<128x128xf32>
    %min3A_176 = arith.minimumf %min3A_174, %min3A_175 : vector<128x128xf32>
    %max3A_177 = vector.broadcast %get3A_150 : vector<128x1xf32> to vector<128x128xf32>
    %max3A_178 = vector.broadcast %get3A_73 : vector<1x128xf32> to vector<128x128xf32>
    %max3A_179 = arith.maximumf %max3A_177, %max3A_178 : vector<128x128xf32>
    %sub3A_180 = arith.subf %min3A_176, %max3A_179 : vector<128x128xf32>
    %max3A_181 = arith.constant 0.000000e+00 : f32
    %max3A_182 = vector.broadcast %max3A_181 : f32 to vector<128x128xf32>
    %max3A_183 = arith.maximumf %sub3A_180, %max3A_182 : vector<128x128xf32>
    %mul3A_184 = arith.mulf %max3A_173, %max3A_183 : vector<128x128xf32>
    %add3A_185 = vector.broadcast %mul3A_163 : vector<128x1xf32> to vector<128x128xf32>
    %add3A_186 = vector.broadcast %mul3A_82 : vector<1x128xf32> to vector<128x128xf32>
    %add3A_187 = arith.addf %add3A_185, %add3A_186 : vector<128x128xf32>
    %sub3A_188 = arith.subf %add3A_187, %mul3A_184 : vector<128x128xf32>
    %max3A_189 = arith.constant 9.99999971E-10 : f32
    %max3A_190 = vector.broadcast %max3A_189 : f32 to vector<128x128xf32>
    %max3A_191 = arith.maximumf %sub3A_188, %max3A_190 : vector<128x128xf32>
    %div3A_192 = arith.divf %mul3A_184, %max3A_191 : vector<128x128xf32>
    %gt3A_193 = arith.constant 5.000000e-01 : f32
    %gt3A_194 = vector.broadcast %gt3A_193 : f32 to vector<128x128xf32>
    %gt3A_195 = arith.cmpf ogt, %div3A_192, %gt3A_194 : vector<128x128xf32>
    %jit3A_196 = arith.constant 1.000000e+00 : f32
    %jit3A_197 = arith.constant 0.000000e+00 : f32
    %broadcast_in_dim3A_198 = vector.broadcast %jit3A_196 : f32 to vector<128x128xf32>
    %broadcast_in_dim3A_199 = vector.broadcast %jit3A_197 : f32 to vector<128x128xf32>
    %select_n3A_200 = arith.select %gt3A_195, %broadcast_in_dim3A_198, %broadcast_in_dim3A_199 : vector<128x128xi1>, vector<128x128xf32>
    %get3A_201 = arith.index_cast %scan3A_140 : i32 to index
    %get3A_202 = arith.constant 0 : index
    %get3A_203 = vector.load %arg8[%get3A_201, %get3A_202] : memref<16x128xf32, #tpu.memory_space<vmem>>, vector<1x128xf32>
    %sub3A_204 = arith.constant 1.000000e+00 : f32
    %sub3A_205 = vector.broadcast %sub3A_204 : f32 to vector<1x128xf32>
    %sub3A_206 = arith.subf %sub3A_205, %get3A_203 : vector<1x128xf32>
    %dot_general3A = arith.constant dense<0.000000e+00> : vector<1x128xf32>
    %dot_general3A_207 = tpu.matmul %sub3A_206, %select_n3A_200, %dot_general3A {dimension_numbers = #tpu.dot_dimension_numbers<[1], [0], [0], [1], [0, 0, 1, 1], [], []>, transpose_lhs_hint = false} : vector<1x128xf32>, vector<128x128xf32>, vector<1x128xf32> -> vector<1x128xf32>
    %add3A_208 = arith.addf %broadcast_in_dim3A_139, %dot_general3A_207 : vector<1x128xf32>
    %scan3A_209 = arith.constant 1 : i32
    %gt3A_210 = arith.constant 0.000000e+00 : f32
    %gt3A_211 = vector.broadcast %gt3A_210 : f32 to vector<1x128xf32>
    %gt3A_212 = arith.cmpf ogt, %add3A_208, %gt3A_211 : vector<1x128xf32>
    %jit3A_213 = arith.constant 1.000000e+00 : f32
    %jit3A_214 = arith.constant 0.000000e+00 : f32
    %broadcast_in_dim3A_215 = vector.broadcast %jit3A_213 : f32 to vector<1x128xf32>
    %broadcast_in_dim3A_216 = vector.broadcast %jit3A_214 : f32 to vector<1x128xf32>
    %select_n3A_217 = arith.select %gt3A_212, %broadcast_in_dim3A_215, %broadcast_in_dim3A_216 : vector<1x128xi1>, vector<1x128xf32>
    %scan3A_218 = arith.constant 0 : i32
    %scan3A_219 = arith.constant 128 : i32
    %scan3A_220 = arith.addi %scan3A_218, %scan3A_219 : i32
    %scan3A_221 = arith.constant 1 : i32
    %scan3A_222 = scf.for %scan3A_1557 = %scan3A_218 to %scan3A_220 step %scan3A_221 iter_args(%scan3A_1558 = %select_n3A_217) -> (vector<1x128xf32>)  : i32 {
      %get3A_1559 = arith.index_cast %scan3A_1557 : i32 to index
      %get3A_1560 = arith.constant 0 : index
      %get3A_1561 = vector.load %arg9[%get3A_1559, %get3A_1560] : memref<128x128xf32, #tpu.memory_space<vmem>>, vector<1x128xf32>
      %eq3A = vector.broadcast %scan3A_1557 : i32 to vector<1x128xi32>
      %eq3A_1562 = arith.cmpi eq, %iota3A, %eq3A : vector<1x128xi32>
      %jit3A_1563 = arith.constant 1.000000e+00 : f32
      %jit3A_1564 = arith.constant 0.000000e+00 : f32
      %broadcast_in_dim3A_1565 = vector.broadcast %jit3A_1563 : f32 to vector<1x128xf32>
      %broadcast_in_dim3A_1566 = vector.broadcast %jit3A_1564 : f32 to vector<1x128xf32>
      %select_n3A_1567 = arith.select %eq3A_1562, %broadcast_in_dim3A_1565, %broadcast_in_dim3A_1566 : vector<1x128xi1>, vector<1x128xf32>
      %mul3A_1568 = arith.mulf %scan3A_1558, %select_n3A_1567 : vector<1x128xf32>
      %reduce_sum3A = vector.shape_cast %mul3A_1568 : vector<1x128xf32> to vector<1x1x128xf32>
      %reduce_sum3A_1569 = arith.constant dense<0.000000e+00> : vector<1xf32>
      %reduce_sum3A_1570 = vector.multi_reduction <add>, %reduce_sum3A, %reduce_sum3A_1569 [1, 2] : vector<1x1x128xf32> to vector<1xf32>
      %reduce_sum3A_1571 = vector.shape_cast %reduce_sum3A_1570 : vector<1xf32> to vector<1x1x1xf32>
      %reduce_sum3A_1572 = vector.extract %reduce_sum3A_1571[0, 0, 0] : f32 from vector<1x1x1xf32>
      %gt3A_1573 = vector.broadcast %scan3A_1557 : i32 to vector<1x128xi32>
      %gt3A_1574 = arith.cmpi sgt, %iota3A, %gt3A_1573 : vector<1x128xi32>
      %jit3A_1575 = arith.constant 1.000000e+00 : f32
      %jit3A_1576 = arith.constant 0.000000e+00 : f32
      %broadcast_in_dim3A_1577 = vector.broadcast %jit3A_1575 : f32 to vector<1x128xf32>
      %broadcast_in_dim3A_1578 = vector.broadcast %jit3A_1576 : f32 to vector<1x128xf32>
      %select_n3A_1579 = arith.select %gt3A_1574, %broadcast_in_dim3A_1577, %broadcast_in_dim3A_1578 : vector<1x128xi1>, vector<1x128xf32>
      %mul3A_1580 = arith.mulf %get3A_1561, %select_n3A_1579 : vector<1x128xf32>
      %lt3A = arith.constant 5.000000e-01 : f32
      %lt3A_1581 = arith.cmpf olt, %reduce_sum3A_1572, %lt3A : f32
      %jit3A_1582 = arith.constant 1.000000e+00 : f32
      %jit3A_1583 = arith.constant 0.000000e+00 : f32
      %select_n3A_1584 = arith.select %lt3A_1581, %jit3A_1582, %jit3A_1583 : f32
      %mul3A_1585 = vector.broadcast %select_n3A_1584 : f32 to vector<1x128xf32>
      %mul3A_1586 = arith.mulf %mul3A_1580, %mul3A_1585 : vector<1x128xf32>
      %max3A_1587 = arith.maximumf %scan3A_1558, %mul3A_1586 : vector<1x128xf32>
      scf.yield %max3A_1587 : vector<1x128xf32>
    }
    %scan3A_223 = arith.constant 128 : i32
    %swap3A_224 = arith.constant 1 : index
    %swap3A_225 = arith.constant 0 : index
    %swap3A_226 = vector.load %arg8[%swap3A_224, %swap3A_225] : memref<16x128xf32, #tpu.memory_space<vmem>>, vector<1x128xf32>
    tpu.vector_store %arg8[%swap3A_224, %swap3A_225], %scan3A_222 {strides = array<i32>} : memref<16x128xf32, #tpu.memory_space<vmem>>, vector<1x128xf32>,
    %get3A_227 = arith.constant 2 : index
    %get3A_228 = arith.constant 0 : index
    %get3A_229 = vector.load %arg0[%get3A_227, %get3A_228] : memref<16x128xf32, #tpu.memory_space<vmem>>, vector<1x128xf32>
    %get3A_230 = arith.constant 2 : index
    %get3A_231 = arith.constant 0 : index
    %get3A_232 = vector.load %arg1[%get3A_230, %get3A_231] : memref<16x128xf32, #tpu.memory_space<vmem>>, vector<1x128xf32>
    %get3A_233 = arith.constant 2 : index
    %get3A_234 = arith.constant 0 : index
    %get3A_235 = vector.load %arg2[%get3A_233, %get3A_234] : memref<16x128xf32, #tpu.memory_space<vmem>>, vector<1x128xf32>
    %get3A_236 = arith.constant 2 : index
    %get3A_237 = arith.constant 0 : index
    %get3A_238 = vector.load %arg3[%get3A_236, %get3A_237] : memref<16x128xf32, #tpu.memory_space<vmem>>, vector<1x128xf32>
    %sub3A_239 = arith.subf %get3A_235, %get3A_229 : vector<1x128xf32>
    %sub3A_240 = arith.subf %get3A_238, %get3A_232 : vector<1x128xf32>
    %mul3A_241 = arith.mulf %sub3A_239, %sub3A_240 : vector<1x128xf32>
    %get3A_242 = arith.constant 256 : index
    %get3A_243 = arith.constant 0 : index
    %get3A_244 = vector.load %arg4[%get3A_242, %get3A_243] : memref<2048x1xf32, #tpu.memory_space<vmem>>, vector<128x1xf32>
    %get3A_245 = arith.constant 256 : index
    %get3A_246 = arith.constant 0 : index
    %get3A_247 = vector.load %arg5[%get3A_245, %get3A_246] : memref<2048x1xf32, #tpu.memory_space<vmem>>, vector<128x1xf32>
    %get3A_248 = arith.constant 256 : index
    %get3A_249 = arith.constant 0 : index
    %get3A_250 = vector.load %arg6[%get3A_248, %get3A_249] : memref<2048x1xf32, #tpu.memory_space<vmem>>, vector<128x1xf32>
    %get3A_251 = arith.constant 256 : index
    %get3A_252 = arith.constant 0 : index
    %get3A_253 = vector.load %arg7[%get3A_251, %get3A_252] : memref<2048x1xf32, #tpu.memory_space<vmem>>, vector<128x1xf32>
    %sub3A_254 = arith.subf %get3A_250, %get3A_244 : vector<128x1xf32>
    %sub3A_255 = arith.subf %get3A_253, %get3A_247 : vector<128x1xf32>
    %mul3A_256 = arith.mulf %sub3A_254, %sub3A_255 : vector<128x1xf32>
    %min3A_257 = vector.broadcast %get3A_250 : vector<128x1xf32> to vector<128x128xf32>
    %min3A_258 = vector.broadcast %get3A_235 : vector<1x128xf32> to vector<128x128xf32>
    %min3A_259 = arith.minimumf %min3A_257, %min3A_258 : vector<128x128xf32>
    %max3A_260 = vector.broadcast %get3A_244 : vector<128x1xf32> to vector<128x128xf32>
    %max3A_261 = vector.broadcast %get3A_229 : vector<1x128xf32> to vector<128x128xf32>
    %max3A_262 = arith.maximumf %max3A_260, %max3A_261 : vector<128x128xf32>
    %sub3A_263 = arith.subf %min3A_259, %max3A_262 : vector<128x128xf32>
    %max3A_264 = arith.constant 0.000000e+00 : f32
    %max3A_265 = vector.broadcast %max3A_264 : f32 to vector<128x128xf32>
    %max3A_266 = arith.maximumf %sub3A_263, %max3A_265 : vector<128x128xf32>
    %min3A_267 = vector.broadcast %get3A_253 : vector<128x1xf32> to vector<128x128xf32>
    %min3A_268 = vector.broadcast %get3A_238 : vector<1x128xf32> to vector<128x128xf32>
    %min3A_269 = arith.minimumf %min3A_267, %min3A_268 : vector<128x128xf32>
    %max3A_270 = vector.broadcast %get3A_247 : vector<128x1xf32> to vector<128x128xf32>
    %max3A_271 = vector.broadcast %get3A_232 : vector<1x128xf32> to vector<128x128xf32>
    %max3A_272 = arith.maximumf %max3A_270, %max3A_271 : vector<128x128xf32>
    %sub3A_273 = arith.subf %min3A_269, %max3A_272 : vector<128x128xf32>
    %max3A_274 = arith.constant 0.000000e+00 : f32
    %max3A_275 = vector.broadcast %max3A_274 : f32 to vector<128x128xf32>
    %max3A_276 = arith.maximumf %sub3A_273, %max3A_275 : vector<128x128xf32>
    %mul3A_277 = arith.mulf %max3A_266, %max3A_276 : vector<128x128xf32>
    %add3A_278 = vector.broadcast %mul3A_256 : vector<128x1xf32> to vector<128x128xf32>
    %add3A_279 = vector.broadcast %mul3A_241 : vector<1x128xf32> to vector<128x128xf32>
    %add3A_280 = arith.addf %add3A_278, %add3A_279 : vector<128x128xf32>
    %sub3A_281 = arith.subf %add3A_280, %mul3A_277 : vector<128x128xf32>
    %max3A_282 = arith.constant 9.99999971E-10 : f32
    %max3A_283 = vector.broadcast %max3A_282 : f32 to vector<128x128xf32>
    %max3A_284 = arith.maximumf %sub3A_281, %max3A_283 : vector<128x128xf32>
    %div3A_285 = arith.divf %mul3A_277, %max3A_284 : vector<128x128xf32>
    %gt3A_286 = arith.constant 5.000000e-01 : f32
    %gt3A_287 = vector.broadcast %gt3A_286 : f32 to vector<128x128xf32>
    %gt3A_288 = arith.cmpf ogt, %div3A_285, %gt3A_287 : vector<128x128xf32>
    %jit3A_289 = arith.constant 1.000000e+00 : f32
    %jit3A_290 = arith.constant 0.000000e+00 : f32
    %broadcast_in_dim3A_291 = vector.broadcast %jit3A_289 : f32 to vector<128x128xf32>
    %broadcast_in_dim3A_292 = vector.broadcast %jit3A_290 : f32 to vector<128x128xf32>
    %select_n3A_293 = arith.select %gt3A_288, %broadcast_in_dim3A_291, %broadcast_in_dim3A_292 : vector<128x128xi1>, vector<128x128xf32>
    %swap3A_294 = arith.constant 0 : index
    %swap3A_295 = arith.constant 0 : index
    %swap3A_296 = vector.load %arg9[%swap3A_294, %swap3A_295] : memref<128x128xf32, #tpu.memory_space<vmem>>, vector<128x128xf32>
    tpu.vector_store %arg9[%swap3A_294, %swap3A_295], %select_n3A_293 {strides = array<i32>} : memref<128x128xf32, #tpu.memory_space<vmem>>, vector<128x128xf32>,
    %broadcast_in_dim3A_297 = arith.constant 0.000000e+00 : f32
    %broadcast_in_dim3A_298 = vector.broadcast %broadcast_in_dim3A_297 : f32 to vector<1x128xf32>
    %scan3A_299 = arith.constant 0 : i32
    %scan3A_300 = arith.constant 2 : i32
    %scan3A_301 = arith.addi %scan3A_299, %scan3A_300 : i32
    %scan3A_302 = arith.constant 1 : i32
    %scan3A_303 = scf.for %scan3A_1557 = %scan3A_299 to %scan3A_301 step %scan3A_302 iter_args(%scan3A_1558 = %broadcast_in_dim3A_298) -> (vector<1x128xf32>)  : i32 {
      %mul3A_1559 = arith.constant 128 : i32
      %mul3A_1560 = arith.muli %scan3A_1557, %mul3A_1559 : i32
      %get3A_1561 = arith.index_cast %mul3A_1560 : i32 to index
      %get3A_1562 = arith.constant 0 : index
      %get3A_1563 = vector.load %arg4[%get3A_1561, %get3A_1562] : memref<2048x1xf32, #tpu.memory_space<vmem>>, vector<128x1xf32>
      %mul3A_1564 = arith.constant 128 : i32
      %mul3A_1565 = arith.muli %scan3A_1557, %mul3A_1564 : i32
      %get3A_1566 = arith.index_cast %mul3A_1565 : i32 to index
      %get3A_1567 = arith.constant 0 : index
      %get3A_1568 = vector.load %arg5[%get3A_1566, %get3A_1567] : memref<2048x1xf32, #tpu.memory_space<vmem>>, vector<128x1xf32>
      %mul3A_1569 = arith.constant 128 : i32
      %mul3A_1570 = arith.muli %scan3A_1557, %mul3A_1569 : i32
      %get3A_1571 = arith.index_cast %mul3A_1570 : i32 to index
      %get3A_1572 = arith.constant 0 : index
      %get3A_1573 = vector.load %arg6[%get3A_1571, %get3A_1572] : memref<2048x1xf32, #tpu.memory_space<vmem>>, vector<128x1xf32>
      %mul3A_1574 = arith.constant 128 : i32
      %mul3A_1575 = arith.muli %scan3A_1557, %mul3A_1574 : i32
      %get3A_1576 = arith.index_cast %mul3A_1575 : i32 to index
      %get3A_1577 = arith.constant 0 : index
      %get3A_1578 = vector.load %arg7[%get3A_1576, %get3A_1577] : memref<2048x1xf32, #tpu.memory_space<vmem>>, vector<128x1xf32>
      %sub3A_1579 = arith.subf %get3A_1573, %get3A_1563 : vector<128x1xf32>
      %sub3A_1580 = arith.subf %get3A_1578, %get3A_1568 : vector<128x1xf32>
      %mul3A_1581 = arith.mulf %sub3A_1579, %sub3A_1580 : vector<128x1xf32>
      %min3A_1582 = vector.broadcast %get3A_1573 : vector<128x1xf32> to vector<128x128xf32>
      %min3A_1583 = vector.broadcast %get3A_235 : vector<1x128xf32> to vector<128x128xf32>
      %min3A_1584 = arith.minimumf %min3A_1582, %min3A_1583 : vector<128x128xf32>
      %max3A_1585 = vector.broadcast %get3A_1563 : vector<128x1xf32> to vector<128x128xf32>
      %max3A_1586 = vector.broadcast %get3A_229 : vector<1x128xf32> to vector<128x128xf32>
      %max3A_1587 = arith.maximumf %max3A_1585, %max3A_1586 : vector<128x128xf32>
      %sub3A_1588 = arith.subf %min3A_1584, %max3A_1587 : vector<128x128xf32>
      %max3A_1589 = arith.constant 0.000000e+00 : f32
      %max3A_1590 = vector.broadcast %max3A_1589 : f32 to vector<128x128xf32>
      %max3A_1591 = arith.maximumf %sub3A_1588, %max3A_1590 : vector<128x128xf32>
      %min3A_1592 = vector.broadcast %get3A_1578 : vector<128x1xf32> to vector<128x128xf32>
      %min3A_1593 = vector.broadcast %get3A_238 : vector<1x128xf32> to vector<128x128xf32>
      %min3A_1594 = arith.minimumf %min3A_1592, %min3A_1593 : vector<128x128xf32>
      %max3A_1595 = vector.broadcast %get3A_1568 : vector<128x1xf32> to vector<128x128xf32>
      %max3A_1596 = vector.broadcast %get3A_232 : vector<1x128xf32> to vector<128x128xf32>
      %max3A_1597 = arith.maximumf %max3A_1595, %max3A_1596 : vector<128x128xf32>
      %sub3A_1598 = arith.subf %min3A_1594, %max3A_1597 : vector<128x128xf32>
      %max3A_1599 = arith.constant 0.000000e+00 : f32
      %max3A_1600 = vector.broadcast %max3A_1599 : f32 to vector<128x128xf32>
      %max3A_1601 = arith.maximumf %sub3A_1598, %max3A_1600 : vector<128x128xf32>
      %mul3A_1602 = arith.mulf %max3A_1591, %max3A_1601 : vector<128x128xf32>
      %add3A_1603 = vector.broadcast %mul3A_1581 : vector<128x1xf32> to vector<128x128xf32>
      %add3A_1604 = vector.broadcast %mul3A_241 : vector<1x128xf32> to vector<128x128xf32>
      %add3A_1605 = arith.addf %add3A_1603, %add3A_1604 : vector<128x128xf32>
      %sub3A_1606 = arith.subf %add3A_1605, %mul3A_1602 : vector<128x128xf32>
      %max3A_1607 = arith.constant 9.99999971E-10 : f32
      %max3A_1608 = vector.broadcast %max3A_1607 : f32 to vector<128x128xf32>
      %max3A_1609 = arith.maximumf %sub3A_1606, %max3A_1608 : vector<128x128xf32>
      %div3A_1610 = arith.divf %mul3A_1602, %max3A_1609 : vector<128x128xf32>
      %gt3A_1611 = arith.constant 5.000000e-01 : f32
      %gt3A_1612 = vector.broadcast %gt3A_1611 : f32 to vector<128x128xf32>
      %gt3A_1613 = arith.cmpf ogt, %div3A_1610, %gt3A_1612 : vector<128x128xf32>
      %jit3A_1614 = arith.constant 1.000000e+00 : f32
      %jit3A_1615 = arith.constant 0.000000e+00 : f32
      %broadcast_in_dim3A_1616 = vector.broadcast %jit3A_1614 : f32 to vector<128x128xf32>
      %broadcast_in_dim3A_1617 = vector.broadcast %jit3A_1615 : f32 to vector<128x128xf32>
      %select_n3A_1618 = arith.select %gt3A_1613, %broadcast_in_dim3A_1616, %broadcast_in_dim3A_1617 : vector<128x128xi1>, vector<128x128xf32>
      %get3A_1619 = arith.index_cast %scan3A_1557 : i32 to index
      %get3A_1620 = arith.constant 0 : index
      %get3A_1621 = vector.load %arg8[%get3A_1619, %get3A_1620] : memref<16x128xf32, #tpu.memory_space<vmem>>, vector<1x128xf32>
      %sub3A_1622 = arith.constant 1.000000e+00 : f32
      %sub3A_1623 = vector.broadcast %sub3A_1622 : f32 to vector<1x128xf32>
      %sub3A_1624 = arith.subf %sub3A_1623, %get3A_1621 : vector<1x128xf32>
      %dot_general3A_1625 = arith.constant dense<0.000000e+00> : vector<1x128xf32>
      %dot_general3A_1626 = tpu.matmul %sub3A_1624, %select_n3A_1618, %dot_general3A_1625 {dimension_numbers = #tpu.dot_dimension_numbers<[1], [0], [0], [1], [0, 0, 1, 1], [], []>, transpose_lhs_hint = false} : vector<1x128xf32>, vector<128x128xf32>, vector<1x128xf32> -> vector<1x128xf32>
      %add3A_1627 = arith.addf %scan3A_1558, %dot_general3A_1626 : vector<1x128xf32>
      scf.yield %add3A_1627 : vector<1x128xf32>
    }
    %scan3A_304 = arith.constant 2 : i32
    %gt3A_305 = arith.constant 0.000000e+00 : f32
    %gt3A_306 = vector.broadcast %gt3A_305 : f32 to vector<1x128xf32>
    %gt3A_307 = arith.cmpf ogt, %scan3A_303, %gt3A_306 : vector<1x128xf32>
    %jit3A_308 = arith.constant 1.000000e+00 : f32
    %jit3A_309 = arith.constant 0.000000e+00 : f32
    %broadcast_in_dim3A_310 = vector.broadcast %jit3A_308 : f32 to vector<1x128xf32>
    %broadcast_in_dim3A_311 = vector.broadcast %jit3A_309 : f32 to vector<1x128xf32>
    %select_n3A_312 = arith.select %gt3A_307, %broadcast_in_dim3A_310, %broadcast_in_dim3A_311 : vector<1x128xi1>, vector<1x128xf32>
    %scan3A_313 = arith.constant 0 : i32
    %scan3A_314 = arith.constant 128 : i32
    %scan3A_315 = arith.addi %scan3A_313, %scan3A_314 : i32
    %scan3A_316 = arith.constant 1 : i32
    %scan3A_317 = scf.for %scan3A_1557 = %scan3A_313 to %scan3A_315 step %scan3A_316 iter_args(%scan3A_1558 = %select_n3A_312) -> (vector<1x128xf32>)  : i32 {
      %get3A_1559 = arith.index_cast %scan3A_1557 : i32 to index
      %get3A_1560 = arith.constant 0 : index
      %get3A_1561 = vector.load %arg9[%get3A_1559, %get3A_1560] : memref<128x128xf32, #tpu.memory_space<vmem>>, vector<1x128xf32>
      %eq3A = vector.broadcast %scan3A_1557 : i32 to vector<1x128xi32>
      %eq3A_1562 = arith.cmpi eq, %iota3A, %eq3A : vector<1x128xi32>
      %jit3A_1563 = arith.constant 1.000000e+00 : f32
      %jit3A_1564 = arith.constant 0.000000e+00 : f32
      %broadcast_in_dim3A_1565 = vector.broadcast %jit3A_1563 : f32 to vector<1x128xf32>
      %broadcast_in_dim3A_1566 = vector.broadcast %jit3A_1564 : f32 to vector<1x128xf32>
      %select_n3A_1567 = arith.select %eq3A_1562, %broadcast_in_dim3A_1565, %broadcast_in_dim3A_1566 : vector<1x128xi1>, vector<1x128xf32>
      %mul3A_1568 = arith.mulf %scan3A_1558, %select_n3A_1567 : vector<1x128xf32>
      %reduce_sum3A = vector.shape_cast %mul3A_1568 : vector<1x128xf32> to vector<1x1x128xf32>
      %reduce_sum3A_1569 = arith.constant dense<0.000000e+00> : vector<1xf32>
      %reduce_sum3A_1570 = vector.multi_reduction <add>, %reduce_sum3A, %reduce_sum3A_1569 [1, 2] : vector<1x1x128xf32> to vector<1xf32>
      %reduce_sum3A_1571 = vector.shape_cast %reduce_sum3A_1570 : vector<1xf32> to vector<1x1x1xf32>
      %reduce_sum3A_1572 = vector.extract %reduce_sum3A_1571[0, 0, 0] : f32 from vector<1x1x1xf32>
      %gt3A_1573 = vector.broadcast %scan3A_1557 : i32 to vector<1x128xi32>
      %gt3A_1574 = arith.cmpi sgt, %iota3A, %gt3A_1573 : vector<1x128xi32>
      %jit3A_1575 = arith.constant 1.000000e+00 : f32
      %jit3A_1576 = arith.constant 0.000000e+00 : f32
      %broadcast_in_dim3A_1577 = vector.broadcast %jit3A_1575 : f32 to vector<1x128xf32>
      %broadcast_in_dim3A_1578 = vector.broadcast %jit3A_1576 : f32 to vector<1x128xf32>
      %select_n3A_1579 = arith.select %gt3A_1574, %broadcast_in_dim3A_1577, %broadcast_in_dim3A_1578 : vector<1x128xi1>, vector<1x128xf32>
      %mul3A_1580 = arith.mulf %get3A_1561, %select_n3A_1579 : vector<1x128xf32>
      %lt3A = arith.constant 5.000000e-01 : f32
      %lt3A_1581 = arith.cmpf olt, %reduce_sum3A_1572, %lt3A : f32
      %jit3A_1582 = arith.constant 1.000000e+00 : f32
      %jit3A_1583 = arith.constant 0.000000e+00 : f32
      %select_n3A_1584 = arith.select %lt3A_1581, %jit3A_1582, %jit3A_1583 : f32
      %mul3A_1585 = vector.broadcast %select_n3A_1584 : f32 to vector<1x128xf32>
      %mul3A_1586 = arith.mulf %mul3A_1580, %mul3A_1585 : vector<1x128xf32>
      %max3A_1587 = arith.maximumf %scan3A_1558, %mul3A_1586 : vector<1x128xf32>
      scf.yield %max3A_1587 : vector<1x128xf32>
    }
    %scan3A_318 = arith.constant 128 : i32
    %swap3A_319 = arith.constant 2 : index
    %swap3A_320 = arith.constant 0 : index
    %swap3A_321 = vector.load %arg8[%swap3A_319, %swap3A_320] : memref<16x128xf32, #tpu.memory_space<vmem>>, vector<1x128xf32>
    tpu.vector_store %arg8[%swap3A_319, %swap3A_320], %scan3A_317 {strides = array<i32>} : memref<16x128xf32, #tpu.memory_space<vmem>>, vector<1x128xf32>,
    %get3A_322 = arith.constant 3 : index
    %get3A_323 = arith.constant 0 : index
    %get3A_324 = vector.load %arg0[%get3A_322, %get3A_323] : memref<16x128xf32, #tpu.memory_space<vmem>>, vector<1x128xf32>
    %get3A_325 = arith.constant 3 : index
    %get3A_326 = arith.constant 0 : index
    %get3A_327 = vector.load %arg1[%get3A_325, %get3A_326] : memref<16x128xf32, #tpu.memory_space<vmem>>, vector<1x128xf32>
    %get3A_328 = arith.constant 3 : index
    %get3A_329 = arith.constant 0 : index
    %get3A_330 = vector.load %arg2[%get3A_328, %get3A_329] : memref<16x128xf32, #tpu.memory_space<vmem>>, vector<1x128xf32>
    %get3A_331 = arith.constant 3 : index
    %get3A_332 = arith.constant 0 : index
    %get3A_333 = vector.load %arg3[%get3A_331, %get3A_332] : memref<16x128xf32, #tpu.memory_space<vmem>>, vector<1x128xf32>
    %sub3A_334 = arith.subf %get3A_330, %get3A_324 : vector<1x128xf32>
    %sub3A_335 = arith.subf %get3A_333, %get3A_327 : vector<1x128xf32>
    %mul3A_336 = arith.mulf %sub3A_334, %sub3A_335 : vector<1x128xf32>
    %get3A_337 = arith.constant 384 : index
    %get3A_338 = arith.constant 0 : index
    %get3A_339 = vector.load %arg4[%get3A_337, %get3A_338] : memref<2048x1xf32, #tpu.memory_space<vmem>>, vector<128x1xf32>
    %get3A_340 = arith.constant 384 : index
    %get3A_341 = arith.constant 0 : index
    %get3A_342 = vector.load %arg5[%get3A_340, %get3A_341] : memref<2048x1xf32, #tpu.memory_space<vmem>>, vector<128x1xf32>
    %get3A_343 = arith.constant 384 : index
    %get3A_344 = arith.constant 0 : index
    %get3A_345 = vector.load %arg6[%get3A_343, %get3A_344] : memref<2048x1xf32, #tpu.memory_space<vmem>>, vector<128x1xf32>
    %get3A_346 = arith.constant 384 : index
    %get3A_347 = arith.constant 0 : index
    %get3A_348 = vector.load %arg7[%get3A_346, %get3A_347] : memref<2048x1xf32, #tpu.memory_space<vmem>>, vector<128x1xf32>
    %sub3A_349 = arith.subf %get3A_345, %get3A_339 : vector<128x1xf32>
    %sub3A_350 = arith.subf %get3A_348, %get3A_342 : vector<128x1xf32>
    %mul3A_351 = arith.mulf %sub3A_349, %sub3A_350 : vector<128x1xf32>
    %min3A_352 = vector.broadcast %get3A_345 : vector<128x1xf32> to vector<128x128xf32>
    %min3A_353 = vector.broadcast %get3A_330 : vector<1x128xf32> to vector<128x128xf32>
    %min3A_354 = arith.minimumf %min3A_352, %min3A_353 : vector<128x128xf32>
    %max3A_355 = vector.broadcast %get3A_339 : vector<128x1xf32> to vector<128x128xf32>
    %max3A_356 = vector.broadcast %get3A_324 : vector<1x128xf32> to vector<128x128xf32>
    %max3A_357 = arith.maximumf %max3A_355, %max3A_356 : vector<128x128xf32>
    %sub3A_358 = arith.subf %min3A_354, %max3A_357 : vector<128x128xf32>
    %max3A_359 = arith.constant 0.000000e+00 : f32
    %max3A_360 = vector.broadcast %max3A_359 : f32 to vector<128x128xf32>
    %max3A_361 = arith.maximumf %sub3A_358, %max3A_360 : vector<128x128xf32>
    %min3A_362 = vector.broadcast %get3A_348 : vector<128x1xf32> to vector<128x128xf32>
    %min3A_363 = vector.broadcast %get3A_333 : vector<1x128xf32> to vector<128x128xf32>
    %min3A_364 = arith.minimumf %min3A_362, %min3A_363 : vector<128x128xf32>
    %max3A_365 = vector.broadcast %get3A_342 : vector<128x1xf32> to vector<128x128xf32>
    %max3A_366 = vector.broadcast %get3A_327 : vector<1x128xf32> to vector<128x128xf32>
    %max3A_367 = arith.maximumf %max3A_365, %max3A_366 : vector<128x128xf32>
    %sub3A_368 = arith.subf %min3A_364, %max3A_367 : vector<128x128xf32>
    %max3A_369 = arith.constant 0.000000e+00 : f32
    %max3A_370 = vector.broadcast %max3A_369 : f32 to vector<128x128xf32>
    %max3A_371 = arith.maximumf %sub3A_368, %max3A_370 : vector<128x128xf32>
    %mul3A_372 = arith.mulf %max3A_361, %max3A_371 : vector<128x128xf32>
    %add3A_373 = vector.broadcast %mul3A_351 : vector<128x1xf32> to vector<128x128xf32>
    %add3A_374 = vector.broadcast %mul3A_336 : vector<1x128xf32> to vector<128x128xf32>
    %add3A_375 = arith.addf %add3A_373, %add3A_374 : vector<128x128xf32>
    %sub3A_376 = arith.subf %add3A_375, %mul3A_372 : vector<128x128xf32>
    %max3A_377 = arith.constant 9.99999971E-10 : f32
    %max3A_378 = vector.broadcast %max3A_377 : f32 to vector<128x128xf32>
    %max3A_379 = arith.maximumf %sub3A_376, %max3A_378 : vector<128x128xf32>
    %div3A_380 = arith.divf %mul3A_372, %max3A_379 : vector<128x128xf32>
    %gt3A_381 = arith.constant 5.000000e-01 : f32
    %gt3A_382 = vector.broadcast %gt3A_381 : f32 to vector<128x128xf32>
    %gt3A_383 = arith.cmpf ogt, %div3A_380, %gt3A_382 : vector<128x128xf32>
    %jit3A_384 = arith.constant 1.000000e+00 : f32
    %jit3A_385 = arith.constant 0.000000e+00 : f32
    %broadcast_in_dim3A_386 = vector.broadcast %jit3A_384 : f32 to vector<128x128xf32>
    %broadcast_in_dim3A_387 = vector.broadcast %jit3A_385 : f32 to vector<128x128xf32>
    %select_n3A_388 = arith.select %gt3A_383, %broadcast_in_dim3A_386, %broadcast_in_dim3A_387 : vector<128x128xi1>, vector<128x128xf32>
    %swap3A_389 = arith.constant 0 : index
    %swap3A_390 = arith.constant 0 : index
    %swap3A_391 = vector.load %arg9[%swap3A_389, %swap3A_390] : memref<128x128xf32, #tpu.memory_space<vmem>>, vector<128x128xf32>
    tpu.vector_store %arg9[%swap3A_389, %swap3A_390], %select_n3A_388 {strides = array<i32>} : memref<128x128xf32, #tpu.memory_space<vmem>>, vector<128x128xf32>,
    %broadcast_in_dim3A_392 = arith.constant 0.000000e+00 : f32
    %broadcast_in_dim3A_393 = vector.broadcast %broadcast_in_dim3A_392 : f32 to vector<1x128xf32>
    %scan3A_394 = arith.constant 0 : i32
    %scan3A_395 = arith.constant 3 : i32
    %scan3A_396 = arith.addi %scan3A_394, %scan3A_395 : i32
    %scan3A_397 = arith.constant 1 : i32
    %scan3A_398 = scf.for %scan3A_1557 = %scan3A_394 to %scan3A_396 step %scan3A_397 iter_args(%scan3A_1558 = %broadcast_in_dim3A_393) -> (vector<1x128xf32>)  : i32 {
      %mul3A_1559 = arith.constant 128 : i32
      %mul3A_1560 = arith.muli %scan3A_1557, %mul3A_1559 : i32
      %get3A_1561 = arith.index_cast %mul3A_1560 : i32 to index
      %get3A_1562 = arith.constant 0 : index
      %get3A_1563 = vector.load %arg4[%get3A_1561, %get3A_1562] : memref<2048x1xf32, #tpu.memory_space<vmem>>, vector<128x1xf32>
      %mul3A_1564 = arith.constant 128 : i32
      %mul3A_1565 = arith.muli %scan3A_1557, %mul3A_1564 : i32
      %get3A_1566 = arith.index_cast %mul3A_1565 : i32 to index
      %get3A_1567 = arith.constant 0 : index
      %get3A_1568 = vector.load %arg5[%get3A_1566, %get3A_1567] : memref<2048x1xf32, #tpu.memory_space<vmem>>, vector<128x1xf32>
      %mul3A_1569 = arith.constant 128 : i32
      %mul3A_1570 = arith.muli %scan3A_1557, %mul3A_1569 : i32
      %get3A_1571 = arith.index_cast %mul3A_1570 : i32 to index
      %get3A_1572 = arith.constant 0 : index
      %get3A_1573 = vector.load %arg6[%get3A_1571, %get3A_1572] : memref<2048x1xf32, #tpu.memory_space<vmem>>, vector<128x1xf32>
      %mul3A_1574 = arith.constant 128 : i32
      %mul3A_1575 = arith.muli %scan3A_1557, %mul3A_1574 : i32
      %get3A_1576 = arith.index_cast %mul3A_1575 : i32 to index
      %get3A_1577 = arith.constant 0 : index
      %get3A_1578 = vector.load %arg7[%get3A_1576, %get3A_1577] : memref<2048x1xf32, #tpu.memory_space<vmem>>, vector<128x1xf32>
      %sub3A_1579 = arith.subf %get3A_1573, %get3A_1563 : vector<128x1xf32>
      %sub3A_1580 = arith.subf %get3A_1578, %get3A_1568 : vector<128x1xf32>
      %mul3A_1581 = arith.mulf %sub3A_1579, %sub3A_1580 : vector<128x1xf32>
      %min3A_1582 = vector.broadcast %get3A_1573 : vector<128x1xf32> to vector<128x128xf32>
      %min3A_1583 = vector.broadcast %get3A_330 : vector<1x128xf32> to vector<128x128xf32>
      %min3A_1584 = arith.minimumf %min3A_1582, %min3A_1583 : vector<128x128xf32>
      %max3A_1585 = vector.broadcast %get3A_1563 : vector<128x1xf32> to vector<128x128xf32>
      %max3A_1586 = vector.broadcast %get3A_324 : vector<1x128xf32> to vector<128x128xf32>
      %max3A_1587 = arith.maximumf %max3A_1585, %max3A_1586 : vector<128x128xf32>
      %sub3A_1588 = arith.subf %min3A_1584, %max3A_1587 : vector<128x128xf32>
      %max3A_1589 = arith.constant 0.000000e+00 : f32
      %max3A_1590 = vector.broadcast %max3A_1589 : f32 to vector<128x128xf32>
      %max3A_1591 = arith.maximumf %sub3A_1588, %max3A_1590 : vector<128x128xf32>
      %min3A_1592 = vector.broadcast %get3A_1578 : vector<128x1xf32> to vector<128x128xf32>
      %min3A_1593 = vector.broadcast %get3A_333 : vector<1x128xf32> to vector<128x128xf32>
      %min3A_1594 = arith.minimumf %min3A_1592, %min3A_1593 : vector<128x128xf32>
      %max3A_1595 = vector.broadcast %get3A_1568 : vector<128x1xf32> to vector<128x128xf32>
      %max3A_1596 = vector.broadcast %get3A_327 : vector<1x128xf32> to vector<128x128xf32>
      %max3A_1597 = arith.maximumf %max3A_1595, %max3A_1596 : vector<128x128xf32>
      %sub3A_1598 = arith.subf %min3A_1594, %max3A_1597 : vector<128x128xf32>
      %max3A_1599 = arith.constant 0.000000e+00 : f32
      %max3A_1600 = vector.broadcast %max3A_1599 : f32 to vector<128x128xf32>
      %max3A_1601 = arith.maximumf %sub3A_1598, %max3A_1600 : vector<128x128xf32>
      %mul3A_1602 = arith.mulf %max3A_1591, %max3A_1601 : vector<128x128xf32>
      %add3A_1603 = vector.broadcast %mul3A_1581 : vector<128x1xf32> to vector<128x128xf32>
      %add3A_1604 = vector.broadcast %mul3A_336 : vector<1x128xf32> to vector<128x128xf32>
      %add3A_1605 = arith.addf %add3A_1603, %add3A_1604 : vector<128x128xf32>
      %sub3A_1606 = arith.subf %add3A_1605, %mul3A_1602 : vector<128x128xf32>
      %max3A_1607 = arith.constant 9.99999971E-10 : f32
      %max3A_1608 = vector.broadcast %max3A_1607 : f32 to vector<128x128xf32>
      %max3A_1609 = arith.maximumf %sub3A_1606, %max3A_1608 : vector<128x128xf32>
      %div3A_1610 = arith.divf %mul3A_1602, %max3A_1609 : vector<128x128xf32>
      %gt3A_1611 = arith.constant 5.000000e-01 : f32
      %gt3A_1612 = vector.broadcast %gt3A_1611 : f32 to vector<128x128xf32>
      %gt3A_1613 = arith.cmpf ogt, %div3A_1610, %gt3A_1612 : vector<128x128xf32>
      %jit3A_1614 = arith.constant 1.000000e+00 : f32
      %jit3A_1615 = arith.constant 0.000000e+00 : f32
      %broadcast_in_dim3A_1616 = vector.broadcast %jit3A_1614 : f32 to vector<128x128xf32>
      %broadcast_in_dim3A_1617 = vector.broadcast %jit3A_1615 : f32 to vector<128x128xf32>
      %select_n3A_1618 = arith.select %gt3A_1613, %broadcast_in_dim3A_1616, %broadcast_in_dim3A_1617 : vector<128x128xi1>, vector<128x128xf32>
      %get3A_1619 = arith.index_cast %scan3A_1557 : i32 to index
      %get3A_1620 = arith.constant 0 : index
      %get3A_1621 = vector.load %arg8[%get3A_1619, %get3A_1620] : memref<16x128xf32, #tpu.memory_space<vmem>>, vector<1x128xf32>
      %sub3A_1622 = arith.constant 1.000000e+00 : f32
      %sub3A_1623 = vector.broadcast %sub3A_1622 : f32 to vector<1x128xf32>
      %sub3A_1624 = arith.subf %sub3A_1623, %get3A_1621 : vector<1x128xf32>
      %dot_general3A_1625 = arith.constant dense<0.000000e+00> : vector<1x128xf32>
      %dot_general3A_1626 = tpu.matmul %sub3A_1624, %select_n3A_1618, %dot_general3A_1625 {dimension_numbers = #tpu.dot_dimension_numbers<[1], [0], [0], [1], [0, 0, 1, 1], [], []>, transpose_lhs_hint = false} : vector<1x128xf32>, vector<128x128xf32>, vector<1x128xf32> -> vector<1x128xf32>
      %add3A_1627 = arith.addf %scan3A_1558, %dot_general3A_1626 : vector<1x128xf32>
      scf.yield %add3A_1627 : vector<1x128xf32>
    }
    %scan3A_399 = arith.constant 3 : i32
    %gt3A_400 = arith.constant 0.000000e+00 : f32
    %gt3A_401 = vector.broadcast %gt3A_400 : f32 to vector<1x128xf32>
    %gt3A_402 = arith.cmpf ogt, %scan3A_398, %gt3A_401 : vector<1x128xf32>
    %jit3A_403 = arith.constant 1.000000e+00 : f32
    %jit3A_404 = arith.constant 0.000000e+00 : f32
    %broadcast_in_dim3A_405 = vector.broadcast %jit3A_403 : f32 to vector<1x128xf32>
    %broadcast_in_dim3A_406 = vector.broadcast %jit3A_404 : f32 to vector<1x128xf32>
    %select_n3A_407 = arith.select %gt3A_402, %broadcast_in_dim3A_405, %broadcast_in_dim3A_406 : vector<1x128xi1>, vector<1x128xf32>
    %scan3A_408 = arith.constant 0 : i32
    %scan3A_409 = arith.constant 128 : i32
    %scan3A_410 = arith.addi %scan3A_408, %scan3A_409 : i32
    %scan3A_411 = arith.constant 1 : i32
    %scan3A_412 = scf.for %scan3A_1557 = %scan3A_408 to %scan3A_410 step %scan3A_411 iter_args(%scan3A_1558 = %select_n3A_407) -> (vector<1x128xf32>)  : i32 {
      %get3A_1559 = arith.index_cast %scan3A_1557 : i32 to index
      %get3A_1560 = arith.constant 0 : index
      %get3A_1561 = vector.load %arg9[%get3A_1559, %get3A_1560] : memref<128x128xf32, #tpu.memory_space<vmem>>, vector<1x128xf32>
      %eq3A = vector.broadcast %scan3A_1557 : i32 to vector<1x128xi32>
      %eq3A_1562 = arith.cmpi eq, %iota3A, %eq3A : vector<1x128xi32>
      %jit3A_1563 = arith.constant 1.000000e+00 : f32
      %jit3A_1564 = arith.constant 0.000000e+00 : f32
      %broadcast_in_dim3A_1565 = vector.broadcast %jit3A_1563 : f32 to vector<1x128xf32>
      %broadcast_in_dim3A_1566 = vector.broadcast %jit3A_1564 : f32 to vector<1x128xf32>
      %select_n3A_1567 = arith.select %eq3A_1562, %broadcast_in_dim3A_1565, %broadcast_in_dim3A_1566 : vector<1x128xi1>, vector<1x128xf32>
      %mul3A_1568 = arith.mulf %scan3A_1558, %select_n3A_1567 : vector<1x128xf32>
      %reduce_sum3A = vector.shape_cast %mul3A_1568 : vector<1x128xf32> to vector<1x1x128xf32>
      %reduce_sum3A_1569 = arith.constant dense<0.000000e+00> : vector<1xf32>
      %reduce_sum3A_1570 = vector.multi_reduction <add>, %reduce_sum3A, %reduce_sum3A_1569 [1, 2] : vector<1x1x128xf32> to vector<1xf32>
      %reduce_sum3A_1571 = vector.shape_cast %reduce_sum3A_1570 : vector<1xf32> to vector<1x1x1xf32>
      %reduce_sum3A_1572 = vector.extract %reduce_sum3A_1571[0, 0, 0] : f32 from vector<1x1x1xf32>
      %gt3A_1573 = vector.broadcast %scan3A_1557 : i32 to vector<1x128xi32>
      %gt3A_1574 = arith.cmpi sgt, %iota3A, %gt3A_1573 : vector<1x128xi32>
      %jit3A_1575 = arith.constant 1.000000e+00 : f32
      %jit3A_1576 = arith.constant 0.000000e+00 : f32
      %broadcast_in_dim3A_1577 = vector.broadcast %jit3A_1575 : f32 to vector<1x128xf32>
      %broadcast_in_dim3A_1578 = vector.broadcast %jit3A_1576 : f32 to vector<1x128xf32>
      %select_n3A_1579 = arith.select %gt3A_1574, %broadcast_in_dim3A_1577, %broadcast_in_dim3A_1578 : vector<1x128xi1>, vector<1x128xf32>
      %mul3A_1580 = arith.mulf %get3A_1561, %select_n3A_1579 : vector<1x128xf32>
      %lt3A = arith.constant 5.000000e-01 : f32
      %lt3A_1581 = arith.cmpf olt, %reduce_sum3A_1572, %lt3A : f32
      %jit3A_1582 = arith.constant 1.000000e+00 : f32
      %jit3A_1583 = arith.constant 0.000000e+00 : f32
      %select_n3A_1584 = arith.select %lt3A_1581, %jit3A_1582, %jit3A_1583 : f32
      %mul3A_1585 = vector.broadcast %select_n3A_1584 : f32 to vector<1x128xf32>
      %mul3A_1586 = arith.mulf %mul3A_1580, %mul3A_1585 : vector<1x128xf32>
      %max3A_1587 = arith.maximumf %scan3A_1558, %mul3A_1586 : vector<1x128xf32>
      scf.yield %max3A_1587 : vector<1x128xf32>
    }
    %scan3A_413 = arith.constant 128 : i32
    %swap3A_414 = arith.constant 3 : index
    %swap3A_415 = arith.constant 0 : index
    %swap3A_416 = vector.load %arg8[%swap3A_414, %swap3A_415] : memref<16x128xf32, #tpu.memory_space<vmem>>, vector<1x128xf32>
    tpu.vector_store %arg8[%swap3A_414, %swap3A_415], %scan3A_412 {strides = array<i32>} : memref<16x128xf32, #tpu.memory_space<vmem>>, vector<1x128xf32>,
    %get3A_417 = arith.constant 4 : index
    %get3A_418 = arith.constant 0 : index
    %get3A_419 = vector.load %arg0[%get3A_417, %get3A_418] : memref<16x128xf32, #tpu.memory_space<vmem>>, vector<1x128xf32>
    %get3A_420 = arith.constant 4 : index
    %get3A_421 = arith.constant 0 : index
    %get3A_422 = vector.load %arg1[%get3A_420, %get3A_421] : memref<16x128xf32, #tpu.memory_space<vmem>>, vector<1x128xf32>
    %get3A_423 = arith.constant 4 : index
    %get3A_424 = arith.constant 0 : index
    %get3A_425 = vector.load %arg2[%get3A_423, %get3A_424] : memref<16x128xf32, #tpu.memory_space<vmem>>, vector<1x128xf32>
    %get3A_426 = arith.constant 4 : index
    %get3A_427 = arith.constant 0 : index
    %get3A_428 = vector.load %arg3[%get3A_426, %get3A_427] : memref<16x128xf32, #tpu.memory_space<vmem>>, vector<1x128xf32>
    %sub3A_429 = arith.subf %get3A_425, %get3A_419 : vector<1x128xf32>
    %sub3A_430 = arith.subf %get3A_428, %get3A_422 : vector<1x128xf32>
    %mul3A_431 = arith.mulf %sub3A_429, %sub3A_430 : vector<1x128xf32>
    %get3A_432 = arith.constant 512 : index
    %get3A_433 = arith.constant 0 : index
    %get3A_434 = vector.load %arg4[%get3A_432, %get3A_433] : memref<2048x1xf32, #tpu.memory_space<vmem>>, vector<128x1xf32>
    %get3A_435 = arith.constant 512 : index
    %get3A_436 = arith.constant 0 : index
    %get3A_437 = vector.load %arg5[%get3A_435, %get3A_436] : memref<2048x1xf32, #tpu.memory_space<vmem>>, vector<128x1xf32>
    %get3A_438 = arith.constant 512 : index
    %get3A_439 = arith.constant 0 : index
    %get3A_440 = vector.load %arg6[%get3A_438, %get3A_439] : memref<2048x1xf32, #tpu.memory_space<vmem>>, vector<128x1xf32>
    %get3A_441 = arith.constant 512 : index
    %get3A_442 = arith.constant 0 : index
    %get3A_443 = vector.load %arg7[%get3A_441, %get3A_442] : memref<2048x1xf32, #tpu.memory_space<vmem>>, vector<128x1xf32>
    %sub3A_444 = arith.subf %get3A_440, %get3A_434 : vector<128x1xf32>
    %sub3A_445 = arith.subf %get3A_443, %get3A_437 : vector<128x1xf32>
    %mul3A_446 = arith.mulf %sub3A_444, %sub3A_445 : vector<128x1xf32>
    %min3A_447 = vector.broadcast %get3A_440 : vector<128x1xf32> to vector<128x128xf32>
    %min3A_448 = vector.broadcast %get3A_425 : vector<1x128xf32> to vector<128x128xf32>
    %min3A_449 = arith.minimumf %min3A_447, %min3A_448 : vector<128x128xf32>
    %max3A_450 = vector.broadcast %get3A_434 : vector<128x1xf32> to vector<128x128xf32>
    %max3A_451 = vector.broadcast %get3A_419 : vector<1x128xf32> to vector<128x128xf32>
    %max3A_452 = arith.maximumf %max3A_450, %max3A_451 : vector<128x128xf32>
    %sub3A_453 = arith.subf %min3A_449, %max3A_452 : vector<128x128xf32>
    %max3A_454 = arith.constant 0.000000e+00 : f32
    %max3A_455 = vector.broadcast %max3A_454 : f32 to vector<128x128xf32>
    %max3A_456 = arith.maximumf %sub3A_453, %max3A_455 : vector<128x128xf32>
    %min3A_457 = vector.broadcast %get3A_443 : vector<128x1xf32> to vector<128x128xf32>
    %min3A_458 = vector.broadcast %get3A_428 : vector<1x128xf32> to vector<128x128xf32>
    %min3A_459 = arith.minimumf %min3A_457, %min3A_458 : vector<128x128xf32>
    %max3A_460 = vector.broadcast %get3A_437 : vector<128x1xf32> to vector<128x128xf32>
    %max3A_461 = vector.broadcast %get3A_422 : vector<1x128xf32> to vector<128x128xf32>
    %max3A_462 = arith.maximumf %max3A_460, %max3A_461 : vector<128x128xf32>
    %sub3A_463 = arith.subf %min3A_459, %max3A_462 : vector<128x128xf32>
    %max3A_464 = arith.constant 0.000000e+00 : f32
    %max3A_465 = vector.broadcast %max3A_464 : f32 to vector<128x128xf32>
    %max3A_466 = arith.maximumf %sub3A_463, %max3A_465 : vector<128x128xf32>
    %mul3A_467 = arith.mulf %max3A_456, %max3A_466 : vector<128x128xf32>
    %add3A_468 = vector.broadcast %mul3A_446 : vector<128x1xf32> to vector<128x128xf32>
    %add3A_469 = vector.broadcast %mul3A_431 : vector<1x128xf32> to vector<128x128xf32>
    %add3A_470 = arith.addf %add3A_468, %add3A_469 : vector<128x128xf32>
    %sub3A_471 = arith.subf %add3A_470, %mul3A_467 : vector<128x128xf32>
    %max3A_472 = arith.constant 9.99999971E-10 : f32
    %max3A_473 = vector.broadcast %max3A_472 : f32 to vector<128x128xf32>
    %max3A_474 = arith.maximumf %sub3A_471, %max3A_473 : vector<128x128xf32>
    %div3A_475 = arith.divf %mul3A_467, %max3A_474 : vector<128x128xf32>
    %gt3A_476 = arith.constant 5.000000e-01 : f32
    %gt3A_477 = vector.broadcast %gt3A_476 : f32 to vector<128x128xf32>
    %gt3A_478 = arith.cmpf ogt, %div3A_475, %gt3A_477 : vector<128x128xf32>
    %jit3A_479 = arith.constant 1.000000e+00 : f32
    %jit3A_480 = arith.constant 0.000000e+00 : f32
    %broadcast_in_dim3A_481 = vector.broadcast %jit3A_479 : f32 to vector<128x128xf32>
    %broadcast_in_dim3A_482 = vector.broadcast %jit3A_480 : f32 to vector<128x128xf32>
    %select_n3A_483 = arith.select %gt3A_478, %broadcast_in_dim3A_481, %broadcast_in_dim3A_482 : vector<128x128xi1>, vector<128x128xf32>
    %swap3A_484 = arith.constant 0 : index
    %swap3A_485 = arith.constant 0 : index
    %swap3A_486 = vector.load %arg9[%swap3A_484, %swap3A_485] : memref<128x128xf32, #tpu.memory_space<vmem>>, vector<128x128xf32>
    tpu.vector_store %arg9[%swap3A_484, %swap3A_485], %select_n3A_483 {strides = array<i32>} : memref<128x128xf32, #tpu.memory_space<vmem>>, vector<128x128xf32>,
    %broadcast_in_dim3A_487 = arith.constant 0.000000e+00 : f32
    %broadcast_in_dim3A_488 = vector.broadcast %broadcast_in_dim3A_487 : f32 to vector<1x128xf32>
    %scan3A_489 = arith.constant 0 : i32
    %scan3A_490 = arith.constant 4 : i32
    %scan3A_491 = arith.addi %scan3A_489, %scan3A_490 : i32
    %scan3A_492 = arith.constant 1 : i32
    %scan3A_493 = scf.for %scan3A_1557 = %scan3A_489 to %scan3A_491 step %scan3A_492 iter_args(%scan3A_1558 = %broadcast_in_dim3A_488) -> (vector<1x128xf32>)  : i32 {
      %mul3A_1559 = arith.constant 128 : i32
      %mul3A_1560 = arith.muli %scan3A_1557, %mul3A_1559 : i32
      %get3A_1561 = arith.index_cast %mul3A_1560 : i32 to index
      %get3A_1562 = arith.constant 0 : index
      %get3A_1563 = vector.load %arg4[%get3A_1561, %get3A_1562] : memref<2048x1xf32, #tpu.memory_space<vmem>>, vector<128x1xf32>
      %mul3A_1564 = arith.constant 128 : i32
      %mul3A_1565 = arith.muli %scan3A_1557, %mul3A_1564 : i32
      %get3A_1566 = arith.index_cast %mul3A_1565 : i32 to index
      %get3A_1567 = arith.constant 0 : index
      %get3A_1568 = vector.load %arg5[%get3A_1566, %get3A_1567] : memref<2048x1xf32, #tpu.memory_space<vmem>>, vector<128x1xf32>
      %mul3A_1569 = arith.constant 128 : i32
      %mul3A_1570 = arith.muli %scan3A_1557, %mul3A_1569 : i32
      %get3A_1571 = arith.index_cast %mul3A_1570 : i32 to index
      %get3A_1572 = arith.constant 0 : index
      %get3A_1573 = vector.load %arg6[%get3A_1571, %get3A_1572] : memref<2048x1xf32, #tpu.memory_space<vmem>>, vector<128x1xf32>
      %mul3A_1574 = arith.constant 128 : i32
      %mul3A_1575 = arith.muli %scan3A_1557, %mul3A_1574 : i32
      %get3A_1576 = arith.index_cast %mul3A_1575 : i32 to index
      %get3A_1577 = arith.constant 0 : index
      %get3A_1578 = vector.load %arg7[%get3A_1576, %get3A_1577] : memref<2048x1xf32, #tpu.memory_space<vmem>>, vector<128x1xf32>
      %sub3A_1579 = arith.subf %get3A_1573, %get3A_1563 : vector<128x1xf32>
      %sub3A_1580 = arith.subf %get3A_1578, %get3A_1568 : vector<128x1xf32>
      %mul3A_1581 = arith.mulf %sub3A_1579, %sub3A_1580 : vector<128x1xf32>
      %min3A_1582 = vector.broadcast %get3A_1573 : vector<128x1xf32> to vector<128x128xf32>
      %min3A_1583 = vector.broadcast %get3A_425 : vector<1x128xf32> to vector<128x128xf32>
      %min3A_1584 = arith.minimumf %min3A_1582, %min3A_1583 : vector<128x128xf32>
      %max3A_1585 = vector.broadcast %get3A_1563 : vector<128x1xf32> to vector<128x128xf32>
      %max3A_1586 = vector.broadcast %get3A_419 : vector<1x128xf32> to vector<128x128xf32>
      %max3A_1587 = arith.maximumf %max3A_1585, %max3A_1586 : vector<128x128xf32>
      %sub3A_1588 = arith.subf %min3A_1584, %max3A_1587 : vector<128x128xf32>
      %max3A_1589 = arith.constant 0.000000e+00 : f32
      %max3A_1590 = vector.broadcast %max3A_1589 : f32 to vector<128x128xf32>
      %max3A_1591 = arith.maximumf %sub3A_1588, %max3A_1590 : vector<128x128xf32>
      %min3A_1592 = vector.broadcast %get3A_1578 : vector<128x1xf32> to vector<128x128xf32>
      %min3A_1593 = vector.broadcast %get3A_428 : vector<1x128xf32> to vector<128x128xf32>
      %min3A_1594 = arith.minimumf %min3A_1592, %min3A_1593 : vector<128x128xf32>
      %max3A_1595 = vector.broadcast %get3A_1568 : vector<128x1xf32> to vector<128x128xf32>
      %max3A_1596 = vector.broadcast %get3A_422 : vector<1x128xf32> to vector<128x128xf32>
      %max3A_1597 = arith.maximumf %max3A_1595, %max3A_1596 : vector<128x128xf32>
      %sub3A_1598 = arith.subf %min3A_1594, %max3A_1597 : vector<128x128xf32>
      %max3A_1599 = arith.constant 0.000000e+00 : f32
      %max3A_1600 = vector.broadcast %max3A_1599 : f32 to vector<128x128xf32>
      %max3A_1601 = arith.maximumf %sub3A_1598, %max3A_1600 : vector<128x128xf32>
      %mul3A_1602 = arith.mulf %max3A_1591, %max3A_1601 : vector<128x128xf32>
      %add3A_1603 = vector.broadcast %mul3A_1581 : vector<128x1xf32> to vector<128x128xf32>
      %add3A_1604 = vector.broadcast %mul3A_431 : vector<1x128xf32> to vector<128x128xf32>
      %add3A_1605 = arith.addf %add3A_1603, %add3A_1604 : vector<128x128xf32>
      %sub3A_1606 = arith.subf %add3A_1605, %mul3A_1602 : vector<128x128xf32>
      %max3A_1607 = arith.constant 9.99999971E-10 : f32
      %max3A_1608 = vector.broadcast %max3A_1607 : f32 to vector<128x128xf32>
      %max3A_1609 = arith.maximumf %sub3A_1606, %max3A_1608 : vector<128x128xf32>
      %div3A_1610 = arith.divf %mul3A_1602, %max3A_1609 : vector<128x128xf32>
      %gt3A_1611 = arith.constant 5.000000e-01 : f32
      %gt3A_1612 = vector.broadcast %gt3A_1611 : f32 to vector<128x128xf32>
      %gt3A_1613 = arith.cmpf ogt, %div3A_1610, %gt3A_1612 : vector<128x128xf32>
      %jit3A_1614 = arith.constant 1.000000e+00 : f32
      %jit3A_1615 = arith.constant 0.000000e+00 : f32
      %broadcast_in_dim3A_1616 = vector.broadcast %jit3A_1614 : f32 to vector<128x128xf32>
      %broadcast_in_dim3A_1617 = vector.broadcast %jit3A_1615 : f32 to vector<128x128xf32>
      %select_n3A_1618 = arith.select %gt3A_1613, %broadcast_in_dim3A_1616, %broadcast_in_dim3A_1617 : vector<128x128xi1>, vector<128x128xf32>
      %get3A_1619 = arith.index_cast %scan3A_1557 : i32 to index
      %get3A_1620 = arith.constant 0 : index
      %get3A_1621 = vector.load %arg8[%get3A_1619, %get3A_1620] : memref<16x128xf32, #tpu.memory_space<vmem>>, vector<1x128xf32>
      %sub3A_1622 = arith.constant 1.000000e+00 : f32
      %sub3A_1623 = vector.broadcast %sub3A_1622 : f32 to vector<1x128xf32>
      %sub3A_1624 = arith.subf %sub3A_1623, %get3A_1621 : vector<1x128xf32>
      %dot_general3A_1625 = arith.constant dense<0.000000e+00> : vector<1x128xf32>
      %dot_general3A_1626 = tpu.matmul %sub3A_1624, %select_n3A_1618, %dot_general3A_1625 {dimension_numbers = #tpu.dot_dimension_numbers<[1], [0], [0], [1], [0, 0, 1, 1], [], []>, transpose_lhs_hint = false} : vector<1x128xf32>, vector<128x128xf32>, vector<1x128xf32> -> vector<1x128xf32>
      %add3A_1627 = arith.addf %scan3A_1558, %dot_general3A_1626 : vector<1x128xf32>
      scf.yield %add3A_1627 : vector<1x128xf32>
    }
    %scan3A_494 = arith.constant 4 : i32
    %gt3A_495 = arith.constant 0.000000e+00 : f32
    %gt3A_496 = vector.broadcast %gt3A_495 : f32 to vector<1x128xf32>
    %gt3A_497 = arith.cmpf ogt, %scan3A_493, %gt3A_496 : vector<1x128xf32>
    %jit3A_498 = arith.constant 1.000000e+00 : f32
    %jit3A_499 = arith.constant 0.000000e+00 : f32
    %broadcast_in_dim3A_500 = vector.broadcast %jit3A_498 : f32 to vector<1x128xf32>
    %broadcast_in_dim3A_501 = vector.broadcast %jit3A_499 : f32 to vector<1x128xf32>
    %select_n3A_502 = arith.select %gt3A_497, %broadcast_in_dim3A_500, %broadcast_in_dim3A_501 : vector<1x128xi1>, vector<1x128xf32>
    %scan3A_503 = arith.constant 0 : i32
    %scan3A_504 = arith.constant 128 : i32
    %scan3A_505 = arith.addi %scan3A_503, %scan3A_504 : i32
    %scan3A_506 = arith.constant 1 : i32
    %scan3A_507 = scf.for %scan3A_1557 = %scan3A_503 to %scan3A_505 step %scan3A_506 iter_args(%scan3A_1558 = %select_n3A_502) -> (vector<1x128xf32>)  : i32 {
      %get3A_1559 = arith.index_cast %scan3A_1557 : i32 to index
      %get3A_1560 = arith.constant 0 : index
      %get3A_1561 = vector.load %arg9[%get3A_1559, %get3A_1560] : memref<128x128xf32, #tpu.memory_space<vmem>>, vector<1x128xf32>
      %eq3A = vector.broadcast %scan3A_1557 : i32 to vector<1x128xi32>
      %eq3A_1562 = arith.cmpi eq, %iota3A, %eq3A : vector<1x128xi32>
      %jit3A_1563 = arith.constant 1.000000e+00 : f32
      %jit3A_1564 = arith.constant 0.000000e+00 : f32
      %broadcast_in_dim3A_1565 = vector.broadcast %jit3A_1563 : f32 to vector<1x128xf32>
      %broadcast_in_dim3A_1566 = vector.broadcast %jit3A_1564 : f32 to vector<1x128xf32>
      %select_n3A_1567 = arith.select %eq3A_1562, %broadcast_in_dim3A_1565, %broadcast_in_dim3A_1566 : vector<1x128xi1>, vector<1x128xf32>
      %mul3A_1568 = arith.mulf %scan3A_1558, %select_n3A_1567 : vector<1x128xf32>
      %reduce_sum3A = vector.shape_cast %mul3A_1568 : vector<1x128xf32> to vector<1x1x128xf32>
      %reduce_sum3A_1569 = arith.constant dense<0.000000e+00> : vector<1xf32>
      %reduce_sum3A_1570 = vector.multi_reduction <add>, %reduce_sum3A, %reduce_sum3A_1569 [1, 2] : vector<1x1x128xf32> to vector<1xf32>
      %reduce_sum3A_1571 = vector.shape_cast %reduce_sum3A_1570 : vector<1xf32> to vector<1x1x1xf32>
      %reduce_sum3A_1572 = vector.extract %reduce_sum3A_1571[0, 0, 0] : f32 from vector<1x1x1xf32>
      %gt3A_1573 = vector.broadcast %scan3A_1557 : i32 to vector<1x128xi32>
      %gt3A_1574 = arith.cmpi sgt, %iota3A, %gt3A_1573 : vector<1x128xi32>
      %jit3A_1575 = arith.constant 1.000000e+00 : f32
      %jit3A_1576 = arith.constant 0.000000e+00 : f32
      %broadcast_in_dim3A_1577 = vector.broadcast %jit3A_1575 : f32 to vector<1x128xf32>
      %broadcast_in_dim3A_1578 = vector.broadcast %jit3A_1576 : f32 to vector<1x128xf32>
      %select_n3A_1579 = arith.select %gt3A_1574, %broadcast_in_dim3A_1577, %broadcast_in_dim3A_1578 : vector<1x128xi1>, vector<1x128xf32>
      %mul3A_1580 = arith.mulf %get3A_1561, %select_n3A_1579 : vector<1x128xf32>
      %lt3A = arith.constant 5.000000e-01 : f32
      %lt3A_1581 = arith.cmpf olt, %reduce_sum3A_1572, %lt3A : f32
      %jit3A_1582 = arith.constant 1.000000e+00 : f32
      %jit3A_1583 = arith.constant 0.000000e+00 : f32
      %select_n3A_1584 = arith.select %lt3A_1581, %jit3A_1582, %jit3A_1583 : f32
      %mul3A_1585 = vector.broadcast %select_n3A_1584 : f32 to vector<1x128xf32>
      %mul3A_1586 = arith.mulf %mul3A_1580, %mul3A_1585 : vector<1x128xf32>
      %max3A_1587 = arith.maximumf %scan3A_1558, %mul3A_1586 : vector<1x128xf32>
      scf.yield %max3A_1587 : vector<1x128xf32>
    }
    %scan3A_508 = arith.constant 128 : i32
    %swap3A_509 = arith.constant 4 : index
    %swap3A_510 = arith.constant 0 : index
    %swap3A_511 = vector.load %arg8[%swap3A_509, %swap3A_510] : memref<16x128xf32, #tpu.memory_space<vmem>>, vector<1x128xf32>
    tpu.vector_store %arg8[%swap3A_509, %swap3A_510], %scan3A_507 {strides = array<i32>} : memref<16x128xf32, #tpu.memory_space<vmem>>, vector<1x128xf32>,
    %get3A_512 = arith.constant 5 : index
    %get3A_513 = arith.constant 0 : index
    %get3A_514 = vector.load %arg0[%get3A_512, %get3A_513] : memref<16x128xf32, #tpu.memory_space<vmem>>, vector<1x128xf32>
    %get3A_515 = arith.constant 5 : index
    %get3A_516 = arith.constant 0 : index
    %get3A_517 = vector.load %arg1[%get3A_515, %get3A_516] : memref<16x128xf32, #tpu.memory_space<vmem>>, vector<1x128xf32>
    %get3A_518 = arith.constant 5 : index
    %get3A_519 = arith.constant 0 : index
    %get3A_520 = vector.load %arg2[%get3A_518, %get3A_519] : memref<16x128xf32, #tpu.memory_space<vmem>>, vector<1x128xf32>
    %get3A_521 = arith.constant 5 : index
    %get3A_522 = arith.constant 0 : index
    %get3A_523 = vector.load %arg3[%get3A_521, %get3A_522] : memref<16x128xf32, #tpu.memory_space<vmem>>, vector<1x128xf32>
    %sub3A_524 = arith.subf %get3A_520, %get3A_514 : vector<1x128xf32>
    %sub3A_525 = arith.subf %get3A_523, %get3A_517 : vector<1x128xf32>
    %mul3A_526 = arith.mulf %sub3A_524, %sub3A_525 : vector<1x128xf32>
    %get3A_527 = arith.constant 640 : index
    %get3A_528 = arith.constant 0 : index
    %get3A_529 = vector.load %arg4[%get3A_527, %get3A_528] : memref<2048x1xf32, #tpu.memory_space<vmem>>, vector<128x1xf32>
    %get3A_530 = arith.constant 640 : index
    %get3A_531 = arith.constant 0 : index
    %get3A_532 = vector.load %arg5[%get3A_530, %get3A_531] : memref<2048x1xf32, #tpu.memory_space<vmem>>, vector<128x1xf32>
    %get3A_533 = arith.constant 640 : index
    %get3A_534 = arith.constant 0 : index
    %get3A_535 = vector.load %arg6[%get3A_533, %get3A_534] : memref<2048x1xf32, #tpu.memory_space<vmem>>, vector<128x1xf32>
    %get3A_536 = arith.constant 640 : index
    %get3A_537 = arith.constant 0 : index
    %get3A_538 = vector.load %arg7[%get3A_536, %get3A_537] : memref<2048x1xf32, #tpu.memory_space<vmem>>, vector<128x1xf32>
    %sub3A_539 = arith.subf %get3A_535, %get3A_529 : vector<128x1xf32>
    %sub3A_540 = arith.subf %get3A_538, %get3A_532 : vector<128x1xf32>
    %mul3A_541 = arith.mulf %sub3A_539, %sub3A_540 : vector<128x1xf32>
    %min3A_542 = vector.broadcast %get3A_535 : vector<128x1xf32> to vector<128x128xf32>
    %min3A_543 = vector.broadcast %get3A_520 : vector<1x128xf32> to vector<128x128xf32>
    %min3A_544 = arith.minimumf %min3A_542, %min3A_543 : vector<128x128xf32>
    %max3A_545 = vector.broadcast %get3A_529 : vector<128x1xf32> to vector<128x128xf32>
    %max3A_546 = vector.broadcast %get3A_514 : vector<1x128xf32> to vector<128x128xf32>
    %max3A_547 = arith.maximumf %max3A_545, %max3A_546 : vector<128x128xf32>
    %sub3A_548 = arith.subf %min3A_544, %max3A_547 : vector<128x128xf32>
    %max3A_549 = arith.constant 0.000000e+00 : f32
    %max3A_550 = vector.broadcast %max3A_549 : f32 to vector<128x128xf32>
    %max3A_551 = arith.maximumf %sub3A_548, %max3A_550 : vector<128x128xf32>
    %min3A_552 = vector.broadcast %get3A_538 : vector<128x1xf32> to vector<128x128xf32>
    %min3A_553 = vector.broadcast %get3A_523 : vector<1x128xf32> to vector<128x128xf32>
    %min3A_554 = arith.minimumf %min3A_552, %min3A_553 : vector<128x128xf32>
    %max3A_555 = vector.broadcast %get3A_532 : vector<128x1xf32> to vector<128x128xf32>
    %max3A_556 = vector.broadcast %get3A_517 : vector<1x128xf32> to vector<128x128xf32>
    %max3A_557 = arith.maximumf %max3A_555, %max3A_556 : vector<128x128xf32>
    %sub3A_558 = arith.subf %min3A_554, %max3A_557 : vector<128x128xf32>
    %max3A_559 = arith.constant 0.000000e+00 : f32
    %max3A_560 = vector.broadcast %max3A_559 : f32 to vector<128x128xf32>
    %max3A_561 = arith.maximumf %sub3A_558, %max3A_560 : vector<128x128xf32>
    %mul3A_562 = arith.mulf %max3A_551, %max3A_561 : vector<128x128xf32>
    %add3A_563 = vector.broadcast %mul3A_541 : vector<128x1xf32> to vector<128x128xf32>
    %add3A_564 = vector.broadcast %mul3A_526 : vector<1x128xf32> to vector<128x128xf32>
    %add3A_565 = arith.addf %add3A_563, %add3A_564 : vector<128x128xf32>
    %sub3A_566 = arith.subf %add3A_565, %mul3A_562 : vector<128x128xf32>
    %max3A_567 = arith.constant 9.99999971E-10 : f32
    %max3A_568 = vector.broadcast %max3A_567 : f32 to vector<128x128xf32>
    %max3A_569 = arith.maximumf %sub3A_566, %max3A_568 : vector<128x128xf32>
    %div3A_570 = arith.divf %mul3A_562, %max3A_569 : vector<128x128xf32>
    %gt3A_571 = arith.constant 5.000000e-01 : f32
    %gt3A_572 = vector.broadcast %gt3A_571 : f32 to vector<128x128xf32>
    %gt3A_573 = arith.cmpf ogt, %div3A_570, %gt3A_572 : vector<128x128xf32>
    %jit3A_574 = arith.constant 1.000000e+00 : f32
    %jit3A_575 = arith.constant 0.000000e+00 : f32
    %broadcast_in_dim3A_576 = vector.broadcast %jit3A_574 : f32 to vector<128x128xf32>
    %broadcast_in_dim3A_577 = vector.broadcast %jit3A_575 : f32 to vector<128x128xf32>
    %select_n3A_578 = arith.select %gt3A_573, %broadcast_in_dim3A_576, %broadcast_in_dim3A_577 : vector<128x128xi1>, vector<128x128xf32>
    %swap3A_579 = arith.constant 0 : index
    %swap3A_580 = arith.constant 0 : index
    %swap3A_581 = vector.load %arg9[%swap3A_579, %swap3A_580] : memref<128x128xf32, #tpu.memory_space<vmem>>, vector<128x128xf32>
    tpu.vector_store %arg9[%swap3A_579, %swap3A_580], %select_n3A_578 {strides = array<i32>} : memref<128x128xf32, #tpu.memory_space<vmem>>, vector<128x128xf32>,
    %broadcast_in_dim3A_582 = arith.constant 0.000000e+00 : f32
    %broadcast_in_dim3A_583 = vector.broadcast %broadcast_in_dim3A_582 : f32 to vector<1x128xf32>
    %scan3A_584 = arith.constant 0 : i32
    %scan3A_585 = arith.constant 5 : i32
    %scan3A_586 = arith.addi %scan3A_584, %scan3A_585 : i32
    %scan3A_587 = arith.constant 1 : i32
    %scan3A_588 = scf.for %scan3A_1557 = %scan3A_584 to %scan3A_586 step %scan3A_587 iter_args(%scan3A_1558 = %broadcast_in_dim3A_583) -> (vector<1x128xf32>)  : i32 {
      %mul3A_1559 = arith.constant 128 : i32
      %mul3A_1560 = arith.muli %scan3A_1557, %mul3A_1559 : i32
      %get3A_1561 = arith.index_cast %mul3A_1560 : i32 to index
      %get3A_1562 = arith.constant 0 : index
      %get3A_1563 = vector.load %arg4[%get3A_1561, %get3A_1562] : memref<2048x1xf32, #tpu.memory_space<vmem>>, vector<128x1xf32>
      %mul3A_1564 = arith.constant 128 : i32
      %mul3A_1565 = arith.muli %scan3A_1557, %mul3A_1564 : i32
      %get3A_1566 = arith.index_cast %mul3A_1565 : i32 to index
      %get3A_1567 = arith.constant 0 : index
      %get3A_1568 = vector.load %arg5[%get3A_1566, %get3A_1567] : memref<2048x1xf32, #tpu.memory_space<vmem>>, vector<128x1xf32>
      %mul3A_1569 = arith.constant 128 : i32
      %mul3A_1570 = arith.muli %scan3A_1557, %mul3A_1569 : i32
      %get3A_1571 = arith.index_cast %mul3A_1570 : i32 to index
      %get3A_1572 = arith.constant 0 : index
      %get3A_1573 = vector.load %arg6[%get3A_1571, %get3A_1572] : memref<2048x1xf32, #tpu.memory_space<vmem>>, vector<128x1xf32>
      %mul3A_1574 = arith.constant 128 : i32
      %mul3A_1575 = arith.muli %scan3A_1557, %mul3A_1574 : i32
      %get3A_1576 = arith.index_cast %mul3A_1575 : i32 to index
      %get3A_1577 = arith.constant 0 : index
      %get3A_1578 = vector.load %arg7[%get3A_1576, %get3A_1577] : memref<2048x1xf32, #tpu.memory_space<vmem>>, vector<128x1xf32>
      %sub3A_1579 = arith.subf %get3A_1573, %get3A_1563 : vector<128x1xf32>
      %sub3A_1580 = arith.subf %get3A_1578, %get3A_1568 : vector<128x1xf32>
      %mul3A_1581 = arith.mulf %sub3A_1579, %sub3A_1580 : vector<128x1xf32>
      %min3A_1582 = vector.broadcast %get3A_1573 : vector<128x1xf32> to vector<128x128xf32>
      %min3A_1583 = vector.broadcast %get3A_520 : vector<1x128xf32> to vector<128x128xf32>
      %min3A_1584 = arith.minimumf %min3A_1582, %min3A_1583 : vector<128x128xf32>
      %max3A_1585 = vector.broadcast %get3A_1563 : vector<128x1xf32> to vector<128x128xf32>
      %max3A_1586 = vector.broadcast %get3A_514 : vector<1x128xf32> to vector<128x128xf32>
      %max3A_1587 = arith.maximumf %max3A_1585, %max3A_1586 : vector<128x128xf32>
      %sub3A_1588 = arith.subf %min3A_1584, %max3A_1587 : vector<128x128xf32>
      %max3A_1589 = arith.constant 0.000000e+00 : f32
      %max3A_1590 = vector.broadcast %max3A_1589 : f32 to vector<128x128xf32>
      %max3A_1591 = arith.maximumf %sub3A_1588, %max3A_1590 : vector<128x128xf32>
      %min3A_1592 = vector.broadcast %get3A_1578 : vector<128x1xf32> to vector<128x128xf32>
      %min3A_1593 = vector.broadcast %get3A_523 : vector<1x128xf32> to vector<128x128xf32>
      %min3A_1594 = arith.minimumf %min3A_1592, %min3A_1593 : vector<128x128xf32>
      %max3A_1595 = vector.broadcast %get3A_1568 : vector<128x1xf32> to vector<128x128xf32>
      %max3A_1596 = vector.broadcast %get3A_517 : vector<1x128xf32> to vector<128x128xf32>
      %max3A_1597 = arith.maximumf %max3A_1595, %max3A_1596 : vector<128x128xf32>
      %sub3A_1598 = arith.subf %min3A_1594, %max3A_1597 : vector<128x128xf32>
      %max3A_1599 = arith.constant 0.000000e+00 : f32
      %max3A_1600 = vector.broadcast %max3A_1599 : f32 to vector<128x128xf32>
      %max3A_1601 = arith.maximumf %sub3A_1598, %max3A_1600 : vector<128x128xf32>
      %mul3A_1602 = arith.mulf %max3A_1591, %max3A_1601 : vector<128x128xf32>
      %add3A_1603 = vector.broadcast %mul3A_1581 : vector<128x1xf32> to vector<128x128xf32>
      %add3A_1604 = vector.broadcast %mul3A_526 : vector<1x128xf32> to vector<128x128xf32>
      %add3A_1605 = arith.addf %add3A_1603, %add3A_1604 : vector<128x128xf32>
      %sub3A_1606 = arith.subf %add3A_1605, %mul3A_1602 : vector<128x128xf32>
      %max3A_1607 = arith.constant 9.99999971E-10 : f32
      %max3A_1608 = vector.broadcast %max3A_1607 : f32 to vector<128x128xf32>
      %max3A_1609 = arith.maximumf %sub3A_1606, %max3A_1608 : vector<128x128xf32>
      %div3A_1610 = arith.divf %mul3A_1602, %max3A_1609 : vector<128x128xf32>
      %gt3A_1611 = arith.constant 5.000000e-01 : f32
      %gt3A_1612 = vector.broadcast %gt3A_1611 : f32 to vector<128x128xf32>
      %gt3A_1613 = arith.cmpf ogt, %div3A_1610, %gt3A_1612 : vector<128x128xf32>
      %jit3A_1614 = arith.constant 1.000000e+00 : f32
      %jit3A_1615 = arith.constant 0.000000e+00 : f32
      %broadcast_in_dim3A_1616 = vector.broadcast %jit3A_1614 : f32 to vector<128x128xf32>
      %broadcast_in_dim3A_1617 = vector.broadcast %jit3A_1615 : f32 to vector<128x128xf32>
      %select_n3A_1618 = arith.select %gt3A_1613, %broadcast_in_dim3A_1616, %broadcast_in_dim3A_1617 : vector<128x128xi1>, vector<128x128xf32>
      %get3A_1619 = arith.index_cast %scan3A_1557 : i32 to index
      %get3A_1620 = arith.constant 0 : index
      %get3A_1621 = vector.load %arg8[%get3A_1619, %get3A_1620] : memref<16x128xf32, #tpu.memory_space<vmem>>, vector<1x128xf32>
      %sub3A_1622 = arith.constant 1.000000e+00 : f32
      %sub3A_1623 = vector.broadcast %sub3A_1622 : f32 to vector<1x128xf32>
      %sub3A_1624 = arith.subf %sub3A_1623, %get3A_1621 : vector<1x128xf32>
      %dot_general3A_1625 = arith.constant dense<0.000000e+00> : vector<1x128xf32>
      %dot_general3A_1626 = tpu.matmul %sub3A_1624, %select_n3A_1618, %dot_general3A_1625 {dimension_numbers = #tpu.dot_dimension_numbers<[1], [0], [0], [1], [0, 0, 1, 1], [], []>, transpose_lhs_hint = false} : vector<1x128xf32>, vector<128x128xf32>, vector<1x128xf32> -> vector<1x128xf32>
      %add3A_1627 = arith.addf %scan3A_1558, %dot_general3A_1626 : vector<1x128xf32>
      scf.yield %add3A_1627 : vector<1x128xf32>
    }
    %scan3A_589 = arith.constant 5 : i32
    %gt3A_590 = arith.constant 0.000000e+00 : f32
    %gt3A_591 = vector.broadcast %gt3A_590 : f32 to vector<1x128xf32>
    %gt3A_592 = arith.cmpf ogt, %scan3A_588, %gt3A_591 : vector<1x128xf32>
    %jit3A_593 = arith.constant 1.000000e+00 : f32
    %jit3A_594 = arith.constant 0.000000e+00 : f32
    %broadcast_in_dim3A_595 = vector.broadcast %jit3A_593 : f32 to vector<1x128xf32>
    %broadcast_in_dim3A_596 = vector.broadcast %jit3A_594 : f32 to vector<1x128xf32>
    %select_n3A_597 = arith.select %gt3A_592, %broadcast_in_dim3A_595, %broadcast_in_dim3A_596 : vector<1x128xi1>, vector<1x128xf32>
    %scan3A_598 = arith.constant 0 : i32
    %scan3A_599 = arith.constant 128 : i32
    %scan3A_600 = arith.addi %scan3A_598, %scan3A_599 : i32
    %scan3A_601 = arith.constant 1 : i32
    %scan3A_602 = scf.for %scan3A_1557 = %scan3A_598 to %scan3A_600 step %scan3A_601 iter_args(%scan3A_1558 = %select_n3A_597) -> (vector<1x128xf32>)  : i32 {
      %get3A_1559 = arith.index_cast %scan3A_1557 : i32 to index
      %get3A_1560 = arith.constant 0 : index
      %get3A_1561 = vector.load %arg9[%get3A_1559, %get3A_1560] : memref<128x128xf32, #tpu.memory_space<vmem>>, vector<1x128xf32>
      %eq3A = vector.broadcast %scan3A_1557 : i32 to vector<1x128xi32>
      %eq3A_1562 = arith.cmpi eq, %iota3A, %eq3A : vector<1x128xi32>
      %jit3A_1563 = arith.constant 1.000000e+00 : f32
      %jit3A_1564 = arith.constant 0.000000e+00 : f32
      %broadcast_in_dim3A_1565 = vector.broadcast %jit3A_1563 : f32 to vector<1x128xf32>
      %broadcast_in_dim3A_1566 = vector.broadcast %jit3A_1564 : f32 to vector<1x128xf32>
      %select_n3A_1567 = arith.select %eq3A_1562, %broadcast_in_dim3A_1565, %broadcast_in_dim3A_1566 : vector<1x128xi1>, vector<1x128xf32>
      %mul3A_1568 = arith.mulf %scan3A_1558, %select_n3A_1567 : vector<1x128xf32>
      %reduce_sum3A = vector.shape_cast %mul3A_1568 : vector<1x128xf32> to vector<1x1x128xf32>
      %reduce_sum3A_1569 = arith.constant dense<0.000000e+00> : vector<1xf32>
      %reduce_sum3A_1570 = vector.multi_reduction <add>, %reduce_sum3A, %reduce_sum3A_1569 [1, 2] : vector<1x1x128xf32> to vector<1xf32>
      %reduce_sum3A_1571 = vector.shape_cast %reduce_sum3A_1570 : vector<1xf32> to vector<1x1x1xf32>
      %reduce_sum3A_1572 = vector.extract %reduce_sum3A_1571[0, 0, 0] : f32 from vector<1x1x1xf32>
      %gt3A_1573 = vector.broadcast %scan3A_1557 : i32 to vector<1x128xi32>
      %gt3A_1574 = arith.cmpi sgt, %iota3A, %gt3A_1573 : vector<1x128xi32>
      %jit3A_1575 = arith.constant 1.000000e+00 : f32
      %jit3A_1576 = arith.constant 0.000000e+00 : f32
      %broadcast_in_dim3A_1577 = vector.broadcast %jit3A_1575 : f32 to vector<1x128xf32>
      %broadcast_in_dim3A_1578 = vector.broadcast %jit3A_1576 : f32 to vector<1x128xf32>
      %select_n3A_1579 = arith.select %gt3A_1574, %broadcast_in_dim3A_1577, %broadcast_in_dim3A_1578 : vector<1x128xi1>, vector<1x128xf32>
      %mul3A_1580 = arith.mulf %get3A_1561, %select_n3A_1579 : vector<1x128xf32>
      %lt3A = arith.constant 5.000000e-01 : f32
      %lt3A_1581 = arith.cmpf olt, %reduce_sum3A_1572, %lt3A : f32
      %jit3A_1582 = arith.constant 1.000000e+00 : f32
      %jit3A_1583 = arith.constant 0.000000e+00 : f32
      %select_n3A_1584 = arith.select %lt3A_1581, %jit3A_1582, %jit3A_1583 : f32
      %mul3A_1585 = vector.broadcast %select_n3A_1584 : f32 to vector<1x128xf32>
      %mul3A_1586 = arith.mulf %mul3A_1580, %mul3A_1585 : vector<1x128xf32>
      %max3A_1587 = arith.maximumf %scan3A_1558, %mul3A_1586 : vector<1x128xf32>
      scf.yield %max3A_1587 : vector<1x128xf32>
    }
    %scan3A_603 = arith.constant 128 : i32
    %swap3A_604 = arith.constant 5 : index
    %swap3A_605 = arith.constant 0 : index
    %swap3A_606 = vector.load %arg8[%swap3A_604, %swap3A_605] : memref<16x128xf32, #tpu.memory_space<vmem>>, vector<1x128xf32>
    tpu.vector_store %arg8[%swap3A_604, %swap3A_605], %scan3A_602 {strides = array<i32>} : memref<16x128xf32, #tpu.memory_space<vmem>>, vector<1x128xf32>,
    %get3A_607 = arith.constant 6 : index
    %get3A_608 = arith.constant 0 : index
    %get3A_609 = vector.load %arg0[%get3A_607, %get3A_608] : memref<16x128xf32, #tpu.memory_space<vmem>>, vector<1x128xf32>
    %get3A_610 = arith.constant 6 : index
    %get3A_611 = arith.constant 0 : index
    %get3A_612 = vector.load %arg1[%get3A_610, %get3A_611] : memref<16x128xf32, #tpu.memory_space<vmem>>, vector<1x128xf32>
    %get3A_613 = arith.constant 6 : index
    %get3A_614 = arith.constant 0 : index
    %get3A_615 = vector.load %arg2[%get3A_613, %get3A_614] : memref<16x128xf32, #tpu.memory_space<vmem>>, vector<1x128xf32>
    %get3A_616 = arith.constant 6 : index
    %get3A_617 = arith.constant 0 : index
    %get3A_618 = vector.load %arg3[%get3A_616, %get3A_617] : memref<16x128xf32, #tpu.memory_space<vmem>>, vector<1x128xf32>
    %sub3A_619 = arith.subf %get3A_615, %get3A_609 : vector<1x128xf32>
    %sub3A_620 = arith.subf %get3A_618, %get3A_612 : vector<1x128xf32>
    %mul3A_621 = arith.mulf %sub3A_619, %sub3A_620 : vector<1x128xf32>
    %get3A_622 = arith.constant 768 : index
    %get3A_623 = arith.constant 0 : index
    %get3A_624 = vector.load %arg4[%get3A_622, %get3A_623] : memref<2048x1xf32, #tpu.memory_space<vmem>>, vector<128x1xf32>
    %get3A_625 = arith.constant 768 : index
    %get3A_626 = arith.constant 0 : index
    %get3A_627 = vector.load %arg5[%get3A_625, %get3A_626] : memref<2048x1xf32, #tpu.memory_space<vmem>>, vector<128x1xf32>
    %get3A_628 = arith.constant 768 : index
    %get3A_629 = arith.constant 0 : index
    %get3A_630 = vector.load %arg6[%get3A_628, %get3A_629] : memref<2048x1xf32, #tpu.memory_space<vmem>>, vector<128x1xf32>
    %get3A_631 = arith.constant 768 : index
    %get3A_632 = arith.constant 0 : index
    %get3A_633 = vector.load %arg7[%get3A_631, %get3A_632] : memref<2048x1xf32, #tpu.memory_space<vmem>>, vector<128x1xf32>
    %sub3A_634 = arith.subf %get3A_630, %get3A_624 : vector<128x1xf32>
    %sub3A_635 = arith.subf %get3A_633, %get3A_627 : vector<128x1xf32>
    %mul3A_636 = arith.mulf %sub3A_634, %sub3A_635 : vector<128x1xf32>
    %min3A_637 = vector.broadcast %get3A_630 : vector<128x1xf32> to vector<128x128xf32>
    %min3A_638 = vector.broadcast %get3A_615 : vector<1x128xf32> to vector<128x128xf32>
    %min3A_639 = arith.minimumf %min3A_637, %min3A_638 : vector<128x128xf32>
    %max3A_640 = vector.broadcast %get3A_624 : vector<128x1xf32> to vector<128x128xf32>
    %max3A_641 = vector.broadcast %get3A_609 : vector<1x128xf32> to vector<128x128xf32>
    %max3A_642 = arith.maximumf %max3A_640, %max3A_641 : vector<128x128xf32>
    %sub3A_643 = arith.subf %min3A_639, %max3A_642 : vector<128x128xf32>
    %max3A_644 = arith.constant 0.000000e+00 : f32
    %max3A_645 = vector.broadcast %max3A_644 : f32 to vector<128x128xf32>
    %max3A_646 = arith.maximumf %sub3A_643, %max3A_645 : vector<128x128xf32>
    %min3A_647 = vector.broadcast %get3A_633 : vector<128x1xf32> to vector<128x128xf32>
    %min3A_648 = vector.broadcast %get3A_618 : vector<1x128xf32> to vector<128x128xf32>
    %min3A_649 = arith.minimumf %min3A_647, %min3A_648 : vector<128x128xf32>
    %max3A_650 = vector.broadcast %get3A_627 : vector<128x1xf32> to vector<128x128xf32>
    %max3A_651 = vector.broadcast %get3A_612 : vector<1x128xf32> to vector<128x128xf32>
    %max3A_652 = arith.maximumf %max3A_650, %max3A_651 : vector<128x128xf32>
    %sub3A_653 = arith.subf %min3A_649, %max3A_652 : vector<128x128xf32>
    %max3A_654 = arith.constant 0.000000e+00 : f32
    %max3A_655 = vector.broadcast %max3A_654 : f32 to vector<128x128xf32>
    %max3A_656 = arith.maximumf %sub3A_653, %max3A_655 : vector<128x128xf32>
    %mul3A_657 = arith.mulf %max3A_646, %max3A_656 : vector<128x128xf32>
    %add3A_658 = vector.broadcast %mul3A_636 : vector<128x1xf32> to vector<128x128xf32>
    %add3A_659 = vector.broadcast %mul3A_621 : vector<1x128xf32> to vector<128x128xf32>
    %add3A_660 = arith.addf %add3A_658, %add3A_659 : vector<128x128xf32>
    %sub3A_661 = arith.subf %add3A_660, %mul3A_657 : vector<128x128xf32>
    %max3A_662 = arith.constant 9.99999971E-10 : f32
    %max3A_663 = vector.broadcast %max3A_662 : f32 to vector<128x128xf32>
    %max3A_664 = arith.maximumf %sub3A_661, %max3A_663 : vector<128x128xf32>
    %div3A_665 = arith.divf %mul3A_657, %max3A_664 : vector<128x128xf32>
    %gt3A_666 = arith.constant 5.000000e-01 : f32
    %gt3A_667 = vector.broadcast %gt3A_666 : f32 to vector<128x128xf32>
    %gt3A_668 = arith.cmpf ogt, %div3A_665, %gt3A_667 : vector<128x128xf32>
    %jit3A_669 = arith.constant 1.000000e+00 : f32
    %jit3A_670 = arith.constant 0.000000e+00 : f32
    %broadcast_in_dim3A_671 = vector.broadcast %jit3A_669 : f32 to vector<128x128xf32>
    %broadcast_in_dim3A_672 = vector.broadcast %jit3A_670 : f32 to vector<128x128xf32>
    %select_n3A_673 = arith.select %gt3A_668, %broadcast_in_dim3A_671, %broadcast_in_dim3A_672 : vector<128x128xi1>, vector<128x128xf32>
    %swap3A_674 = arith.constant 0 : index
    %swap3A_675 = arith.constant 0 : index
    %swap3A_676 = vector.load %arg9[%swap3A_674, %swap3A_675] : memref<128x128xf32, #tpu.memory_space<vmem>>, vector<128x128xf32>
    tpu.vector_store %arg9[%swap3A_674, %swap3A_675], %select_n3A_673 {strides = array<i32>} : memref<128x128xf32, #tpu.memory_space<vmem>>, vector<128x128xf32>,
    %broadcast_in_dim3A_677 = arith.constant 0.000000e+00 : f32
    %broadcast_in_dim3A_678 = vector.broadcast %broadcast_in_dim3A_677 : f32 to vector<1x128xf32>
    %scan3A_679 = arith.constant 0 : i32
    %scan3A_680 = arith.constant 6 : i32
    %scan3A_681 = arith.addi %scan3A_679, %scan3A_680 : i32
    %scan3A_682 = arith.constant 1 : i32
    %scan3A_683 = scf.for %scan3A_1557 = %scan3A_679 to %scan3A_681 step %scan3A_682 iter_args(%scan3A_1558 = %broadcast_in_dim3A_678) -> (vector<1x128xf32>)  : i32 {
      %mul3A_1559 = arith.constant 128 : i32
      %mul3A_1560 = arith.muli %scan3A_1557, %mul3A_1559 : i32
      %get3A_1561 = arith.index_cast %mul3A_1560 : i32 to index
      %get3A_1562 = arith.constant 0 : index
      %get3A_1563 = vector.load %arg4[%get3A_1561, %get3A_1562] : memref<2048x1xf32, #tpu.memory_space<vmem>>, vector<128x1xf32>
      %mul3A_1564 = arith.constant 128 : i32
      %mul3A_1565 = arith.muli %scan3A_1557, %mul3A_1564 : i32
      %get3A_1566 = arith.index_cast %mul3A_1565 : i32 to index
      %get3A_1567 = arith.constant 0 : index
      %get3A_1568 = vector.load %arg5[%get3A_1566, %get3A_1567] : memref<2048x1xf32, #tpu.memory_space<vmem>>, vector<128x1xf32>
      %mul3A_1569 = arith.constant 128 : i32
      %mul3A_1570 = arith.muli %scan3A_1557, %mul3A_1569 : i32
      %get3A_1571 = arith.index_cast %mul3A_1570 : i32 to index
      %get3A_1572 = arith.constant 0 : index
      %get3A_1573 = vector.load %arg6[%get3A_1571, %get3A_1572] : memref<2048x1xf32, #tpu.memory_space<vmem>>, vector<128x1xf32>
      %mul3A_1574 = arith.constant 128 : i32
      %mul3A_1575 = arith.muli %scan3A_1557, %mul3A_1574 : i32
      %get3A_1576 = arith.index_cast %mul3A_1575 : i32 to index
      %get3A_1577 = arith.constant 0 : index
      %get3A_1578 = vector.load %arg7[%get3A_1576, %get3A_1577] : memref<2048x1xf32, #tpu.memory_space<vmem>>, vector<128x1xf32>
      %sub3A_1579 = arith.subf %get3A_1573, %get3A_1563 : vector<128x1xf32>
      %sub3A_1580 = arith.subf %get3A_1578, %get3A_1568 : vector<128x1xf32>
      %mul3A_1581 = arith.mulf %sub3A_1579, %sub3A_1580 : vector<128x1xf32>
      %min3A_1582 = vector.broadcast %get3A_1573 : vector<128x1xf32> to vector<128x128xf32>
      %min3A_1583 = vector.broadcast %get3A_615 : vector<1x128xf32> to vector<128x128xf32>
      %min3A_1584 = arith.minimumf %min3A_1582, %min3A_1583 : vector<128x128xf32>
      %max3A_1585 = vector.broadcast %get3A_1563 : vector<128x1xf32> to vector<128x128xf32>
      %max3A_1586 = vector.broadcast %get3A_609 : vector<1x128xf32> to vector<128x128xf32>
      %max3A_1587 = arith.maximumf %max3A_1585, %max3A_1586 : vector<128x128xf32>
      %sub3A_1588 = arith.subf %min3A_1584, %max3A_1587 : vector<128x128xf32>
      %max3A_1589 = arith.constant 0.000000e+00 : f32
      %max3A_1590 = vector.broadcast %max3A_1589 : f32 to vector<128x128xf32>
      %max3A_1591 = arith.maximumf %sub3A_1588, %max3A_1590 : vector<128x128xf32>
      %min3A_1592 = vector.broadcast %get3A_1578 : vector<128x1xf32> to vector<128x128xf32>
      %min3A_1593 = vector.broadcast %get3A_618 : vector<1x128xf32> to vector<128x128xf32>
      %min3A_1594 = arith.minimumf %min3A_1592, %min3A_1593 : vector<128x128xf32>
      %max3A_1595 = vector.broadcast %get3A_1568 : vector<128x1xf32> to vector<128x128xf32>
      %max3A_1596 = vector.broadcast %get3A_612 : vector<1x128xf32> to vector<128x128xf32>
      %max3A_1597 = arith.maximumf %max3A_1595, %max3A_1596 : vector<128x128xf32>
      %sub3A_1598 = arith.subf %min3A_1594, %max3A_1597 : vector<128x128xf32>
      %max3A_1599 = arith.constant 0.000000e+00 : f32
      %max3A_1600 = vector.broadcast %max3A_1599 : f32 to vector<128x128xf32>
      %max3A_1601 = arith.maximumf %sub3A_1598, %max3A_1600 : vector<128x128xf32>
      %mul3A_1602 = arith.mulf %max3A_1591, %max3A_1601 : vector<128x128xf32>
      %add3A_1603 = vector.broadcast %mul3A_1581 : vector<128x1xf32> to vector<128x128xf32>
      %add3A_1604 = vector.broadcast %mul3A_621 : vector<1x128xf32> to vector<128x128xf32>
      %add3A_1605 = arith.addf %add3A_1603, %add3A_1604 : vector<128x128xf32>
      %sub3A_1606 = arith.subf %add3A_1605, %mul3A_1602 : vector<128x128xf32>
      %max3A_1607 = arith.constant 9.99999971E-10 : f32
      %max3A_1608 = vector.broadcast %max3A_1607 : f32 to vector<128x128xf32>
      %max3A_1609 = arith.maximumf %sub3A_1606, %max3A_1608 : vector<128x128xf32>
      %div3A_1610 = arith.divf %mul3A_1602, %max3A_1609 : vector<128x128xf32>
      %gt3A_1611 = arith.constant 5.000000e-01 : f32
      %gt3A_1612 = vector.broadcast %gt3A_1611 : f32 to vector<128x128xf32>
      %gt3A_1613 = arith.cmpf ogt, %div3A_1610, %gt3A_1612 : vector<128x128xf32>
      %jit3A_1614 = arith.constant 1.000000e+00 : f32
      %jit3A_1615 = arith.constant 0.000000e+00 : f32
      %broadcast_in_dim3A_1616 = vector.broadcast %jit3A_1614 : f32 to vector<128x128xf32>
      %broadcast_in_dim3A_1617 = vector.broadcast %jit3A_1615 : f32 to vector<128x128xf32>
      %select_n3A_1618 = arith.select %gt3A_1613, %broadcast_in_dim3A_1616, %broadcast_in_dim3A_1617 : vector<128x128xi1>, vector<128x128xf32>
      %get3A_1619 = arith.index_cast %scan3A_1557 : i32 to index
      %get3A_1620 = arith.constant 0 : index
      %get3A_1621 = vector.load %arg8[%get3A_1619, %get3A_1620] : memref<16x128xf32, #tpu.memory_space<vmem>>, vector<1x128xf32>
      %sub3A_1622 = arith.constant 1.000000e+00 : f32
      %sub3A_1623 = vector.broadcast %sub3A_1622 : f32 to vector<1x128xf32>
      %sub3A_1624 = arith.subf %sub3A_1623, %get3A_1621 : vector<1x128xf32>
      %dot_general3A_1625 = arith.constant dense<0.000000e+00> : vector<1x128xf32>
      %dot_general3A_1626 = tpu.matmul %sub3A_1624, %select_n3A_1618, %dot_general3A_1625 {dimension_numbers = #tpu.dot_dimension_numbers<[1], [0], [0], [1], [0, 0, 1, 1], [], []>, transpose_lhs_hint = false} : vector<1x128xf32>, vector<128x128xf32>, vector<1x128xf32> -> vector<1x128xf32>
      %add3A_1627 = arith.addf %scan3A_1558, %dot_general3A_1626 : vector<1x128xf32>
      scf.yield %add3A_1627 : vector<1x128xf32>
    }
    %scan3A_684 = arith.constant 6 : i32
    %gt3A_685 = arith.constant 0.000000e+00 : f32
    %gt3A_686 = vector.broadcast %gt3A_685 : f32 to vector<1x128xf32>
    %gt3A_687 = arith.cmpf ogt, %scan3A_683, %gt3A_686 : vector<1x128xf32>
    %jit3A_688 = arith.constant 1.000000e+00 : f32
    %jit3A_689 = arith.constant 0.000000e+00 : f32
    %broadcast_in_dim3A_690 = vector.broadcast %jit3A_688 : f32 to vector<1x128xf32>
    %broadcast_in_dim3A_691 = vector.broadcast %jit3A_689 : f32 to vector<1x128xf32>
    %select_n3A_692 = arith.select %gt3A_687, %broadcast_in_dim3A_690, %broadcast_in_dim3A_691 : vector<1x128xi1>, vector<1x128xf32>
    %scan3A_693 = arith.constant 0 : i32
    %scan3A_694 = arith.constant 128 : i32
    %scan3A_695 = arith.addi %scan3A_693, %scan3A_694 : i32
    %scan3A_696 = arith.constant 1 : i32
    %scan3A_697 = scf.for %scan3A_1557 = %scan3A_693 to %scan3A_695 step %scan3A_696 iter_args(%scan3A_1558 = %select_n3A_692) -> (vector<1x128xf32>)  : i32 {
      %get3A_1559 = arith.index_cast %scan3A_1557 : i32 to index
      %get3A_1560 = arith.constant 0 : index
      %get3A_1561 = vector.load %arg9[%get3A_1559, %get3A_1560] : memref<128x128xf32, #tpu.memory_space<vmem>>, vector<1x128xf32>
      %eq3A = vector.broadcast %scan3A_1557 : i32 to vector<1x128xi32>
      %eq3A_1562 = arith.cmpi eq, %iota3A, %eq3A : vector<1x128xi32>
      %jit3A_1563 = arith.constant 1.000000e+00 : f32
      %jit3A_1564 = arith.constant 0.000000e+00 : f32
      %broadcast_in_dim3A_1565 = vector.broadcast %jit3A_1563 : f32 to vector<1x128xf32>
      %broadcast_in_dim3A_1566 = vector.broadcast %jit3A_1564 : f32 to vector<1x128xf32>
      %select_n3A_1567 = arith.select %eq3A_1562, %broadcast_in_dim3A_1565, %broadcast_in_dim3A_1566 : vector<1x128xi1>, vector<1x128xf32>
      %mul3A_1568 = arith.mulf %scan3A_1558, %select_n3A_1567 : vector<1x128xf32>
      %reduce_sum3A = vector.shape_cast %mul3A_1568 : vector<1x128xf32> to vector<1x1x128xf32>
      %reduce_sum3A_1569 = arith.constant dense<0.000000e+00> : vector<1xf32>
      %reduce_sum3A_1570 = vector.multi_reduction <add>, %reduce_sum3A, %reduce_sum3A_1569 [1, 2] : vector<1x1x128xf32> to vector<1xf32>
      %reduce_sum3A_1571 = vector.shape_cast %reduce_sum3A_1570 : vector<1xf32> to vector<1x1x1xf32>
      %reduce_sum3A_1572 = vector.extract %reduce_sum3A_1571[0, 0, 0] : f32 from vector<1x1x1xf32>
      %gt3A_1573 = vector.broadcast %scan3A_1557 : i32 to vector<1x128xi32>
      %gt3A_1574 = arith.cmpi sgt, %iota3A, %gt3A_1573 : vector<1x128xi32>
      %jit3A_1575 = arith.constant 1.000000e+00 : f32
      %jit3A_1576 = arith.constant 0.000000e+00 : f32
      %broadcast_in_dim3A_1577 = vector.broadcast %jit3A_1575 : f32 to vector<1x128xf32>
      %broadcast_in_dim3A_1578 = vector.broadcast %jit3A_1576 : f32 to vector<1x128xf32>
      %select_n3A_1579 = arith.select %gt3A_1574, %broadcast_in_dim3A_1577, %broadcast_in_dim3A_1578 : vector<1x128xi1>, vector<1x128xf32>
      %mul3A_1580 = arith.mulf %get3A_1561, %select_n3A_1579 : vector<1x128xf32>
      %lt3A = arith.constant 5.000000e-01 : f32
      %lt3A_1581 = arith.cmpf olt, %reduce_sum3A_1572, %lt3A : f32
      %jit3A_1582 = arith.constant 1.000000e+00 : f32
      %jit3A_1583 = arith.constant 0.000000e+00 : f32
      %select_n3A_1584 = arith.select %lt3A_1581, %jit3A_1582, %jit3A_1583 : f32
      %mul3A_1585 = vector.broadcast %select_n3A_1584 : f32 to vector<1x128xf32>
      %mul3A_1586 = arith.mulf %mul3A_1580, %mul3A_1585 : vector<1x128xf32>
      %max3A_1587 = arith.maximumf %scan3A_1558, %mul3A_1586 : vector<1x128xf32>
      scf.yield %max3A_1587 : vector<1x128xf32>
    }
    %scan3A_698 = arith.constant 128 : i32
    %swap3A_699 = arith.constant 6 : index
    %swap3A_700 = arith.constant 0 : index
    %swap3A_701 = vector.load %arg8[%swap3A_699, %swap3A_700] : memref<16x128xf32, #tpu.memory_space<vmem>>, vector<1x128xf32>
    tpu.vector_store %arg8[%swap3A_699, %swap3A_700], %scan3A_697 {strides = array<i32>} : memref<16x128xf32, #tpu.memory_space<vmem>>, vector<1x128xf32>,
    %get3A_702 = arith.constant 7 : index
    %get3A_703 = arith.constant 0 : index
    %get3A_704 = vector.load %arg0[%get3A_702, %get3A_703] : memref<16x128xf32, #tpu.memory_space<vmem>>, vector<1x128xf32>
    %get3A_705 = arith.constant 7 : index
    %get3A_706 = arith.constant 0 : index
    %get3A_707 = vector.load %arg1[%get3A_705, %get3A_706] : memref<16x128xf32, #tpu.memory_space<vmem>>, vector<1x128xf32>
    %get3A_708 = arith.constant 7 : index
    %get3A_709 = arith.constant 0 : index
    %get3A_710 = vector.load %arg2[%get3A_708, %get3A_709] : memref<16x128xf32, #tpu.memory_space<vmem>>, vector<1x128xf32>
    %get3A_711 = arith.constant 7 : index
    %get3A_712 = arith.constant 0 : index
    %get3A_713 = vector.load %arg3[%get3A_711, %get3A_712] : memref<16x128xf32, #tpu.memory_space<vmem>>, vector<1x128xf32>
    %sub3A_714 = arith.subf %get3A_710, %get3A_704 : vector<1x128xf32>
    %sub3A_715 = arith.subf %get3A_713, %get3A_707 : vector<1x128xf32>
    %mul3A_716 = arith.mulf %sub3A_714, %sub3A_715 : vector<1x128xf32>
    %get3A_717 = arith.constant 896 : index
    %get3A_718 = arith.constant 0 : index
    %get3A_719 = vector.load %arg4[%get3A_717, %get3A_718] : memref<2048x1xf32, #tpu.memory_space<vmem>>, vector<128x1xf32>
    %get3A_720 = arith.constant 896 : index
    %get3A_721 = arith.constant 0 : index
    %get3A_722 = vector.load %arg5[%get3A_720, %get3A_721] : memref<2048x1xf32, #tpu.memory_space<vmem>>, vector<128x1xf32>
    %get3A_723 = arith.constant 896 : index
    %get3A_724 = arith.constant 0 : index
    %get3A_725 = vector.load %arg6[%get3A_723, %get3A_724] : memref<2048x1xf32, #tpu.memory_space<vmem>>, vector<128x1xf32>
    %get3A_726 = arith.constant 896 : index
    %get3A_727 = arith.constant 0 : index
    %get3A_728 = vector.load %arg7[%get3A_726, %get3A_727] : memref<2048x1xf32, #tpu.memory_space<vmem>>, vector<128x1xf32>
    %sub3A_729 = arith.subf %get3A_725, %get3A_719 : vector<128x1xf32>
    %sub3A_730 = arith.subf %get3A_728, %get3A_722 : vector<128x1xf32>
    %mul3A_731 = arith.mulf %sub3A_729, %sub3A_730 : vector<128x1xf32>
    %min3A_732 = vector.broadcast %get3A_725 : vector<128x1xf32> to vector<128x128xf32>
    %min3A_733 = vector.broadcast %get3A_710 : vector<1x128xf32> to vector<128x128xf32>
    %min3A_734 = arith.minimumf %min3A_732, %min3A_733 : vector<128x128xf32>
    %max3A_735 = vector.broadcast %get3A_719 : vector<128x1xf32> to vector<128x128xf32>
    %max3A_736 = vector.broadcast %get3A_704 : vector<1x128xf32> to vector<128x128xf32>
    %max3A_737 = arith.maximumf %max3A_735, %max3A_736 : vector<128x128xf32>
    %sub3A_738 = arith.subf %min3A_734, %max3A_737 : vector<128x128xf32>
    %max3A_739 = arith.constant 0.000000e+00 : f32
    %max3A_740 = vector.broadcast %max3A_739 : f32 to vector<128x128xf32>
    %max3A_741 = arith.maximumf %sub3A_738, %max3A_740 : vector<128x128xf32>
    %min3A_742 = vector.broadcast %get3A_728 : vector<128x1xf32> to vector<128x128xf32>
    %min3A_743 = vector.broadcast %get3A_713 : vector<1x128xf32> to vector<128x128xf32>
    %min3A_744 = arith.minimumf %min3A_742, %min3A_743 : vector<128x128xf32>
    %max3A_745 = vector.broadcast %get3A_722 : vector<128x1xf32> to vector<128x128xf32>
    %max3A_746 = vector.broadcast %get3A_707 : vector<1x128xf32> to vector<128x128xf32>
    %max3A_747 = arith.maximumf %max3A_745, %max3A_746 : vector<128x128xf32>
    %sub3A_748 = arith.subf %min3A_744, %max3A_747 : vector<128x128xf32>
    %max3A_749 = arith.constant 0.000000e+00 : f32
    %max3A_750 = vector.broadcast %max3A_749 : f32 to vector<128x128xf32>
    %max3A_751 = arith.maximumf %sub3A_748, %max3A_750 : vector<128x128xf32>
    %mul3A_752 = arith.mulf %max3A_741, %max3A_751 : vector<128x128xf32>
    %add3A_753 = vector.broadcast %mul3A_731 : vector<128x1xf32> to vector<128x128xf32>
    %add3A_754 = vector.broadcast %mul3A_716 : vector<1x128xf32> to vector<128x128xf32>
    %add3A_755 = arith.addf %add3A_753, %add3A_754 : vector<128x128xf32>
    %sub3A_756 = arith.subf %add3A_755, %mul3A_752 : vector<128x128xf32>
    %max3A_757 = arith.constant 9.99999971E-10 : f32
    %max3A_758 = vector.broadcast %max3A_757 : f32 to vector<128x128xf32>
    %max3A_759 = arith.maximumf %sub3A_756, %max3A_758 : vector<128x128xf32>
    %div3A_760 = arith.divf %mul3A_752, %max3A_759 : vector<128x128xf32>
    %gt3A_761 = arith.constant 5.000000e-01 : f32
    %gt3A_762 = vector.broadcast %gt3A_761 : f32 to vector<128x128xf32>
    %gt3A_763 = arith.cmpf ogt, %div3A_760, %gt3A_762 : vector<128x128xf32>
    %jit3A_764 = arith.constant 1.000000e+00 : f32
    %jit3A_765 = arith.constant 0.000000e+00 : f32
    %broadcast_in_dim3A_766 = vector.broadcast %jit3A_764 : f32 to vector<128x128xf32>
    %broadcast_in_dim3A_767 = vector.broadcast %jit3A_765 : f32 to vector<128x128xf32>
    %select_n3A_768 = arith.select %gt3A_763, %broadcast_in_dim3A_766, %broadcast_in_dim3A_767 : vector<128x128xi1>, vector<128x128xf32>
    %swap3A_769 = arith.constant 0 : index
    %swap3A_770 = arith.constant 0 : index
    %swap3A_771 = vector.load %arg9[%swap3A_769, %swap3A_770] : memref<128x128xf32, #tpu.memory_space<vmem>>, vector<128x128xf32>
    tpu.vector_store %arg9[%swap3A_769, %swap3A_770], %select_n3A_768 {strides = array<i32>} : memref<128x128xf32, #tpu.memory_space<vmem>>, vector<128x128xf32>,
    %broadcast_in_dim3A_772 = arith.constant 0.000000e+00 : f32
    %broadcast_in_dim3A_773 = vector.broadcast %broadcast_in_dim3A_772 : f32 to vector<1x128xf32>
    %scan3A_774 = arith.constant 0 : i32
    %scan3A_775 = arith.constant 7 : i32
    %scan3A_776 = arith.addi %scan3A_774, %scan3A_775 : i32
    %scan3A_777 = arith.constant 1 : i32
    %scan3A_778 = scf.for %scan3A_1557 = %scan3A_774 to %scan3A_776 step %scan3A_777 iter_args(%scan3A_1558 = %broadcast_in_dim3A_773) -> (vector<1x128xf32>)  : i32 {
      %mul3A_1559 = arith.constant 128 : i32
      %mul3A_1560 = arith.muli %scan3A_1557, %mul3A_1559 : i32
      %get3A_1561 = arith.index_cast %mul3A_1560 : i32 to index
      %get3A_1562 = arith.constant 0 : index
      %get3A_1563 = vector.load %arg4[%get3A_1561, %get3A_1562] : memref<2048x1xf32, #tpu.memory_space<vmem>>, vector<128x1xf32>
      %mul3A_1564 = arith.constant 128 : i32
      %mul3A_1565 = arith.muli %scan3A_1557, %mul3A_1564 : i32
      %get3A_1566 = arith.index_cast %mul3A_1565 : i32 to index
      %get3A_1567 = arith.constant 0 : index
      %get3A_1568 = vector.load %arg5[%get3A_1566, %get3A_1567] : memref<2048x1xf32, #tpu.memory_space<vmem>>, vector<128x1xf32>
      %mul3A_1569 = arith.constant 128 : i32
      %mul3A_1570 = arith.muli %scan3A_1557, %mul3A_1569 : i32
      %get3A_1571 = arith.index_cast %mul3A_1570 : i32 to index
      %get3A_1572 = arith.constant 0 : index
      %get3A_1573 = vector.load %arg6[%get3A_1571, %get3A_1572] : memref<2048x1xf32, #tpu.memory_space<vmem>>, vector<128x1xf32>
      %mul3A_1574 = arith.constant 128 : i32
      %mul3A_1575 = arith.muli %scan3A_1557, %mul3A_1574 : i32
      %get3A_1576 = arith.index_cast %mul3A_1575 : i32 to index
      %get3A_1577 = arith.constant 0 : index
      %get3A_1578 = vector.load %arg7[%get3A_1576, %get3A_1577] : memref<2048x1xf32, #tpu.memory_space<vmem>>, vector<128x1xf32>
      %sub3A_1579 = arith.subf %get3A_1573, %get3A_1563 : vector<128x1xf32>
      %sub3A_1580 = arith.subf %get3A_1578, %get3A_1568 : vector<128x1xf32>
      %mul3A_1581 = arith.mulf %sub3A_1579, %sub3A_1580 : vector<128x1xf32>
      %min3A_1582 = vector.broadcast %get3A_1573 : vector<128x1xf32> to vector<128x128xf32>
      %min3A_1583 = vector.broadcast %get3A_710 : vector<1x128xf32> to vector<128x128xf32>
      %min3A_1584 = arith.minimumf %min3A_1582, %min3A_1583 : vector<128x128xf32>
      %max3A_1585 = vector.broadcast %get3A_1563 : vector<128x1xf32> to vector<128x128xf32>
      %max3A_1586 = vector.broadcast %get3A_704 : vector<1x128xf32> to vector<128x128xf32>
      %max3A_1587 = arith.maximumf %max3A_1585, %max3A_1586 : vector<128x128xf32>
      %sub3A_1588 = arith.subf %min3A_1584, %max3A_1587 : vector<128x128xf32>
      %max3A_1589 = arith.constant 0.000000e+00 : f32
      %max3A_1590 = vector.broadcast %max3A_1589 : f32 to vector<128x128xf32>
      %max3A_1591 = arith.maximumf %sub3A_1588, %max3A_1590 : vector<128x128xf32>
      %min3A_1592 = vector.broadcast %get3A_1578 : vector<128x1xf32> to vector<128x128xf32>
      %min3A_1593 = vector.broadcast %get3A_713 : vector<1x128xf32> to vector<128x128xf32>
      %min3A_1594 = arith.minimumf %min3A_1592, %min3A_1593 : vector<128x128xf32>
      %max3A_1595 = vector.broadcast %get3A_1568 : vector<128x1xf32> to vector<128x128xf32>
      %max3A_1596 = vector.broadcast %get3A_707 : vector<1x128xf32> to vector<128x128xf32>
      %max3A_1597 = arith.maximumf %max3A_1595, %max3A_1596 : vector<128x128xf32>
      %sub3A_1598 = arith.subf %min3A_1594, %max3A_1597 : vector<128x128xf32>
      %max3A_1599 = arith.constant 0.000000e+00 : f32
      %max3A_1600 = vector.broadcast %max3A_1599 : f32 to vector<128x128xf32>
      %max3A_1601 = arith.maximumf %sub3A_1598, %max3A_1600 : vector<128x128xf32>
      %mul3A_1602 = arith.mulf %max3A_1591, %max3A_1601 : vector<128x128xf32>
      %add3A_1603 = vector.broadcast %mul3A_1581 : vector<128x1xf32> to vector<128x128xf32>
      %add3A_1604 = vector.broadcast %mul3A_716 : vector<1x128xf32> to vector<128x128xf32>
      %add3A_1605 = arith.addf %add3A_1603, %add3A_1604 : vector<128x128xf32>
      %sub3A_1606 = arith.subf %add3A_1605, %mul3A_1602 : vector<128x128xf32>
      %max3A_1607 = arith.constant 9.99999971E-10 : f32
      %max3A_1608 = vector.broadcast %max3A_1607 : f32 to vector<128x128xf32>
      %max3A_1609 = arith.maximumf %sub3A_1606, %max3A_1608 : vector<128x128xf32>
      %div3A_1610 = arith.divf %mul3A_1602, %max3A_1609 : vector<128x128xf32>
      %gt3A_1611 = arith.constant 5.000000e-01 : f32
      %gt3A_1612 = vector.broadcast %gt3A_1611 : f32 to vector<128x128xf32>
      %gt3A_1613 = arith.cmpf ogt, %div3A_1610, %gt3A_1612 : vector<128x128xf32>
      %jit3A_1614 = arith.constant 1.000000e+00 : f32
      %jit3A_1615 = arith.constant 0.000000e+00 : f32
      %broadcast_in_dim3A_1616 = vector.broadcast %jit3A_1614 : f32 to vector<128x128xf32>
      %broadcast_in_dim3A_1617 = vector.broadcast %jit3A_1615 : f32 to vector<128x128xf32>
      %select_n3A_1618 = arith.select %gt3A_1613, %broadcast_in_dim3A_1616, %broadcast_in_dim3A_1617 : vector<128x128xi1>, vector<128x128xf32>
      %get3A_1619 = arith.index_cast %scan3A_1557 : i32 to index
      %get3A_1620 = arith.constant 0 : index
      %get3A_1621 = vector.load %arg8[%get3A_1619, %get3A_1620] : memref<16x128xf32, #tpu.memory_space<vmem>>, vector<1x128xf32>
      %sub3A_1622 = arith.constant 1.000000e+00 : f32
      %sub3A_1623 = vector.broadcast %sub3A_1622 : f32 to vector<1x128xf32>
      %sub3A_1624 = arith.subf %sub3A_1623, %get3A_1621 : vector<1x128xf32>
      %dot_general3A_1625 = arith.constant dense<0.000000e+00> : vector<1x128xf32>
      %dot_general3A_1626 = tpu.matmul %sub3A_1624, %select_n3A_1618, %dot_general3A_1625 {dimension_numbers = #tpu.dot_dimension_numbers<[1], [0], [0], [1], [0, 0, 1, 1], [], []>, transpose_lhs_hint = false} : vector<1x128xf32>, vector<128x128xf32>, vector<1x128xf32> -> vector<1x128xf32>
      %add3A_1627 = arith.addf %scan3A_1558, %dot_general3A_1626 : vector<1x128xf32>
      scf.yield %add3A_1627 : vector<1x128xf32>
    }
    %scan3A_779 = arith.constant 7 : i32
    %gt3A_780 = arith.constant 0.000000e+00 : f32
    %gt3A_781 = vector.broadcast %gt3A_780 : f32 to vector<1x128xf32>
    %gt3A_782 = arith.cmpf ogt, %scan3A_778, %gt3A_781 : vector<1x128xf32>
    %jit3A_783 = arith.constant 1.000000e+00 : f32
    %jit3A_784 = arith.constant 0.000000e+00 : f32
    %broadcast_in_dim3A_785 = vector.broadcast %jit3A_783 : f32 to vector<1x128xf32>
    %broadcast_in_dim3A_786 = vector.broadcast %jit3A_784 : f32 to vector<1x128xf32>
    %select_n3A_787 = arith.select %gt3A_782, %broadcast_in_dim3A_785, %broadcast_in_dim3A_786 : vector<1x128xi1>, vector<1x128xf32>
    %scan3A_788 = arith.constant 0 : i32
    %scan3A_789 = arith.constant 128 : i32
    %scan3A_790 = arith.addi %scan3A_788, %scan3A_789 : i32
    %scan3A_791 = arith.constant 1 : i32
    %scan3A_792 = scf.for %scan3A_1557 = %scan3A_788 to %scan3A_790 step %scan3A_791 iter_args(%scan3A_1558 = %select_n3A_787) -> (vector<1x128xf32>)  : i32 {
      %get3A_1559 = arith.index_cast %scan3A_1557 : i32 to index
      %get3A_1560 = arith.constant 0 : index
      %get3A_1561 = vector.load %arg9[%get3A_1559, %get3A_1560] : memref<128x128xf32, #tpu.memory_space<vmem>>, vector<1x128xf32>
      %eq3A = vector.broadcast %scan3A_1557 : i32 to vector<1x128xi32>
      %eq3A_1562 = arith.cmpi eq, %iota3A, %eq3A : vector<1x128xi32>
      %jit3A_1563 = arith.constant 1.000000e+00 : f32
      %jit3A_1564 = arith.constant 0.000000e+00 : f32
      %broadcast_in_dim3A_1565 = vector.broadcast %jit3A_1563 : f32 to vector<1x128xf32>
      %broadcast_in_dim3A_1566 = vector.broadcast %jit3A_1564 : f32 to vector<1x128xf32>
      %select_n3A_1567 = arith.select %eq3A_1562, %broadcast_in_dim3A_1565, %broadcast_in_dim3A_1566 : vector<1x128xi1>, vector<1x128xf32>
      %mul3A_1568 = arith.mulf %scan3A_1558, %select_n3A_1567 : vector<1x128xf32>
      %reduce_sum3A = vector.shape_cast %mul3A_1568 : vector<1x128xf32> to vector<1x1x128xf32>
      %reduce_sum3A_1569 = arith.constant dense<0.000000e+00> : vector<1xf32>
      %reduce_sum3A_1570 = vector.multi_reduction <add>, %reduce_sum3A, %reduce_sum3A_1569 [1, 2] : vector<1x1x128xf32> to vector<1xf32>
      %reduce_sum3A_1571 = vector.shape_cast %reduce_sum3A_1570 : vector<1xf32> to vector<1x1x1xf32>
      %reduce_sum3A_1572 = vector.extract %reduce_sum3A_1571[0, 0, 0] : f32 from vector<1x1x1xf32>
      %gt3A_1573 = vector.broadcast %scan3A_1557 : i32 to vector<1x128xi32>
      %gt3A_1574 = arith.cmpi sgt, %iota3A, %gt3A_1573 : vector<1x128xi32>
      %jit3A_1575 = arith.constant 1.000000e+00 : f32
      %jit3A_1576 = arith.constant 0.000000e+00 : f32
      %broadcast_in_dim3A_1577 = vector.broadcast %jit3A_1575 : f32 to vector<1x128xf32>
      %broadcast_in_dim3A_1578 = vector.broadcast %jit3A_1576 : f32 to vector<1x128xf32>
      %select_n3A_1579 = arith.select %gt3A_1574, %broadcast_in_dim3A_1577, %broadcast_in_dim3A_1578 : vector<1x128xi1>, vector<1x128xf32>
      %mul3A_1580 = arith.mulf %get3A_1561, %select_n3A_1579 : vector<1x128xf32>
      %lt3A = arith.constant 5.000000e-01 : f32
      %lt3A_1581 = arith.cmpf olt, %reduce_sum3A_1572, %lt3A : f32
      %jit3A_1582 = arith.constant 1.000000e+00 : f32
      %jit3A_1583 = arith.constant 0.000000e+00 : f32
      %select_n3A_1584 = arith.select %lt3A_1581, %jit3A_1582, %jit3A_1583 : f32
      %mul3A_1585 = vector.broadcast %select_n3A_1584 : f32 to vector<1x128xf32>
      %mul3A_1586 = arith.mulf %mul3A_1580, %mul3A_1585 : vector<1x128xf32>
      %max3A_1587 = arith.maximumf %scan3A_1558, %mul3A_1586 : vector<1x128xf32>
      scf.yield %max3A_1587 : vector<1x128xf32>
    }
    %scan3A_793 = arith.constant 128 : i32
    %swap3A_794 = arith.constant 7 : index
    %swap3A_795 = arith.constant 0 : index
    %swap3A_796 = vector.load %arg8[%swap3A_794, %swap3A_795] : memref<16x128xf32, #tpu.memory_space<vmem>>, vector<1x128xf32>
    tpu.vector_store %arg8[%swap3A_794, %swap3A_795], %scan3A_792 {strides = array<i32>} : memref<16x128xf32, #tpu.memory_space<vmem>>, vector<1x128xf32>,
    %get3A_797 = arith.constant 8 : index
    %get3A_798 = arith.constant 0 : index
    %get3A_799 = vector.load %arg0[%get3A_797, %get3A_798] : memref<16x128xf32, #tpu.memory_space<vmem>>, vector<1x128xf32>
    %get3A_800 = arith.constant 8 : index
    %get3A_801 = arith.constant 0 : index
    %get3A_802 = vector.load %arg1[%get3A_800, %get3A_801] : memref<16x128xf32, #tpu.memory_space<vmem>>, vector<1x128xf32>
    %get3A_803 = arith.constant 8 : index
    %get3A_804 = arith.constant 0 : index
    %get3A_805 = vector.load %arg2[%get3A_803, %get3A_804] : memref<16x128xf32, #tpu.memory_space<vmem>>, vector<1x128xf32>
    %get3A_806 = arith.constant 8 : index
    %get3A_807 = arith.constant 0 : index
    %get3A_808 = vector.load %arg3[%get3A_806, %get3A_807] : memref<16x128xf32, #tpu.memory_space<vmem>>, vector<1x128xf32>
    %sub3A_809 = arith.subf %get3A_805, %get3A_799 : vector<1x128xf32>
    %sub3A_810 = arith.subf %get3A_808, %get3A_802 : vector<1x128xf32>
    %mul3A_811 = arith.mulf %sub3A_809, %sub3A_810 : vector<1x128xf32>
    %get3A_812 = arith.constant 1024 : index
    %get3A_813 = arith.constant 0 : index
    %get3A_814 = vector.load %arg4[%get3A_812, %get3A_813] : memref<2048x1xf32, #tpu.memory_space<vmem>>, vector<128x1xf32>
    %get3A_815 = arith.constant 1024 : index
    %get3A_816 = arith.constant 0 : index
    %get3A_817 = vector.load %arg5[%get3A_815, %get3A_816] : memref<2048x1xf32, #tpu.memory_space<vmem>>, vector<128x1xf32>
    %get3A_818 = arith.constant 1024 : index
    %get3A_819 = arith.constant 0 : index
    %get3A_820 = vector.load %arg6[%get3A_818, %get3A_819] : memref<2048x1xf32, #tpu.memory_space<vmem>>, vector<128x1xf32>
    %get3A_821 = arith.constant 1024 : index
    %get3A_822 = arith.constant 0 : index
    %get3A_823 = vector.load %arg7[%get3A_821, %get3A_822] : memref<2048x1xf32, #tpu.memory_space<vmem>>, vector<128x1xf32>
    %sub3A_824 = arith.subf %get3A_820, %get3A_814 : vector<128x1xf32>
    %sub3A_825 = arith.subf %get3A_823, %get3A_817 : vector<128x1xf32>
    %mul3A_826 = arith.mulf %sub3A_824, %sub3A_825 : vector<128x1xf32>
    %min3A_827 = vector.broadcast %get3A_820 : vector<128x1xf32> to vector<128x128xf32>
    %min3A_828 = vector.broadcast %get3A_805 : vector<1x128xf32> to vector<128x128xf32>
    %min3A_829 = arith.minimumf %min3A_827, %min3A_828 : vector<128x128xf32>
    %max3A_830 = vector.broadcast %get3A_814 : vector<128x1xf32> to vector<128x128xf32>
    %max3A_831 = vector.broadcast %get3A_799 : vector<1x128xf32> to vector<128x128xf32>
    %max3A_832 = arith.maximumf %max3A_830, %max3A_831 : vector<128x128xf32>
    %sub3A_833 = arith.subf %min3A_829, %max3A_832 : vector<128x128xf32>
    %max3A_834 = arith.constant 0.000000e+00 : f32
    %max3A_835 = vector.broadcast %max3A_834 : f32 to vector<128x128xf32>
    %max3A_836 = arith.maximumf %sub3A_833, %max3A_835 : vector<128x128xf32>
    %min3A_837 = vector.broadcast %get3A_823 : vector<128x1xf32> to vector<128x128xf32>
    %min3A_838 = vector.broadcast %get3A_808 : vector<1x128xf32> to vector<128x128xf32>
    %min3A_839 = arith.minimumf %min3A_837, %min3A_838 : vector<128x128xf32>
    %max3A_840 = vector.broadcast %get3A_817 : vector<128x1xf32> to vector<128x128xf32>
    %max3A_841 = vector.broadcast %get3A_802 : vector<1x128xf32> to vector<128x128xf32>
    %max3A_842 = arith.maximumf %max3A_840, %max3A_841 : vector<128x128xf32>
    %sub3A_843 = arith.subf %min3A_839, %max3A_842 : vector<128x128xf32>
    %max3A_844 = arith.constant 0.000000e+00 : f32
    %max3A_845 = vector.broadcast %max3A_844 : f32 to vector<128x128xf32>
    %max3A_846 = arith.maximumf %sub3A_843, %max3A_845 : vector<128x128xf32>
    %mul3A_847 = arith.mulf %max3A_836, %max3A_846 : vector<128x128xf32>
    %add3A_848 = vector.broadcast %mul3A_826 : vector<128x1xf32> to vector<128x128xf32>
    %add3A_849 = vector.broadcast %mul3A_811 : vector<1x128xf32> to vector<128x128xf32>
    %add3A_850 = arith.addf %add3A_848, %add3A_849 : vector<128x128xf32>
    %sub3A_851 = arith.subf %add3A_850, %mul3A_847 : vector<128x128xf32>
    %max3A_852 = arith.constant 9.99999971E-10 : f32
    %max3A_853 = vector.broadcast %max3A_852 : f32 to vector<128x128xf32>
    %max3A_854 = arith.maximumf %sub3A_851, %max3A_853 : vector<128x128xf32>
    %div3A_855 = arith.divf %mul3A_847, %max3A_854 : vector<128x128xf32>
    %gt3A_856 = arith.constant 5.000000e-01 : f32
    %gt3A_857 = vector.broadcast %gt3A_856 : f32 to vector<128x128xf32>
    %gt3A_858 = arith.cmpf ogt, %div3A_855, %gt3A_857 : vector<128x128xf32>
    %jit3A_859 = arith.constant 1.000000e+00 : f32
    %jit3A_860 = arith.constant 0.000000e+00 : f32
    %broadcast_in_dim3A_861 = vector.broadcast %jit3A_859 : f32 to vector<128x128xf32>
    %broadcast_in_dim3A_862 = vector.broadcast %jit3A_860 : f32 to vector<128x128xf32>
    %select_n3A_863 = arith.select %gt3A_858, %broadcast_in_dim3A_861, %broadcast_in_dim3A_862 : vector<128x128xi1>, vector<128x128xf32>
    %swap3A_864 = arith.constant 0 : index
    %swap3A_865 = arith.constant 0 : index
    %swap3A_866 = vector.load %arg9[%swap3A_864, %swap3A_865] : memref<128x128xf32, #tpu.memory_space<vmem>>, vector<128x128xf32>
    tpu.vector_store %arg9[%swap3A_864, %swap3A_865], %select_n3A_863 {strides = array<i32>} : memref<128x128xf32, #tpu.memory_space<vmem>>, vector<128x128xf32>,
    %broadcast_in_dim3A_867 = arith.constant 0.000000e+00 : f32
    %broadcast_in_dim3A_868 = vector.broadcast %broadcast_in_dim3A_867 : f32 to vector<1x128xf32>
    %scan3A_869 = arith.constant 0 : i32
    %scan3A_870 = arith.constant 8 : i32
    %scan3A_871 = arith.addi %scan3A_869, %scan3A_870 : i32
    %scan3A_872 = arith.constant 1 : i32
    %scan3A_873 = scf.for %scan3A_1557 = %scan3A_869 to %scan3A_871 step %scan3A_872 iter_args(%scan3A_1558 = %broadcast_in_dim3A_868) -> (vector<1x128xf32>)  : i32 {
      %mul3A_1559 = arith.constant 128 : i32
      %mul3A_1560 = arith.muli %scan3A_1557, %mul3A_1559 : i32
      %get3A_1561 = arith.index_cast %mul3A_1560 : i32 to index
      %get3A_1562 = arith.constant 0 : index
      %get3A_1563 = vector.load %arg4[%get3A_1561, %get3A_1562] : memref<2048x1xf32, #tpu.memory_space<vmem>>, vector<128x1xf32>
      %mul3A_1564 = arith.constant 128 : i32
      %mul3A_1565 = arith.muli %scan3A_1557, %mul3A_1564 : i32
      %get3A_1566 = arith.index_cast %mul3A_1565 : i32 to index
      %get3A_1567 = arith.constant 0 : index
      %get3A_1568 = vector.load %arg5[%get3A_1566, %get3A_1567] : memref<2048x1xf32, #tpu.memory_space<vmem>>, vector<128x1xf32>
      %mul3A_1569 = arith.constant 128 : i32
      %mul3A_1570 = arith.muli %scan3A_1557, %mul3A_1569 : i32
      %get3A_1571 = arith.index_cast %mul3A_1570 : i32 to index
      %get3A_1572 = arith.constant 0 : index
      %get3A_1573 = vector.load %arg6[%get3A_1571, %get3A_1572] : memref<2048x1xf32, #tpu.memory_space<vmem>>, vector<128x1xf32>
      %mul3A_1574 = arith.constant 128 : i32
      %mul3A_1575 = arith.muli %scan3A_1557, %mul3A_1574 : i32
      %get3A_1576 = arith.index_cast %mul3A_1575 : i32 to index
      %get3A_1577 = arith.constant 0 : index
      %get3A_1578 = vector.load %arg7[%get3A_1576, %get3A_1577] : memref<2048x1xf32, #tpu.memory_space<vmem>>, vector<128x1xf32>
      %sub3A_1579 = arith.subf %get3A_1573, %get3A_1563 : vector<128x1xf32>
      %sub3A_1580 = arith.subf %get3A_1578, %get3A_1568 : vector<128x1xf32>
      %mul3A_1581 = arith.mulf %sub3A_1579, %sub3A_1580 : vector<128x1xf32>
      %min3A_1582 = vector.broadcast %get3A_1573 : vector<128x1xf32> to vector<128x128xf32>
      %min3A_1583 = vector.broadcast %get3A_805 : vector<1x128xf32> to vector<128x128xf32>
      %min3A_1584 = arith.minimumf %min3A_1582, %min3A_1583 : vector<128x128xf32>
      %max3A_1585 = vector.broadcast %get3A_1563 : vector<128x1xf32> to vector<128x128xf32>
      %max3A_1586 = vector.broadcast %get3A_799 : vector<1x128xf32> to vector<128x128xf32>
      %max3A_1587 = arith.maximumf %max3A_1585, %max3A_1586 : vector<128x128xf32>
      %sub3A_1588 = arith.subf %min3A_1584, %max3A_1587 : vector<128x128xf32>
      %max3A_1589 = arith.constant 0.000000e+00 : f32
      %max3A_1590 = vector.broadcast %max3A_1589 : f32 to vector<128x128xf32>
      %max3A_1591 = arith.maximumf %sub3A_1588, %max3A_1590 : vector<128x128xf32>
      %min3A_1592 = vector.broadcast %get3A_1578 : vector<128x1xf32> to vector<128x128xf32>
      %min3A_1593 = vector.broadcast %get3A_808 : vector<1x128xf32> to vector<128x128xf32>
      %min3A_1594 = arith.minimumf %min3A_1592, %min3A_1593 : vector<128x128xf32>
      %max3A_1595 = vector.broadcast %get3A_1568 : vector<128x1xf32> to vector<128x128xf32>
      %max3A_1596 = vector.broadcast %get3A_802 : vector<1x128xf32> to vector<128x128xf32>
      %max3A_1597 = arith.maximumf %max3A_1595, %max3A_1596 : vector<128x128xf32>
      %sub3A_1598 = arith.subf %min3A_1594, %max3A_1597 : vector<128x128xf32>
      %max3A_1599 = arith.constant 0.000000e+00 : f32
      %max3A_1600 = vector.broadcast %max3A_1599 : f32 to vector<128x128xf32>
      %max3A_1601 = arith.maximumf %sub3A_1598, %max3A_1600 : vector<128x128xf32>
      %mul3A_1602 = arith.mulf %max3A_1591, %max3A_1601 : vector<128x128xf32>
      %add3A_1603 = vector.broadcast %mul3A_1581 : vector<128x1xf32> to vector<128x128xf32>
      %add3A_1604 = vector.broadcast %mul3A_811 : vector<1x128xf32> to vector<128x128xf32>
      %add3A_1605 = arith.addf %add3A_1603, %add3A_1604 : vector<128x128xf32>
      %sub3A_1606 = arith.subf %add3A_1605, %mul3A_1602 : vector<128x128xf32>
      %max3A_1607 = arith.constant 9.99999971E-10 : f32
      %max3A_1608 = vector.broadcast %max3A_1607 : f32 to vector<128x128xf32>
      %max3A_1609 = arith.maximumf %sub3A_1606, %max3A_1608 : vector<128x128xf32>
      %div3A_1610 = arith.divf %mul3A_1602, %max3A_1609 : vector<128x128xf32>
      %gt3A_1611 = arith.constant 5.000000e-01 : f32
      %gt3A_1612 = vector.broadcast %gt3A_1611 : f32 to vector<128x128xf32>
      %gt3A_1613 = arith.cmpf ogt, %div3A_1610, %gt3A_1612 : vector<128x128xf32>
      %jit3A_1614 = arith.constant 1.000000e+00 : f32
      %jit3A_1615 = arith.constant 0.000000e+00 : f32
      %broadcast_in_dim3A_1616 = vector.broadcast %jit3A_1614 : f32 to vector<128x128xf32>
      %broadcast_in_dim3A_1617 = vector.broadcast %jit3A_1615 : f32 to vector<128x128xf32>
      %select_n3A_1618 = arith.select %gt3A_1613, %broadcast_in_dim3A_1616, %broadcast_in_dim3A_1617 : vector<128x128xi1>, vector<128x128xf32>
      %get3A_1619 = arith.index_cast %scan3A_1557 : i32 to index
      %get3A_1620 = arith.constant 0 : index
      %get3A_1621 = vector.load %arg8[%get3A_1619, %get3A_1620] : memref<16x128xf32, #tpu.memory_space<vmem>>, vector<1x128xf32>
      %sub3A_1622 = arith.constant 1.000000e+00 : f32
      %sub3A_1623 = vector.broadcast %sub3A_1622 : f32 to vector<1x128xf32>
      %sub3A_1624 = arith.subf %sub3A_1623, %get3A_1621 : vector<1x128xf32>
      %dot_general3A_1625 = arith.constant dense<0.000000e+00> : vector<1x128xf32>
      %dot_general3A_1626 = tpu.matmul %sub3A_1624, %select_n3A_1618, %dot_general3A_1625 {dimension_numbers = #tpu.dot_dimension_numbers<[1], [0], [0], [1], [0, 0, 1, 1], [], []>, transpose_lhs_hint = false} : vector<1x128xf32>, vector<128x128xf32>, vector<1x128xf32> -> vector<1x128xf32>
      %add3A_1627 = arith.addf %scan3A_1558, %dot_general3A_1626 : vector<1x128xf32>
      scf.yield %add3A_1627 : vector<1x128xf32>
    }
    %scan3A_874 = arith.constant 8 : i32
    %gt3A_875 = arith.constant 0.000000e+00 : f32
    %gt3A_876 = vector.broadcast %gt3A_875 : f32 to vector<1x128xf32>
    %gt3A_877 = arith.cmpf ogt, %scan3A_873, %gt3A_876 : vector<1x128xf32>
    %jit3A_878 = arith.constant 1.000000e+00 : f32
    %jit3A_879 = arith.constant 0.000000e+00 : f32
    %broadcast_in_dim3A_880 = vector.broadcast %jit3A_878 : f32 to vector<1x128xf32>
    %broadcast_in_dim3A_881 = vector.broadcast %jit3A_879 : f32 to vector<1x128xf32>
    %select_n3A_882 = arith.select %gt3A_877, %broadcast_in_dim3A_880, %broadcast_in_dim3A_881 : vector<1x128xi1>, vector<1x128xf32>
    %scan3A_883 = arith.constant 0 : i32
    %scan3A_884 = arith.constant 128 : i32
    %scan3A_885 = arith.addi %scan3A_883, %scan3A_884 : i32
    %scan3A_886 = arith.constant 1 : i32
    %scan3A_887 = scf.for %scan3A_1557 = %scan3A_883 to %scan3A_885 step %scan3A_886 iter_args(%scan3A_1558 = %select_n3A_882) -> (vector<1x128xf32>)  : i32 {
      %get3A_1559 = arith.index_cast %scan3A_1557 : i32 to index
      %get3A_1560 = arith.constant 0 : index
      %get3A_1561 = vector.load %arg9[%get3A_1559, %get3A_1560] : memref<128x128xf32, #tpu.memory_space<vmem>>, vector<1x128xf32>
      %eq3A = vector.broadcast %scan3A_1557 : i32 to vector<1x128xi32>
      %eq3A_1562 = arith.cmpi eq, %iota3A, %eq3A : vector<1x128xi32>
      %jit3A_1563 = arith.constant 1.000000e+00 : f32
      %jit3A_1564 = arith.constant 0.000000e+00 : f32
      %broadcast_in_dim3A_1565 = vector.broadcast %jit3A_1563 : f32 to vector<1x128xf32>
      %broadcast_in_dim3A_1566 = vector.broadcast %jit3A_1564 : f32 to vector<1x128xf32>
      %select_n3A_1567 = arith.select %eq3A_1562, %broadcast_in_dim3A_1565, %broadcast_in_dim3A_1566 : vector<1x128xi1>, vector<1x128xf32>
      %mul3A_1568 = arith.mulf %scan3A_1558, %select_n3A_1567 : vector<1x128xf32>
      %reduce_sum3A = vector.shape_cast %mul3A_1568 : vector<1x128xf32> to vector<1x1x128xf32>
      %reduce_sum3A_1569 = arith.constant dense<0.000000e+00> : vector<1xf32>
      %reduce_sum3A_1570 = vector.multi_reduction <add>, %reduce_sum3A, %reduce_sum3A_1569 [1, 2] : vector<1x1x128xf32> to vector<1xf32>
      %reduce_sum3A_1571 = vector.shape_cast %reduce_sum3A_1570 : vector<1xf32> to vector<1x1x1xf32>
      %reduce_sum3A_1572 = vector.extract %reduce_sum3A_1571[0, 0, 0] : f32 from vector<1x1x1xf32>
      %gt3A_1573 = vector.broadcast %scan3A_1557 : i32 to vector<1x128xi32>
      %gt3A_1574 = arith.cmpi sgt, %iota3A, %gt3A_1573 : vector<1x128xi32>
      %jit3A_1575 = arith.constant 1.000000e+00 : f32
      %jit3A_1576 = arith.constant 0.000000e+00 : f32
      %broadcast_in_dim3A_1577 = vector.broadcast %jit3A_1575 : f32 to vector<1x128xf32>
      %broadcast_in_dim3A_1578 = vector.broadcast %jit3A_1576 : f32 to vector<1x128xf32>
      %select_n3A_1579 = arith.select %gt3A_1574, %broadcast_in_dim3A_1577, %broadcast_in_dim3A_1578 : vector<1x128xi1>, vector<1x128xf32>
      %mul3A_1580 = arith.mulf %get3A_1561, %select_n3A_1579 : vector<1x128xf32>
      %lt3A = arith.constant 5.000000e-01 : f32
      %lt3A_1581 = arith.cmpf olt, %reduce_sum3A_1572, %lt3A : f32
      %jit3A_1582 = arith.constant 1.000000e+00 : f32
      %jit3A_1583 = arith.constant 0.000000e+00 : f32
      %select_n3A_1584 = arith.select %lt3A_1581, %jit3A_1582, %jit3A_1583 : f32
      %mul3A_1585 = vector.broadcast %select_n3A_1584 : f32 to vector<1x128xf32>
      %mul3A_1586 = arith.mulf %mul3A_1580, %mul3A_1585 : vector<1x128xf32>
      %max3A_1587 = arith.maximumf %scan3A_1558, %mul3A_1586 : vector<1x128xf32>
      scf.yield %max3A_1587 : vector<1x128xf32>
    }
    %scan3A_888 = arith.constant 128 : i32
    %swap3A_889 = arith.constant 8 : index
    %swap3A_890 = arith.constant 0 : index
    %swap3A_891 = vector.load %arg8[%swap3A_889, %swap3A_890] : memref<16x128xf32, #tpu.memory_space<vmem>>, vector<1x128xf32>
    tpu.vector_store %arg8[%swap3A_889, %swap3A_890], %scan3A_887 {strides = array<i32>} : memref<16x128xf32, #tpu.memory_space<vmem>>, vector<1x128xf32>,
    %get3A_892 = arith.constant 9 : index
    %get3A_893 = arith.constant 0 : index
    %get3A_894 = vector.load %arg0[%get3A_892, %get3A_893] : memref<16x128xf32, #tpu.memory_space<vmem>>, vector<1x128xf32>
    %get3A_895 = arith.constant 9 : index
    %get3A_896 = arith.constant 0 : index
    %get3A_897 = vector.load %arg1[%get3A_895, %get3A_896] : memref<16x128xf32, #tpu.memory_space<vmem>>, vector<1x128xf32>
    %get3A_898 = arith.constant 9 : index
    %get3A_899 = arith.constant 0 : index
    %get3A_900 = vector.load %arg2[%get3A_898, %get3A_899] : memref<16x128xf32, #tpu.memory_space<vmem>>, vector<1x128xf32>
    %get3A_901 = arith.constant 9 : index
    %get3A_902 = arith.constant 0 : index
    %get3A_903 = vector.load %arg3[%get3A_901, %get3A_902] : memref<16x128xf32, #tpu.memory_space<vmem>>, vector<1x128xf32>
    %sub3A_904 = arith.subf %get3A_900, %get3A_894 : vector<1x128xf32>
    %sub3A_905 = arith.subf %get3A_903, %get3A_897 : vector<1x128xf32>
    %mul3A_906 = arith.mulf %sub3A_904, %sub3A_905 : vector<1x128xf32>
    %get3A_907 = arith.constant 1152 : index
    %get3A_908 = arith.constant 0 : index
    %get3A_909 = vector.load %arg4[%get3A_907, %get3A_908] : memref<2048x1xf32, #tpu.memory_space<vmem>>, vector<128x1xf32>
    %get3A_910 = arith.constant 1152 : index
    %get3A_911 = arith.constant 0 : index
    %get3A_912 = vector.load %arg5[%get3A_910, %get3A_911] : memref<2048x1xf32, #tpu.memory_space<vmem>>, vector<128x1xf32>
    %get3A_913 = arith.constant 1152 : index
    %get3A_914 = arith.constant 0 : index
    %get3A_915 = vector.load %arg6[%get3A_913, %get3A_914] : memref<2048x1xf32, #tpu.memory_space<vmem>>, vector<128x1xf32>
    %get3A_916 = arith.constant 1152 : index
    %get3A_917 = arith.constant 0 : index
    %get3A_918 = vector.load %arg7[%get3A_916, %get3A_917] : memref<2048x1xf32, #tpu.memory_space<vmem>>, vector<128x1xf32>
    %sub3A_919 = arith.subf %get3A_915, %get3A_909 : vector<128x1xf32>
    %sub3A_920 = arith.subf %get3A_918, %get3A_912 : vector<128x1xf32>
    %mul3A_921 = arith.mulf %sub3A_919, %sub3A_920 : vector<128x1xf32>
    %min3A_922 = vector.broadcast %get3A_915 : vector<128x1xf32> to vector<128x128xf32>
    %min3A_923 = vector.broadcast %get3A_900 : vector<1x128xf32> to vector<128x128xf32>
    %min3A_924 = arith.minimumf %min3A_922, %min3A_923 : vector<128x128xf32>
    %max3A_925 = vector.broadcast %get3A_909 : vector<128x1xf32> to vector<128x128xf32>
    %max3A_926 = vector.broadcast %get3A_894 : vector<1x128xf32> to vector<128x128xf32>
    %max3A_927 = arith.maximumf %max3A_925, %max3A_926 : vector<128x128xf32>
    %sub3A_928 = arith.subf %min3A_924, %max3A_927 : vector<128x128xf32>
    %max3A_929 = arith.constant 0.000000e+00 : f32
    %max3A_930 = vector.broadcast %max3A_929 : f32 to vector<128x128xf32>
    %max3A_931 = arith.maximumf %sub3A_928, %max3A_930 : vector<128x128xf32>
    %min3A_932 = vector.broadcast %get3A_918 : vector<128x1xf32> to vector<128x128xf32>
    %min3A_933 = vector.broadcast %get3A_903 : vector<1x128xf32> to vector<128x128xf32>
    %min3A_934 = arith.minimumf %min3A_932, %min3A_933 : vector<128x128xf32>
    %max3A_935 = vector.broadcast %get3A_912 : vector<128x1xf32> to vector<128x128xf32>
    %max3A_936 = vector.broadcast %get3A_897 : vector<1x128xf32> to vector<128x128xf32>
    %max3A_937 = arith.maximumf %max3A_935, %max3A_936 : vector<128x128xf32>
    %sub3A_938 = arith.subf %min3A_934, %max3A_937 : vector<128x128xf32>
    %max3A_939 = arith.constant 0.000000e+00 : f32
    %max3A_940 = vector.broadcast %max3A_939 : f32 to vector<128x128xf32>
    %max3A_941 = arith.maximumf %sub3A_938, %max3A_940 : vector<128x128xf32>
    %mul3A_942 = arith.mulf %max3A_931, %max3A_941 : vector<128x128xf32>
    %add3A_943 = vector.broadcast %mul3A_921 : vector<128x1xf32> to vector<128x128xf32>
    %add3A_944 = vector.broadcast %mul3A_906 : vector<1x128xf32> to vector<128x128xf32>
    %add3A_945 = arith.addf %add3A_943, %add3A_944 : vector<128x128xf32>
    %sub3A_946 = arith.subf %add3A_945, %mul3A_942 : vector<128x128xf32>
    %max3A_947 = arith.constant 9.99999971E-10 : f32
    %max3A_948 = vector.broadcast %max3A_947 : f32 to vector<128x128xf32>
    %max3A_949 = arith.maximumf %sub3A_946, %max3A_948 : vector<128x128xf32>
    %div3A_950 = arith.divf %mul3A_942, %max3A_949 : vector<128x128xf32>
    %gt3A_951 = arith.constant 5.000000e-01 : f32
    %gt3A_952 = vector.broadcast %gt3A_951 : f32 to vector<128x128xf32>
    %gt3A_953 = arith.cmpf ogt, %div3A_950, %gt3A_952 : vector<128x128xf32>
    %jit3A_954 = arith.constant 1.000000e+00 : f32
    %jit3A_955 = arith.constant 0.000000e+00 : f32
    %broadcast_in_dim3A_956 = vector.broadcast %jit3A_954 : f32 to vector<128x128xf32>
    %broadcast_in_dim3A_957 = vector.broadcast %jit3A_955 : f32 to vector<128x128xf32>
    %select_n3A_958 = arith.select %gt3A_953, %broadcast_in_dim3A_956, %broadcast_in_dim3A_957 : vector<128x128xi1>, vector<128x128xf32>
    %swap3A_959 = arith.constant 0 : index
    %swap3A_960 = arith.constant 0 : index
    %swap3A_961 = vector.load %arg9[%swap3A_959, %swap3A_960] : memref<128x128xf32, #tpu.memory_space<vmem>>, vector<128x128xf32>
    tpu.vector_store %arg9[%swap3A_959, %swap3A_960], %select_n3A_958 {strides = array<i32>} : memref<128x128xf32, #tpu.memory_space<vmem>>, vector<128x128xf32>,
    %broadcast_in_dim3A_962 = arith.constant 0.000000e+00 : f32
    %broadcast_in_dim3A_963 = vector.broadcast %broadcast_in_dim3A_962 : f32 to vector<1x128xf32>
    %scan3A_964 = arith.constant 0 : i32
    %scan3A_965 = arith.constant 9 : i32
    %scan3A_966 = arith.addi %scan3A_964, %scan3A_965 : i32
    %scan3A_967 = arith.constant 1 : i32
    %scan3A_968 = scf.for %scan3A_1557 = %scan3A_964 to %scan3A_966 step %scan3A_967 iter_args(%scan3A_1558 = %broadcast_in_dim3A_963) -> (vector<1x128xf32>)  : i32 {
      %mul3A_1559 = arith.constant 128 : i32
      %mul3A_1560 = arith.muli %scan3A_1557, %mul3A_1559 : i32
      %get3A_1561 = arith.index_cast %mul3A_1560 : i32 to index
      %get3A_1562 = arith.constant 0 : index
      %get3A_1563 = vector.load %arg4[%get3A_1561, %get3A_1562] : memref<2048x1xf32, #tpu.memory_space<vmem>>, vector<128x1xf32>
      %mul3A_1564 = arith.constant 128 : i32
      %mul3A_1565 = arith.muli %scan3A_1557, %mul3A_1564 : i32
      %get3A_1566 = arith.index_cast %mul3A_1565 : i32 to index
      %get3A_1567 = arith.constant 0 : index
      %get3A_1568 = vector.load %arg5[%get3A_1566, %get3A_1567] : memref<2048x1xf32, #tpu.memory_space<vmem>>, vector<128x1xf32>
      %mul3A_1569 = arith.constant 128 : i32
      %mul3A_1570 = arith.muli %scan3A_1557, %mul3A_1569 : i32
      %get3A_1571 = arith.index_cast %mul3A_1570 : i32 to index
      %get3A_1572 = arith.constant 0 : index
      %get3A_1573 = vector.load %arg6[%get3A_1571, %get3A_1572] : memref<2048x1xf32, #tpu.memory_space<vmem>>, vector<128x1xf32>
      %mul3A_1574 = arith.constant 128 : i32
      %mul3A_1575 = arith.muli %scan3A_1557, %mul3A_1574 : i32
      %get3A_1576 = arith.index_cast %mul3A_1575 : i32 to index
      %get3A_1577 = arith.constant 0 : index
      %get3A_1578 = vector.load %arg7[%get3A_1576, %get3A_1577] : memref<2048x1xf32, #tpu.memory_space<vmem>>, vector<128x1xf32>
      %sub3A_1579 = arith.subf %get3A_1573, %get3A_1563 : vector<128x1xf32>
      %sub3A_1580 = arith.subf %get3A_1578, %get3A_1568 : vector<128x1xf32>
      %mul3A_1581 = arith.mulf %sub3A_1579, %sub3A_1580 : vector<128x1xf32>
      %min3A_1582 = vector.broadcast %get3A_1573 : vector<128x1xf32> to vector<128x128xf32>
      %min3A_1583 = vector.broadcast %get3A_900 : vector<1x128xf32> to vector<128x128xf32>
      %min3A_1584 = arith.minimumf %min3A_1582, %min3A_1583 : vector<128x128xf32>
      %max3A_1585 = vector.broadcast %get3A_1563 : vector<128x1xf32> to vector<128x128xf32>
      %max3A_1586 = vector.broadcast %get3A_894 : vector<1x128xf32> to vector<128x128xf32>
      %max3A_1587 = arith.maximumf %max3A_1585, %max3A_1586 : vector<128x128xf32>
      %sub3A_1588 = arith.subf %min3A_1584, %max3A_1587 : vector<128x128xf32>
      %max3A_1589 = arith.constant 0.000000e+00 : f32
      %max3A_1590 = vector.broadcast %max3A_1589 : f32 to vector<128x128xf32>
      %max3A_1591 = arith.maximumf %sub3A_1588, %max3A_1590 : vector<128x128xf32>
      %min3A_1592 = vector.broadcast %get3A_1578 : vector<128x1xf32> to vector<128x128xf32>
      %min3A_1593 = vector.broadcast %get3A_903 : vector<1x128xf32> to vector<128x128xf32>
      %min3A_1594 = arith.minimumf %min3A_1592, %min3A_1593 : vector<128x128xf32>
      %max3A_1595 = vector.broadcast %get3A_1568 : vector<128x1xf32> to vector<128x128xf32>
      %max3A_1596 = vector.broadcast %get3A_897 : vector<1x128xf32> to vector<128x128xf32>
      %max3A_1597 = arith.maximumf %max3A_1595, %max3A_1596 : vector<128x128xf32>
      %sub3A_1598 = arith.subf %min3A_1594, %max3A_1597 : vector<128x128xf32>
      %max3A_1599 = arith.constant 0.000000e+00 : f32
      %max3A_1600 = vector.broadcast %max3A_1599 : f32 to vector<128x128xf32>
      %max3A_1601 = arith.maximumf %sub3A_1598, %max3A_1600 : vector<128x128xf32>
      %mul3A_1602 = arith.mulf %max3A_1591, %max3A_1601 : vector<128x128xf32>
      %add3A_1603 = vector.broadcast %mul3A_1581 : vector<128x1xf32> to vector<128x128xf32>
      %add3A_1604 = vector.broadcast %mul3A_906 : vector<1x128xf32> to vector<128x128xf32>
      %add3A_1605 = arith.addf %add3A_1603, %add3A_1604 : vector<128x128xf32>
      %sub3A_1606 = arith.subf %add3A_1605, %mul3A_1602 : vector<128x128xf32>
      %max3A_1607 = arith.constant 9.99999971E-10 : f32
      %max3A_1608 = vector.broadcast %max3A_1607 : f32 to vector<128x128xf32>
      %max3A_1609 = arith.maximumf %sub3A_1606, %max3A_1608 : vector<128x128xf32>
      %div3A_1610 = arith.divf %mul3A_1602, %max3A_1609 : vector<128x128xf32>
      %gt3A_1611 = arith.constant 5.000000e-01 : f32
      %gt3A_1612 = vector.broadcast %gt3A_1611 : f32 to vector<128x128xf32>
      %gt3A_1613 = arith.cmpf ogt, %div3A_1610, %gt3A_1612 : vector<128x128xf32>
      %jit3A_1614 = arith.constant 1.000000e+00 : f32
      %jit3A_1615 = arith.constant 0.000000e+00 : f32
      %broadcast_in_dim3A_1616 = vector.broadcast %jit3A_1614 : f32 to vector<128x128xf32>
      %broadcast_in_dim3A_1617 = vector.broadcast %jit3A_1615 : f32 to vector<128x128xf32>
      %select_n3A_1618 = arith.select %gt3A_1613, %broadcast_in_dim3A_1616, %broadcast_in_dim3A_1617 : vector<128x128xi1>, vector<128x128xf32>
      %get3A_1619 = arith.index_cast %scan3A_1557 : i32 to index
      %get3A_1620 = arith.constant 0 : index
      %get3A_1621 = vector.load %arg8[%get3A_1619, %get3A_1620] : memref<16x128xf32, #tpu.memory_space<vmem>>, vector<1x128xf32>
      %sub3A_1622 = arith.constant 1.000000e+00 : f32
      %sub3A_1623 = vector.broadcast %sub3A_1622 : f32 to vector<1x128xf32>
      %sub3A_1624 = arith.subf %sub3A_1623, %get3A_1621 : vector<1x128xf32>
      %dot_general3A_1625 = arith.constant dense<0.000000e+00> : vector<1x128xf32>
      %dot_general3A_1626 = tpu.matmul %sub3A_1624, %select_n3A_1618, %dot_general3A_1625 {dimension_numbers = #tpu.dot_dimension_numbers<[1], [0], [0], [1], [0, 0, 1, 1], [], []>, transpose_lhs_hint = false} : vector<1x128xf32>, vector<128x128xf32>, vector<1x128xf32> -> vector<1x128xf32>
      %add3A_1627 = arith.addf %scan3A_1558, %dot_general3A_1626 : vector<1x128xf32>
      scf.yield %add3A_1627 : vector<1x128xf32>
    }
    %scan3A_969 = arith.constant 9 : i32
    %gt3A_970 = arith.constant 0.000000e+00 : f32
    %gt3A_971 = vector.broadcast %gt3A_970 : f32 to vector<1x128xf32>
    %gt3A_972 = arith.cmpf ogt, %scan3A_968, %gt3A_971 : vector<1x128xf32>
    %jit3A_973 = arith.constant 1.000000e+00 : f32
    %jit3A_974 = arith.constant 0.000000e+00 : f32
    %broadcast_in_dim3A_975 = vector.broadcast %jit3A_973 : f32 to vector<1x128xf32>
    %broadcast_in_dim3A_976 = vector.broadcast %jit3A_974 : f32 to vector<1x128xf32>
    %select_n3A_977 = arith.select %gt3A_972, %broadcast_in_dim3A_975, %broadcast_in_dim3A_976 : vector<1x128xi1>, vector<1x128xf32>
    %scan3A_978 = arith.constant 0 : i32
    %scan3A_979 = arith.constant 128 : i32
    %scan3A_980 = arith.addi %scan3A_978, %scan3A_979 : i32
    %scan3A_981 = arith.constant 1 : i32
    %scan3A_982 = scf.for %scan3A_1557 = %scan3A_978 to %scan3A_980 step %scan3A_981 iter_args(%scan3A_1558 = %select_n3A_977) -> (vector<1x128xf32>)  : i32 {
      %get3A_1559 = arith.index_cast %scan3A_1557 : i32 to index
      %get3A_1560 = arith.constant 0 : index
      %get3A_1561 = vector.load %arg9[%get3A_1559, %get3A_1560] : memref<128x128xf32, #tpu.memory_space<vmem>>, vector<1x128xf32>
      %eq3A = vector.broadcast %scan3A_1557 : i32 to vector<1x128xi32>
      %eq3A_1562 = arith.cmpi eq, %iota3A, %eq3A : vector<1x128xi32>
      %jit3A_1563 = arith.constant 1.000000e+00 : f32
      %jit3A_1564 = arith.constant 0.000000e+00 : f32
      %broadcast_in_dim3A_1565 = vector.broadcast %jit3A_1563 : f32 to vector<1x128xf32>
      %broadcast_in_dim3A_1566 = vector.broadcast %jit3A_1564 : f32 to vector<1x128xf32>
      %select_n3A_1567 = arith.select %eq3A_1562, %broadcast_in_dim3A_1565, %broadcast_in_dim3A_1566 : vector<1x128xi1>, vector<1x128xf32>
      %mul3A_1568 = arith.mulf %scan3A_1558, %select_n3A_1567 : vector<1x128xf32>
      %reduce_sum3A = vector.shape_cast %mul3A_1568 : vector<1x128xf32> to vector<1x1x128xf32>
      %reduce_sum3A_1569 = arith.constant dense<0.000000e+00> : vector<1xf32>
      %reduce_sum3A_1570 = vector.multi_reduction <add>, %reduce_sum3A, %reduce_sum3A_1569 [1, 2] : vector<1x1x128xf32> to vector<1xf32>
      %reduce_sum3A_1571 = vector.shape_cast %reduce_sum3A_1570 : vector<1xf32> to vector<1x1x1xf32>
      %reduce_sum3A_1572 = vector.extract %reduce_sum3A_1571[0, 0, 0] : f32 from vector<1x1x1xf32>
      %gt3A_1573 = vector.broadcast %scan3A_1557 : i32 to vector<1x128xi32>
      %gt3A_1574 = arith.cmpi sgt, %iota3A, %gt3A_1573 : vector<1x128xi32>
      %jit3A_1575 = arith.constant 1.000000e+00 : f32
      %jit3A_1576 = arith.constant 0.000000e+00 : f32
      %broadcast_in_dim3A_1577 = vector.broadcast %jit3A_1575 : f32 to vector<1x128xf32>
      %broadcast_in_dim3A_1578 = vector.broadcast %jit3A_1576 : f32 to vector<1x128xf32>
      %select_n3A_1579 = arith.select %gt3A_1574, %broadcast_in_dim3A_1577, %broadcast_in_dim3A_1578 : vector<1x128xi1>, vector<1x128xf32>
      %mul3A_1580 = arith.mulf %get3A_1561, %select_n3A_1579 : vector<1x128xf32>
      %lt3A = arith.constant 5.000000e-01 : f32
      %lt3A_1581 = arith.cmpf olt, %reduce_sum3A_1572, %lt3A : f32
      %jit3A_1582 = arith.constant 1.000000e+00 : f32
      %jit3A_1583 = arith.constant 0.000000e+00 : f32
      %select_n3A_1584 = arith.select %lt3A_1581, %jit3A_1582, %jit3A_1583 : f32
      %mul3A_1585 = vector.broadcast %select_n3A_1584 : f32 to vector<1x128xf32>
      %mul3A_1586 = arith.mulf %mul3A_1580, %mul3A_1585 : vector<1x128xf32>
      %max3A_1587 = arith.maximumf %scan3A_1558, %mul3A_1586 : vector<1x128xf32>
      scf.yield %max3A_1587 : vector<1x128xf32>
    }
    %scan3A_983 = arith.constant 128 : i32
    %swap3A_984 = arith.constant 9 : index
    %swap3A_985 = arith.constant 0 : index
    %swap3A_986 = vector.load %arg8[%swap3A_984, %swap3A_985] : memref<16x128xf32, #tpu.memory_space<vmem>>, vector<1x128xf32>
    tpu.vector_store %arg8[%swap3A_984, %swap3A_985], %scan3A_982 {strides = array<i32>} : memref<16x128xf32, #tpu.memory_space<vmem>>, vector<1x128xf32>,
    %get3A_987 = arith.constant 10 : index
    %get3A_988 = arith.constant 0 : index
    %get3A_989 = vector.load %arg0[%get3A_987, %get3A_988] : memref<16x128xf32, #tpu.memory_space<vmem>>, vector<1x128xf32>
    %get3A_990 = arith.constant 10 : index
    %get3A_991 = arith.constant 0 : index
    %get3A_992 = vector.load %arg1[%get3A_990, %get3A_991] : memref<16x128xf32, #tpu.memory_space<vmem>>, vector<1x128xf32>
    %get3A_993 = arith.constant 10 : index
    %get3A_994 = arith.constant 0 : index
    %get3A_995 = vector.load %arg2[%get3A_993, %get3A_994] : memref<16x128xf32, #tpu.memory_space<vmem>>, vector<1x128xf32>
    %get3A_996 = arith.constant 10 : index
    %get3A_997 = arith.constant 0 : index
    %get3A_998 = vector.load %arg3[%get3A_996, %get3A_997] : memref<16x128xf32, #tpu.memory_space<vmem>>, vector<1x128xf32>
    %sub3A_999 = arith.subf %get3A_995, %get3A_989 : vector<1x128xf32>
    %sub3A_1000 = arith.subf %get3A_998, %get3A_992 : vector<1x128xf32>
    %mul3A_1001 = arith.mulf %sub3A_999, %sub3A_1000 : vector<1x128xf32>
    %get3A_1002 = arith.constant 1280 : index
    %get3A_1003 = arith.constant 0 : index
    %get3A_1004 = vector.load %arg4[%get3A_1002, %get3A_1003] : memref<2048x1xf32, #tpu.memory_space<vmem>>, vector<128x1xf32>
    %get3A_1005 = arith.constant 1280 : index
    %get3A_1006 = arith.constant 0 : index
    %get3A_1007 = vector.load %arg5[%get3A_1005, %get3A_1006] : memref<2048x1xf32, #tpu.memory_space<vmem>>, vector<128x1xf32>
    %get3A_1008 = arith.constant 1280 : index
    %get3A_1009 = arith.constant 0 : index
    %get3A_1010 = vector.load %arg6[%get3A_1008, %get3A_1009] : memref<2048x1xf32, #tpu.memory_space<vmem>>, vector<128x1xf32>
    %get3A_1011 = arith.constant 1280 : index
    %get3A_1012 = arith.constant 0 : index
    %get3A_1013 = vector.load %arg7[%get3A_1011, %get3A_1012] : memref<2048x1xf32, #tpu.memory_space<vmem>>, vector<128x1xf32>
    %sub3A_1014 = arith.subf %get3A_1010, %get3A_1004 : vector<128x1xf32>
    %sub3A_1015 = arith.subf %get3A_1013, %get3A_1007 : vector<128x1xf32>
    %mul3A_1016 = arith.mulf %sub3A_1014, %sub3A_1015 : vector<128x1xf32>
    %min3A_1017 = vector.broadcast %get3A_1010 : vector<128x1xf32> to vector<128x128xf32>
    %min3A_1018 = vector.broadcast %get3A_995 : vector<1x128xf32> to vector<128x128xf32>
    %min3A_1019 = arith.minimumf %min3A_1017, %min3A_1018 : vector<128x128xf32>
    %max3A_1020 = vector.broadcast %get3A_1004 : vector<128x1xf32> to vector<128x128xf32>
    %max3A_1021 = vector.broadcast %get3A_989 : vector<1x128xf32> to vector<128x128xf32>
    %max3A_1022 = arith.maximumf %max3A_1020, %max3A_1021 : vector<128x128xf32>
    %sub3A_1023 = arith.subf %min3A_1019, %max3A_1022 : vector<128x128xf32>
    %max3A_1024 = arith.constant 0.000000e+00 : f32
    %max3A_1025 = vector.broadcast %max3A_1024 : f32 to vector<128x128xf32>
    %max3A_1026 = arith.maximumf %sub3A_1023, %max3A_1025 : vector<128x128xf32>
    %min3A_1027 = vector.broadcast %get3A_1013 : vector<128x1xf32> to vector<128x128xf32>
    %min3A_1028 = vector.broadcast %get3A_998 : vector<1x128xf32> to vector<128x128xf32>
    %min3A_1029 = arith.minimumf %min3A_1027, %min3A_1028 : vector<128x128xf32>
    %max3A_1030 = vector.broadcast %get3A_1007 : vector<128x1xf32> to vector<128x128xf32>
    %max3A_1031 = vector.broadcast %get3A_992 : vector<1x128xf32> to vector<128x128xf32>
    %max3A_1032 = arith.maximumf %max3A_1030, %max3A_1031 : vector<128x128xf32>
    %sub3A_1033 = arith.subf %min3A_1029, %max3A_1032 : vector<128x128xf32>
    %max3A_1034 = arith.constant 0.000000e+00 : f32
    %max3A_1035 = vector.broadcast %max3A_1034 : f32 to vector<128x128xf32>
    %max3A_1036 = arith.maximumf %sub3A_1033, %max3A_1035 : vector<128x128xf32>
    %mul3A_1037 = arith.mulf %max3A_1026, %max3A_1036 : vector<128x128xf32>
    %add3A_1038 = vector.broadcast %mul3A_1016 : vector<128x1xf32> to vector<128x128xf32>
    %add3A_1039 = vector.broadcast %mul3A_1001 : vector<1x128xf32> to vector<128x128xf32>
    %add3A_1040 = arith.addf %add3A_1038, %add3A_1039 : vector<128x128xf32>
    %sub3A_1041 = arith.subf %add3A_1040, %mul3A_1037 : vector<128x128xf32>
    %max3A_1042 = arith.constant 9.99999971E-10 : f32
    %max3A_1043 = vector.broadcast %max3A_1042 : f32 to vector<128x128xf32>
    %max3A_1044 = arith.maximumf %sub3A_1041, %max3A_1043 : vector<128x128xf32>
    %div3A_1045 = arith.divf %mul3A_1037, %max3A_1044 : vector<128x128xf32>
    %gt3A_1046 = arith.constant 5.000000e-01 : f32
    %gt3A_1047 = vector.broadcast %gt3A_1046 : f32 to vector<128x128xf32>
    %gt3A_1048 = arith.cmpf ogt, %div3A_1045, %gt3A_1047 : vector<128x128xf32>
    %jit3A_1049 = arith.constant 1.000000e+00 : f32
    %jit3A_1050 = arith.constant 0.000000e+00 : f32
    %broadcast_in_dim3A_1051 = vector.broadcast %jit3A_1049 : f32 to vector<128x128xf32>
    %broadcast_in_dim3A_1052 = vector.broadcast %jit3A_1050 : f32 to vector<128x128xf32>
    %select_n3A_1053 = arith.select %gt3A_1048, %broadcast_in_dim3A_1051, %broadcast_in_dim3A_1052 : vector<128x128xi1>, vector<128x128xf32>
    %swap3A_1054 = arith.constant 0 : index
    %swap3A_1055 = arith.constant 0 : index
    %swap3A_1056 = vector.load %arg9[%swap3A_1054, %swap3A_1055] : memref<128x128xf32, #tpu.memory_space<vmem>>, vector<128x128xf32>
    tpu.vector_store %arg9[%swap3A_1054, %swap3A_1055], %select_n3A_1053 {strides = array<i32>} : memref<128x128xf32, #tpu.memory_space<vmem>>, vector<128x128xf32>,
    %broadcast_in_dim3A_1057 = arith.constant 0.000000e+00 : f32
    %broadcast_in_dim3A_1058 = vector.broadcast %broadcast_in_dim3A_1057 : f32 to vector<1x128xf32>
    %scan3A_1059 = arith.constant 0 : i32
    %scan3A_1060 = arith.constant 10 : i32
    %scan3A_1061 = arith.addi %scan3A_1059, %scan3A_1060 : i32
    %scan3A_1062 = arith.constant 1 : i32
    %scan3A_1063 = scf.for %scan3A_1557 = %scan3A_1059 to %scan3A_1061 step %scan3A_1062 iter_args(%scan3A_1558 = %broadcast_in_dim3A_1058) -> (vector<1x128xf32>)  : i32 {
      %mul3A_1559 = arith.constant 128 : i32
      %mul3A_1560 = arith.muli %scan3A_1557, %mul3A_1559 : i32
      %get3A_1561 = arith.index_cast %mul3A_1560 : i32 to index
      %get3A_1562 = arith.constant 0 : index
      %get3A_1563 = vector.load %arg4[%get3A_1561, %get3A_1562] : memref<2048x1xf32, #tpu.memory_space<vmem>>, vector<128x1xf32>
      %mul3A_1564 = arith.constant 128 : i32
      %mul3A_1565 = arith.muli %scan3A_1557, %mul3A_1564 : i32
      %get3A_1566 = arith.index_cast %mul3A_1565 : i32 to index
      %get3A_1567 = arith.constant 0 : index
      %get3A_1568 = vector.load %arg5[%get3A_1566, %get3A_1567] : memref<2048x1xf32, #tpu.memory_space<vmem>>, vector<128x1xf32>
      %mul3A_1569 = arith.constant 128 : i32
      %mul3A_1570 = arith.muli %scan3A_1557, %mul3A_1569 : i32
      %get3A_1571 = arith.index_cast %mul3A_1570 : i32 to index
      %get3A_1572 = arith.constant 0 : index
      %get3A_1573 = vector.load %arg6[%get3A_1571, %get3A_1572] : memref<2048x1xf32, #tpu.memory_space<vmem>>, vector<128x1xf32>
      %mul3A_1574 = arith.constant 128 : i32
      %mul3A_1575 = arith.muli %scan3A_1557, %mul3A_1574 : i32
      %get3A_1576 = arith.index_cast %mul3A_1575 : i32 to index
      %get3A_1577 = arith.constant 0 : index
      %get3A_1578 = vector.load %arg7[%get3A_1576, %get3A_1577] : memref<2048x1xf32, #tpu.memory_space<vmem>>, vector<128x1xf32>
      %sub3A_1579 = arith.subf %get3A_1573, %get3A_1563 : vector<128x1xf32>
      %sub3A_1580 = arith.subf %get3A_1578, %get3A_1568 : vector<128x1xf32>
      %mul3A_1581 = arith.mulf %sub3A_1579, %sub3A_1580 : vector<128x1xf32>
      %min3A_1582 = vector.broadcast %get3A_1573 : vector<128x1xf32> to vector<128x128xf32>
      %min3A_1583 = vector.broadcast %get3A_995 : vector<1x128xf32> to vector<128x128xf32>
      %min3A_1584 = arith.minimumf %min3A_1582, %min3A_1583 : vector<128x128xf32>
      %max3A_1585 = vector.broadcast %get3A_1563 : vector<128x1xf32> to vector<128x128xf32>
      %max3A_1586 = vector.broadcast %get3A_989 : vector<1x128xf32> to vector<128x128xf32>
      %max3A_1587 = arith.maximumf %max3A_1585, %max3A_1586 : vector<128x128xf32>
      %sub3A_1588 = arith.subf %min3A_1584, %max3A_1587 : vector<128x128xf32>
      %max3A_1589 = arith.constant 0.000000e+00 : f32
      %max3A_1590 = vector.broadcast %max3A_1589 : f32 to vector<128x128xf32>
      %max3A_1591 = arith.maximumf %sub3A_1588, %max3A_1590 : vector<128x128xf32>
      %min3A_1592 = vector.broadcast %get3A_1578 : vector<128x1xf32> to vector<128x128xf32>
      %min3A_1593 = vector.broadcast %get3A_998 : vector<1x128xf32> to vector<128x128xf32>
      %min3A_1594 = arith.minimumf %min3A_1592, %min3A_1593 : vector<128x128xf32>
      %max3A_1595 = vector.broadcast %get3A_1568 : vector<128x1xf32> to vector<128x128xf32>
      %max3A_1596 = vector.broadcast %get3A_992 : vector<1x128xf32> to vector<128x128xf32>
      %max3A_1597 = arith.maximumf %max3A_1595, %max3A_1596 : vector<128x128xf32>
      %sub3A_1598 = arith.subf %min3A_1594, %max3A_1597 : vector<128x128xf32>
      %max3A_1599 = arith.constant 0.000000e+00 : f32
      %max3A_1600 = vector.broadcast %max3A_1599 : f32 to vector<128x128xf32>
      %max3A_1601 = arith.maximumf %sub3A_1598, %max3A_1600 : vector<128x128xf32>
      %mul3A_1602 = arith.mulf %max3A_1591, %max3A_1601 : vector<128x128xf32>
      %add3A_1603 = vector.broadcast %mul3A_1581 : vector<128x1xf32> to vector<128x128xf32>
      %add3A_1604 = vector.broadcast %mul3A_1001 : vector<1x128xf32> to vector<128x128xf32>
      %add3A_1605 = arith.addf %add3A_1603, %add3A_1604 : vector<128x128xf32>
      %sub3A_1606 = arith.subf %add3A_1605, %mul3A_1602 : vector<128x128xf32>
      %max3A_1607 = arith.constant 9.99999971E-10 : f32
      %max3A_1608 = vector.broadcast %max3A_1607 : f32 to vector<128x128xf32>
      %max3A_1609 = arith.maximumf %sub3A_1606, %max3A_1608 : vector<128x128xf32>
      %div3A_1610 = arith.divf %mul3A_1602, %max3A_1609 : vector<128x128xf32>
      %gt3A_1611 = arith.constant 5.000000e-01 : f32
      %gt3A_1612 = vector.broadcast %gt3A_1611 : f32 to vector<128x128xf32>
      %gt3A_1613 = arith.cmpf ogt, %div3A_1610, %gt3A_1612 : vector<128x128xf32>
      %jit3A_1614 = arith.constant 1.000000e+00 : f32
      %jit3A_1615 = arith.constant 0.000000e+00 : f32
      %broadcast_in_dim3A_1616 = vector.broadcast %jit3A_1614 : f32 to vector<128x128xf32>
      %broadcast_in_dim3A_1617 = vector.broadcast %jit3A_1615 : f32 to vector<128x128xf32>
      %select_n3A_1618 = arith.select %gt3A_1613, %broadcast_in_dim3A_1616, %broadcast_in_dim3A_1617 : vector<128x128xi1>, vector<128x128xf32>
      %get3A_1619 = arith.index_cast %scan3A_1557 : i32 to index
      %get3A_1620 = arith.constant 0 : index
      %get3A_1621 = vector.load %arg8[%get3A_1619, %get3A_1620] : memref<16x128xf32, #tpu.memory_space<vmem>>, vector<1x128xf32>
      %sub3A_1622 = arith.constant 1.000000e+00 : f32
      %sub3A_1623 = vector.broadcast %sub3A_1622 : f32 to vector<1x128xf32>
      %sub3A_1624 = arith.subf %sub3A_1623, %get3A_1621 : vector<1x128xf32>
      %dot_general3A_1625 = arith.constant dense<0.000000e+00> : vector<1x128xf32>
      %dot_general3A_1626 = tpu.matmul %sub3A_1624, %select_n3A_1618, %dot_general3A_1625 {dimension_numbers = #tpu.dot_dimension_numbers<[1], [0], [0], [1], [0, 0, 1, 1], [], []>, transpose_lhs_hint = false} : vector<1x128xf32>, vector<128x128xf32>, vector<1x128xf32> -> vector<1x128xf32>
      %add3A_1627 = arith.addf %scan3A_1558, %dot_general3A_1626 : vector<1x128xf32>
      scf.yield %add3A_1627 : vector<1x128xf32>
    }
    %scan3A_1064 = arith.constant 10 : i32
    %gt3A_1065 = arith.constant 0.000000e+00 : f32
    %gt3A_1066 = vector.broadcast %gt3A_1065 : f32 to vector<1x128xf32>
    %gt3A_1067 = arith.cmpf ogt, %scan3A_1063, %gt3A_1066 : vector<1x128xf32>
    %jit3A_1068 = arith.constant 1.000000e+00 : f32
    %jit3A_1069 = arith.constant 0.000000e+00 : f32
    %broadcast_in_dim3A_1070 = vector.broadcast %jit3A_1068 : f32 to vector<1x128xf32>
    %broadcast_in_dim3A_1071 = vector.broadcast %jit3A_1069 : f32 to vector<1x128xf32>
    %select_n3A_1072 = arith.select %gt3A_1067, %broadcast_in_dim3A_1070, %broadcast_in_dim3A_1071 : vector<1x128xi1>, vector<1x128xf32>
    %scan3A_1073 = arith.constant 0 : i32
    %scan3A_1074 = arith.constant 128 : i32
    %scan3A_1075 = arith.addi %scan3A_1073, %scan3A_1074 : i32
    %scan3A_1076 = arith.constant 1 : i32
    %scan3A_1077 = scf.for %scan3A_1557 = %scan3A_1073 to %scan3A_1075 step %scan3A_1076 iter_args(%scan3A_1558 = %select_n3A_1072) -> (vector<1x128xf32>)  : i32 {
      %get3A_1559 = arith.index_cast %scan3A_1557 : i32 to index
      %get3A_1560 = arith.constant 0 : index
      %get3A_1561 = vector.load %arg9[%get3A_1559, %get3A_1560] : memref<128x128xf32, #tpu.memory_space<vmem>>, vector<1x128xf32>
      %eq3A = vector.broadcast %scan3A_1557 : i32 to vector<1x128xi32>
      %eq3A_1562 = arith.cmpi eq, %iota3A, %eq3A : vector<1x128xi32>
      %jit3A_1563 = arith.constant 1.000000e+00 : f32
      %jit3A_1564 = arith.constant 0.000000e+00 : f32
      %broadcast_in_dim3A_1565 = vector.broadcast %jit3A_1563 : f32 to vector<1x128xf32>
      %broadcast_in_dim3A_1566 = vector.broadcast %jit3A_1564 : f32 to vector<1x128xf32>
      %select_n3A_1567 = arith.select %eq3A_1562, %broadcast_in_dim3A_1565, %broadcast_in_dim3A_1566 : vector<1x128xi1>, vector<1x128xf32>
      %mul3A_1568 = arith.mulf %scan3A_1558, %select_n3A_1567 : vector<1x128xf32>
      %reduce_sum3A = vector.shape_cast %mul3A_1568 : vector<1x128xf32> to vector<1x1x128xf32>
      %reduce_sum3A_1569 = arith.constant dense<0.000000e+00> : vector<1xf32>
      %reduce_sum3A_1570 = vector.multi_reduction <add>, %reduce_sum3A, %reduce_sum3A_1569 [1, 2] : vector<1x1x128xf32> to vector<1xf32>
      %reduce_sum3A_1571 = vector.shape_cast %reduce_sum3A_1570 : vector<1xf32> to vector<1x1x1xf32>
      %reduce_sum3A_1572 = vector.extract %reduce_sum3A_1571[0, 0, 0] : f32 from vector<1x1x1xf32>
      %gt3A_1573 = vector.broadcast %scan3A_1557 : i32 to vector<1x128xi32>
      %gt3A_1574 = arith.cmpi sgt, %iota3A, %gt3A_1573 : vector<1x128xi32>
      %jit3A_1575 = arith.constant 1.000000e+00 : f32
      %jit3A_1576 = arith.constant 0.000000e+00 : f32
      %broadcast_in_dim3A_1577 = vector.broadcast %jit3A_1575 : f32 to vector<1x128xf32>
      %broadcast_in_dim3A_1578 = vector.broadcast %jit3A_1576 : f32 to vector<1x128xf32>
      %select_n3A_1579 = arith.select %gt3A_1574, %broadcast_in_dim3A_1577, %broadcast_in_dim3A_1578 : vector<1x128xi1>, vector<1x128xf32>
      %mul3A_1580 = arith.mulf %get3A_1561, %select_n3A_1579 : vector<1x128xf32>
      %lt3A = arith.constant 5.000000e-01 : f32
      %lt3A_1581 = arith.cmpf olt, %reduce_sum3A_1572, %lt3A : f32
      %jit3A_1582 = arith.constant 1.000000e+00 : f32
      %jit3A_1583 = arith.constant 0.000000e+00 : f32
      %select_n3A_1584 = arith.select %lt3A_1581, %jit3A_1582, %jit3A_1583 : f32
      %mul3A_1585 = vector.broadcast %select_n3A_1584 : f32 to vector<1x128xf32>
      %mul3A_1586 = arith.mulf %mul3A_1580, %mul3A_1585 : vector<1x128xf32>
      %max3A_1587 = arith.maximumf %scan3A_1558, %mul3A_1586 : vector<1x128xf32>
      scf.yield %max3A_1587 : vector<1x128xf32>
    }
    %scan3A_1078 = arith.constant 128 : i32
    %swap3A_1079 = arith.constant 10 : index
    %swap3A_1080 = arith.constant 0 : index
    %swap3A_1081 = vector.load %arg8[%swap3A_1079, %swap3A_1080] : memref<16x128xf32, #tpu.memory_space<vmem>>, vector<1x128xf32>
    tpu.vector_store %arg8[%swap3A_1079, %swap3A_1080], %scan3A_1077 {strides = array<i32>} : memref<16x128xf32, #tpu.memory_space<vmem>>, vector<1x128xf32>,
    %get3A_1082 = arith.constant 11 : index
    %get3A_1083 = arith.constant 0 : index
    %get3A_1084 = vector.load %arg0[%get3A_1082, %get3A_1083] : memref<16x128xf32, #tpu.memory_space<vmem>>, vector<1x128xf32>
    %get3A_1085 = arith.constant 11 : index
    %get3A_1086 = arith.constant 0 : index
    %get3A_1087 = vector.load %arg1[%get3A_1085, %get3A_1086] : memref<16x128xf32, #tpu.memory_space<vmem>>, vector<1x128xf32>
    %get3A_1088 = arith.constant 11 : index
    %get3A_1089 = arith.constant 0 : index
    %get3A_1090 = vector.load %arg2[%get3A_1088, %get3A_1089] : memref<16x128xf32, #tpu.memory_space<vmem>>, vector<1x128xf32>
    %get3A_1091 = arith.constant 11 : index
    %get3A_1092 = arith.constant 0 : index
    %get3A_1093 = vector.load %arg3[%get3A_1091, %get3A_1092] : memref<16x128xf32, #tpu.memory_space<vmem>>, vector<1x128xf32>
    %sub3A_1094 = arith.subf %get3A_1090, %get3A_1084 : vector<1x128xf32>
    %sub3A_1095 = arith.subf %get3A_1093, %get3A_1087 : vector<1x128xf32>
    %mul3A_1096 = arith.mulf %sub3A_1094, %sub3A_1095 : vector<1x128xf32>
    %get3A_1097 = arith.constant 1408 : index
    %get3A_1098 = arith.constant 0 : index
    %get3A_1099 = vector.load %arg4[%get3A_1097, %get3A_1098] : memref<2048x1xf32, #tpu.memory_space<vmem>>, vector<128x1xf32>
    %get3A_1100 = arith.constant 1408 : index
    %get3A_1101 = arith.constant 0 : index
    %get3A_1102 = vector.load %arg5[%get3A_1100, %get3A_1101] : memref<2048x1xf32, #tpu.memory_space<vmem>>, vector<128x1xf32>
    %get3A_1103 = arith.constant 1408 : index
    %get3A_1104 = arith.constant 0 : index
    %get3A_1105 = vector.load %arg6[%get3A_1103, %get3A_1104] : memref<2048x1xf32, #tpu.memory_space<vmem>>, vector<128x1xf32>
    %get3A_1106 = arith.constant 1408 : index
    %get3A_1107 = arith.constant 0 : index
    %get3A_1108 = vector.load %arg7[%get3A_1106, %get3A_1107] : memref<2048x1xf32, #tpu.memory_space<vmem>>, vector<128x1xf32>
    %sub3A_1109 = arith.subf %get3A_1105, %get3A_1099 : vector<128x1xf32>
    %sub3A_1110 = arith.subf %get3A_1108, %get3A_1102 : vector<128x1xf32>
    %mul3A_1111 = arith.mulf %sub3A_1109, %sub3A_1110 : vector<128x1xf32>
    %min3A_1112 = vector.broadcast %get3A_1105 : vector<128x1xf32> to vector<128x128xf32>
    %min3A_1113 = vector.broadcast %get3A_1090 : vector<1x128xf32> to vector<128x128xf32>
    %min3A_1114 = arith.minimumf %min3A_1112, %min3A_1113 : vector<128x128xf32>
    %max3A_1115 = vector.broadcast %get3A_1099 : vector<128x1xf32> to vector<128x128xf32>
    %max3A_1116 = vector.broadcast %get3A_1084 : vector<1x128xf32> to vector<128x128xf32>
    %max3A_1117 = arith.maximumf %max3A_1115, %max3A_1116 : vector<128x128xf32>
    %sub3A_1118 = arith.subf %min3A_1114, %max3A_1117 : vector<128x128xf32>
    %max3A_1119 = arith.constant 0.000000e+00 : f32
    %max3A_1120 = vector.broadcast %max3A_1119 : f32 to vector<128x128xf32>
    %max3A_1121 = arith.maximumf %sub3A_1118, %max3A_1120 : vector<128x128xf32>
    %min3A_1122 = vector.broadcast %get3A_1108 : vector<128x1xf32> to vector<128x128xf32>
    %min3A_1123 = vector.broadcast %get3A_1093 : vector<1x128xf32> to vector<128x128xf32>
    %min3A_1124 = arith.minimumf %min3A_1122, %min3A_1123 : vector<128x128xf32>
    %max3A_1125 = vector.broadcast %get3A_1102 : vector<128x1xf32> to vector<128x128xf32>
    %max3A_1126 = vector.broadcast %get3A_1087 : vector<1x128xf32> to vector<128x128xf32>
    %max3A_1127 = arith.maximumf %max3A_1125, %max3A_1126 : vector<128x128xf32>
    %sub3A_1128 = arith.subf %min3A_1124, %max3A_1127 : vector<128x128xf32>
    %max3A_1129 = arith.constant 0.000000e+00 : f32
    %max3A_1130 = vector.broadcast %max3A_1129 : f32 to vector<128x128xf32>
    %max3A_1131 = arith.maximumf %sub3A_1128, %max3A_1130 : vector<128x128xf32>
    %mul3A_1132 = arith.mulf %max3A_1121, %max3A_1131 : vector<128x128xf32>
    %add3A_1133 = vector.broadcast %mul3A_1111 : vector<128x1xf32> to vector<128x128xf32>
    %add3A_1134 = vector.broadcast %mul3A_1096 : vector<1x128xf32> to vector<128x128xf32>
    %add3A_1135 = arith.addf %add3A_1133, %add3A_1134 : vector<128x128xf32>
    %sub3A_1136 = arith.subf %add3A_1135, %mul3A_1132 : vector<128x128xf32>
    %max3A_1137 = arith.constant 9.99999971E-10 : f32
    %max3A_1138 = vector.broadcast %max3A_1137 : f32 to vector<128x128xf32>
    %max3A_1139 = arith.maximumf %sub3A_1136, %max3A_1138 : vector<128x128xf32>
    %div3A_1140 = arith.divf %mul3A_1132, %max3A_1139 : vector<128x128xf32>
    %gt3A_1141 = arith.constant 5.000000e-01 : f32
    %gt3A_1142 = vector.broadcast %gt3A_1141 : f32 to vector<128x128xf32>
    %gt3A_1143 = arith.cmpf ogt, %div3A_1140, %gt3A_1142 : vector<128x128xf32>
    %jit3A_1144 = arith.constant 1.000000e+00 : f32
    %jit3A_1145 = arith.constant 0.000000e+00 : f32
    %broadcast_in_dim3A_1146 = vector.broadcast %jit3A_1144 : f32 to vector<128x128xf32>
    %broadcast_in_dim3A_1147 = vector.broadcast %jit3A_1145 : f32 to vector<128x128xf32>
    %select_n3A_1148 = arith.select %gt3A_1143, %broadcast_in_dim3A_1146, %broadcast_in_dim3A_1147 : vector<128x128xi1>, vector<128x128xf32>
    %swap3A_1149 = arith.constant 0 : index
    %swap3A_1150 = arith.constant 0 : index
    %swap3A_1151 = vector.load %arg9[%swap3A_1149, %swap3A_1150] : memref<128x128xf32, #tpu.memory_space<vmem>>, vector<128x128xf32>
    tpu.vector_store %arg9[%swap3A_1149, %swap3A_1150], %select_n3A_1148 {strides = array<i32>} : memref<128x128xf32, #tpu.memory_space<vmem>>, vector<128x128xf32>,
    %broadcast_in_dim3A_1152 = arith.constant 0.000000e+00 : f32
    %broadcast_in_dim3A_1153 = vector.broadcast %broadcast_in_dim3A_1152 : f32 to vector<1x128xf32>
    %scan3A_1154 = arith.constant 0 : i32
    %scan3A_1155 = arith.constant 11 : i32
    %scan3A_1156 = arith.addi %scan3A_1154, %scan3A_1155 : i32
    %scan3A_1157 = arith.constant 1 : i32
    %scan3A_1158 = scf.for %scan3A_1557 = %scan3A_1154 to %scan3A_1156 step %scan3A_1157 iter_args(%scan3A_1558 = %broadcast_in_dim3A_1153) -> (vector<1x128xf32>)  : i32 {
      %mul3A_1559 = arith.constant 128 : i32
      %mul3A_1560 = arith.muli %scan3A_1557, %mul3A_1559 : i32
      %get3A_1561 = arith.index_cast %mul3A_1560 : i32 to index
      %get3A_1562 = arith.constant 0 : index
      %get3A_1563 = vector.load %arg4[%get3A_1561, %get3A_1562] : memref<2048x1xf32, #tpu.memory_space<vmem>>, vector<128x1xf32>
      %mul3A_1564 = arith.constant 128 : i32
      %mul3A_1565 = arith.muli %scan3A_1557, %mul3A_1564 : i32
      %get3A_1566 = arith.index_cast %mul3A_1565 : i32 to index
      %get3A_1567 = arith.constant 0 : index
      %get3A_1568 = vector.load %arg5[%get3A_1566, %get3A_1567] : memref<2048x1xf32, #tpu.memory_space<vmem>>, vector<128x1xf32>
      %mul3A_1569 = arith.constant 128 : i32
      %mul3A_1570 = arith.muli %scan3A_1557, %mul3A_1569 : i32
      %get3A_1571 = arith.index_cast %mul3A_1570 : i32 to index
      %get3A_1572 = arith.constant 0 : index
      %get3A_1573 = vector.load %arg6[%get3A_1571, %get3A_1572] : memref<2048x1xf32, #tpu.memory_space<vmem>>, vector<128x1xf32>
      %mul3A_1574 = arith.constant 128 : i32
      %mul3A_1575 = arith.muli %scan3A_1557, %mul3A_1574 : i32
      %get3A_1576 = arith.index_cast %mul3A_1575 : i32 to index
      %get3A_1577 = arith.constant 0 : index
      %get3A_1578 = vector.load %arg7[%get3A_1576, %get3A_1577] : memref<2048x1xf32, #tpu.memory_space<vmem>>, vector<128x1xf32>
      %sub3A_1579 = arith.subf %get3A_1573, %get3A_1563 : vector<128x1xf32>
      %sub3A_1580 = arith.subf %get3A_1578, %get3A_1568 : vector<128x1xf32>
      %mul3A_1581 = arith.mulf %sub3A_1579, %sub3A_1580 : vector<128x1xf32>
      %min3A_1582 = vector.broadcast %get3A_1573 : vector<128x1xf32> to vector<128x128xf32>
      %min3A_1583 = vector.broadcast %get3A_1090 : vector<1x128xf32> to vector<128x128xf32>
      %min3A_1584 = arith.minimumf %min3A_1582, %min3A_1583 : vector<128x128xf32>
      %max3A_1585 = vector.broadcast %get3A_1563 : vector<128x1xf32> to vector<128x128xf32>
      %max3A_1586 = vector.broadcast %get3A_1084 : vector<1x128xf32> to vector<128x128xf32>
      %max3A_1587 = arith.maximumf %max3A_1585, %max3A_1586 : vector<128x128xf32>
      %sub3A_1588 = arith.subf %min3A_1584, %max3A_1587 : vector<128x128xf32>
      %max3A_1589 = arith.constant 0.000000e+00 : f32
      %max3A_1590 = vector.broadcast %max3A_1589 : f32 to vector<128x128xf32>
      %max3A_1591 = arith.maximumf %sub3A_1588, %max3A_1590 : vector<128x128xf32>
      %min3A_1592 = vector.broadcast %get3A_1578 : vector<128x1xf32> to vector<128x128xf32>
      %min3A_1593 = vector.broadcast %get3A_1093 : vector<1x128xf32> to vector<128x128xf32>
      %min3A_1594 = arith.minimumf %min3A_1592, %min3A_1593 : vector<128x128xf32>
      %max3A_1595 = vector.broadcast %get3A_1568 : vector<128x1xf32> to vector<128x128xf32>
      %max3A_1596 = vector.broadcast %get3A_1087 : vector<1x128xf32> to vector<128x128xf32>
      %max3A_1597 = arith.maximumf %max3A_1595, %max3A_1596 : vector<128x128xf32>
      %sub3A_1598 = arith.subf %min3A_1594, %max3A_1597 : vector<128x128xf32>
      %max3A_1599 = arith.constant 0.000000e+00 : f32
      %max3A_1600 = vector.broadcast %max3A_1599 : f32 to vector<128x128xf32>
      %max3A_1601 = arith.maximumf %sub3A_1598, %max3A_1600 : vector<128x128xf32>
      %mul3A_1602 = arith.mulf %max3A_1591, %max3A_1601 : vector<128x128xf32>
      %add3A_1603 = vector.broadcast %mul3A_1581 : vector<128x1xf32> to vector<128x128xf32>
      %add3A_1604 = vector.broadcast %mul3A_1096 : vector<1x128xf32> to vector<128x128xf32>
      %add3A_1605 = arith.addf %add3A_1603, %add3A_1604 : vector<128x128xf32>
      %sub3A_1606 = arith.subf %add3A_1605, %mul3A_1602 : vector<128x128xf32>
      %max3A_1607 = arith.constant 9.99999971E-10 : f32
      %max3A_1608 = vector.broadcast %max3A_1607 : f32 to vector<128x128xf32>
      %max3A_1609 = arith.maximumf %sub3A_1606, %max3A_1608 : vector<128x128xf32>
      %div3A_1610 = arith.divf %mul3A_1602, %max3A_1609 : vector<128x128xf32>
      %gt3A_1611 = arith.constant 5.000000e-01 : f32
      %gt3A_1612 = vector.broadcast %gt3A_1611 : f32 to vector<128x128xf32>
      %gt3A_1613 = arith.cmpf ogt, %div3A_1610, %gt3A_1612 : vector<128x128xf32>
      %jit3A_1614 = arith.constant 1.000000e+00 : f32
      %jit3A_1615 = arith.constant 0.000000e+00 : f32
      %broadcast_in_dim3A_1616 = vector.broadcast %jit3A_1614 : f32 to vector<128x128xf32>
      %broadcast_in_dim3A_1617 = vector.broadcast %jit3A_1615 : f32 to vector<128x128xf32>
      %select_n3A_1618 = arith.select %gt3A_1613, %broadcast_in_dim3A_1616, %broadcast_in_dim3A_1617 : vector<128x128xi1>, vector<128x128xf32>
      %get3A_1619 = arith.index_cast %scan3A_1557 : i32 to index
      %get3A_1620 = arith.constant 0 : index
      %get3A_1621 = vector.load %arg8[%get3A_1619, %get3A_1620] : memref<16x128xf32, #tpu.memory_space<vmem>>, vector<1x128xf32>
      %sub3A_1622 = arith.constant 1.000000e+00 : f32
      %sub3A_1623 = vector.broadcast %sub3A_1622 : f32 to vector<1x128xf32>
      %sub3A_1624 = arith.subf %sub3A_1623, %get3A_1621 : vector<1x128xf32>
      %dot_general3A_1625 = arith.constant dense<0.000000e+00> : vector<1x128xf32>
      %dot_general3A_1626 = tpu.matmul %sub3A_1624, %select_n3A_1618, %dot_general3A_1625 {dimension_numbers = #tpu.dot_dimension_numbers<[1], [0], [0], [1], [0, 0, 1, 1], [], []>, transpose_lhs_hint = false} : vector<1x128xf32>, vector<128x128xf32>, vector<1x128xf32> -> vector<1x128xf32>
      %add3A_1627 = arith.addf %scan3A_1558, %dot_general3A_1626 : vector<1x128xf32>
      scf.yield %add3A_1627 : vector<1x128xf32>
    }
    %scan3A_1159 = arith.constant 11 : i32
    %gt3A_1160 = arith.constant 0.000000e+00 : f32
    %gt3A_1161 = vector.broadcast %gt3A_1160 : f32 to vector<1x128xf32>
    %gt3A_1162 = arith.cmpf ogt, %scan3A_1158, %gt3A_1161 : vector<1x128xf32>
    %jit3A_1163 = arith.constant 1.000000e+00 : f32
    %jit3A_1164 = arith.constant 0.000000e+00 : f32
    %broadcast_in_dim3A_1165 = vector.broadcast %jit3A_1163 : f32 to vector<1x128xf32>
    %broadcast_in_dim3A_1166 = vector.broadcast %jit3A_1164 : f32 to vector<1x128xf32>
    %select_n3A_1167 = arith.select %gt3A_1162, %broadcast_in_dim3A_1165, %broadcast_in_dim3A_1166 : vector<1x128xi1>, vector<1x128xf32>
    %scan3A_1168 = arith.constant 0 : i32
    %scan3A_1169 = arith.constant 128 : i32
    %scan3A_1170 = arith.addi %scan3A_1168, %scan3A_1169 : i32
    %scan3A_1171 = arith.constant 1 : i32
    %scan3A_1172 = scf.for %scan3A_1557 = %scan3A_1168 to %scan3A_1170 step %scan3A_1171 iter_args(%scan3A_1558 = %select_n3A_1167) -> (vector<1x128xf32>)  : i32 {
      %get3A_1559 = arith.index_cast %scan3A_1557 : i32 to index
      %get3A_1560 = arith.constant 0 : index
      %get3A_1561 = vector.load %arg9[%get3A_1559, %get3A_1560] : memref<128x128xf32, #tpu.memory_space<vmem>>, vector<1x128xf32>
      %eq3A = vector.broadcast %scan3A_1557 : i32 to vector<1x128xi32>
      %eq3A_1562 = arith.cmpi eq, %iota3A, %eq3A : vector<1x128xi32>
      %jit3A_1563 = arith.constant 1.000000e+00 : f32
      %jit3A_1564 = arith.constant 0.000000e+00 : f32
      %broadcast_in_dim3A_1565 = vector.broadcast %jit3A_1563 : f32 to vector<1x128xf32>
      %broadcast_in_dim3A_1566 = vector.broadcast %jit3A_1564 : f32 to vector<1x128xf32>
      %select_n3A_1567 = arith.select %eq3A_1562, %broadcast_in_dim3A_1565, %broadcast_in_dim3A_1566 : vector<1x128xi1>, vector<1x128xf32>
      %mul3A_1568 = arith.mulf %scan3A_1558, %select_n3A_1567 : vector<1x128xf32>
      %reduce_sum3A = vector.shape_cast %mul3A_1568 : vector<1x128xf32> to vector<1x1x128xf32>
      %reduce_sum3A_1569 = arith.constant dense<0.000000e+00> : vector<1xf32>
      %reduce_sum3A_1570 = vector.multi_reduction <add>, %reduce_sum3A, %reduce_sum3A_1569 [1, 2] : vector<1x1x128xf32> to vector<1xf32>
      %reduce_sum3A_1571 = vector.shape_cast %reduce_sum3A_1570 : vector<1xf32> to vector<1x1x1xf32>
      %reduce_sum3A_1572 = vector.extract %reduce_sum3A_1571[0, 0, 0] : f32 from vector<1x1x1xf32>
      %gt3A_1573 = vector.broadcast %scan3A_1557 : i32 to vector<1x128xi32>
      %gt3A_1574 = arith.cmpi sgt, %iota3A, %gt3A_1573 : vector<1x128xi32>
      %jit3A_1575 = arith.constant 1.000000e+00 : f32
      %jit3A_1576 = arith.constant 0.000000e+00 : f32
      %broadcast_in_dim3A_1577 = vector.broadcast %jit3A_1575 : f32 to vector<1x128xf32>
      %broadcast_in_dim3A_1578 = vector.broadcast %jit3A_1576 : f32 to vector<1x128xf32>
      %select_n3A_1579 = arith.select %gt3A_1574, %broadcast_in_dim3A_1577, %broadcast_in_dim3A_1578 : vector<1x128xi1>, vector<1x128xf32>
      %mul3A_1580 = arith.mulf %get3A_1561, %select_n3A_1579 : vector<1x128xf32>
      %lt3A = arith.constant 5.000000e-01 : f32
      %lt3A_1581 = arith.cmpf olt, %reduce_sum3A_1572, %lt3A : f32
      %jit3A_1582 = arith.constant 1.000000e+00 : f32
      %jit3A_1583 = arith.constant 0.000000e+00 : f32
      %select_n3A_1584 = arith.select %lt3A_1581, %jit3A_1582, %jit3A_1583 : f32
      %mul3A_1585 = vector.broadcast %select_n3A_1584 : f32 to vector<1x128xf32>
      %mul3A_1586 = arith.mulf %mul3A_1580, %mul3A_1585 : vector<1x128xf32>
      %max3A_1587 = arith.maximumf %scan3A_1558, %mul3A_1586 : vector<1x128xf32>
      scf.yield %max3A_1587 : vector<1x128xf32>
    }
    %scan3A_1173 = arith.constant 128 : i32
    %swap3A_1174 = arith.constant 11 : index
    %swap3A_1175 = arith.constant 0 : index
    %swap3A_1176 = vector.load %arg8[%swap3A_1174, %swap3A_1175] : memref<16x128xf32, #tpu.memory_space<vmem>>, vector<1x128xf32>
    tpu.vector_store %arg8[%swap3A_1174, %swap3A_1175], %scan3A_1172 {strides = array<i32>} : memref<16x128xf32, #tpu.memory_space<vmem>>, vector<1x128xf32>,
    %get3A_1177 = arith.constant 12 : index
    %get3A_1178 = arith.constant 0 : index
    %get3A_1179 = vector.load %arg0[%get3A_1177, %get3A_1178] : memref<16x128xf32, #tpu.memory_space<vmem>>, vector<1x128xf32>
    %get3A_1180 = arith.constant 12 : index
    %get3A_1181 = arith.constant 0 : index
    %get3A_1182 = vector.load %arg1[%get3A_1180, %get3A_1181] : memref<16x128xf32, #tpu.memory_space<vmem>>, vector<1x128xf32>
    %get3A_1183 = arith.constant 12 : index
    %get3A_1184 = arith.constant 0 : index
    %get3A_1185 = vector.load %arg2[%get3A_1183, %get3A_1184] : memref<16x128xf32, #tpu.memory_space<vmem>>, vector<1x128xf32>
    %get3A_1186 = arith.constant 12 : index
    %get3A_1187 = arith.constant 0 : index
    %get3A_1188 = vector.load %arg3[%get3A_1186, %get3A_1187] : memref<16x128xf32, #tpu.memory_space<vmem>>, vector<1x128xf32>
    %sub3A_1189 = arith.subf %get3A_1185, %get3A_1179 : vector<1x128xf32>
    %sub3A_1190 = arith.subf %get3A_1188, %get3A_1182 : vector<1x128xf32>
    %mul3A_1191 = arith.mulf %sub3A_1189, %sub3A_1190 : vector<1x128xf32>
    %get3A_1192 = arith.constant 1536 : index
    %get3A_1193 = arith.constant 0 : index
    %get3A_1194 = vector.load %arg4[%get3A_1192, %get3A_1193] : memref<2048x1xf32, #tpu.memory_space<vmem>>, vector<128x1xf32>
    %get3A_1195 = arith.constant 1536 : index
    %get3A_1196 = arith.constant 0 : index
    %get3A_1197 = vector.load %arg5[%get3A_1195, %get3A_1196] : memref<2048x1xf32, #tpu.memory_space<vmem>>, vector<128x1xf32>
    %get3A_1198 = arith.constant 1536 : index
    %get3A_1199 = arith.constant 0 : index
    %get3A_1200 = vector.load %arg6[%get3A_1198, %get3A_1199] : memref<2048x1xf32, #tpu.memory_space<vmem>>, vector<128x1xf32>
    %get3A_1201 = arith.constant 1536 : index
    %get3A_1202 = arith.constant 0 : index
    %get3A_1203 = vector.load %arg7[%get3A_1201, %get3A_1202] : memref<2048x1xf32, #tpu.memory_space<vmem>>, vector<128x1xf32>
    %sub3A_1204 = arith.subf %get3A_1200, %get3A_1194 : vector<128x1xf32>
    %sub3A_1205 = arith.subf %get3A_1203, %get3A_1197 : vector<128x1xf32>
    %mul3A_1206 = arith.mulf %sub3A_1204, %sub3A_1205 : vector<128x1xf32>
    %min3A_1207 = vector.broadcast %get3A_1200 : vector<128x1xf32> to vector<128x128xf32>
    %min3A_1208 = vector.broadcast %get3A_1185 : vector<1x128xf32> to vector<128x128xf32>
    %min3A_1209 = arith.minimumf %min3A_1207, %min3A_1208 : vector<128x128xf32>
    %max3A_1210 = vector.broadcast %get3A_1194 : vector<128x1xf32> to vector<128x128xf32>
    %max3A_1211 = vector.broadcast %get3A_1179 : vector<1x128xf32> to vector<128x128xf32>
    %max3A_1212 = arith.maximumf %max3A_1210, %max3A_1211 : vector<128x128xf32>
    %sub3A_1213 = arith.subf %min3A_1209, %max3A_1212 : vector<128x128xf32>
    %max3A_1214 = arith.constant 0.000000e+00 : f32
    %max3A_1215 = vector.broadcast %max3A_1214 : f32 to vector<128x128xf32>
    %max3A_1216 = arith.maximumf %sub3A_1213, %max3A_1215 : vector<128x128xf32>
    %min3A_1217 = vector.broadcast %get3A_1203 : vector<128x1xf32> to vector<128x128xf32>
    %min3A_1218 = vector.broadcast %get3A_1188 : vector<1x128xf32> to vector<128x128xf32>
    %min3A_1219 = arith.minimumf %min3A_1217, %min3A_1218 : vector<128x128xf32>
    %max3A_1220 = vector.broadcast %get3A_1197 : vector<128x1xf32> to vector<128x128xf32>
    %max3A_1221 = vector.broadcast %get3A_1182 : vector<1x128xf32> to vector<128x128xf32>
    %max3A_1222 = arith.maximumf %max3A_1220, %max3A_1221 : vector<128x128xf32>
    %sub3A_1223 = arith.subf %min3A_1219, %max3A_1222 : vector<128x128xf32>
    %max3A_1224 = arith.constant 0.000000e+00 : f32
    %max3A_1225 = vector.broadcast %max3A_1224 : f32 to vector<128x128xf32>
    %max3A_1226 = arith.maximumf %sub3A_1223, %max3A_1225 : vector<128x128xf32>
    %mul3A_1227 = arith.mulf %max3A_1216, %max3A_1226 : vector<128x128xf32>
    %add3A_1228 = vector.broadcast %mul3A_1206 : vector<128x1xf32> to vector<128x128xf32>
    %add3A_1229 = vector.broadcast %mul3A_1191 : vector<1x128xf32> to vector<128x128xf32>
    %add3A_1230 = arith.addf %add3A_1228, %add3A_1229 : vector<128x128xf32>
    %sub3A_1231 = arith.subf %add3A_1230, %mul3A_1227 : vector<128x128xf32>
    %max3A_1232 = arith.constant 9.99999971E-10 : f32
    %max3A_1233 = vector.broadcast %max3A_1232 : f32 to vector<128x128xf32>
    %max3A_1234 = arith.maximumf %sub3A_1231, %max3A_1233 : vector<128x128xf32>
    %div3A_1235 = arith.divf %mul3A_1227, %max3A_1234 : vector<128x128xf32>
    %gt3A_1236 = arith.constant 5.000000e-01 : f32
    %gt3A_1237 = vector.broadcast %gt3A_1236 : f32 to vector<128x128xf32>
    %gt3A_1238 = arith.cmpf ogt, %div3A_1235, %gt3A_1237 : vector<128x128xf32>
    %jit3A_1239 = arith.constant 1.000000e+00 : f32
    %jit3A_1240 = arith.constant 0.000000e+00 : f32
    %broadcast_in_dim3A_1241 = vector.broadcast %jit3A_1239 : f32 to vector<128x128xf32>
    %broadcast_in_dim3A_1242 = vector.broadcast %jit3A_1240 : f32 to vector<128x128xf32>
    %select_n3A_1243 = arith.select %gt3A_1238, %broadcast_in_dim3A_1241, %broadcast_in_dim3A_1242 : vector<128x128xi1>, vector<128x128xf32>
    %swap3A_1244 = arith.constant 0 : index
    %swap3A_1245 = arith.constant 0 : index
    %swap3A_1246 = vector.load %arg9[%swap3A_1244, %swap3A_1245] : memref<128x128xf32, #tpu.memory_space<vmem>>, vector<128x128xf32>
    tpu.vector_store %arg9[%swap3A_1244, %swap3A_1245], %select_n3A_1243 {strides = array<i32>} : memref<128x128xf32, #tpu.memory_space<vmem>>, vector<128x128xf32>,
    %broadcast_in_dim3A_1247 = arith.constant 0.000000e+00 : f32
    %broadcast_in_dim3A_1248 = vector.broadcast %broadcast_in_dim3A_1247 : f32 to vector<1x128xf32>
    %scan3A_1249 = arith.constant 0 : i32
    %scan3A_1250 = arith.constant 12 : i32
    %scan3A_1251 = arith.addi %scan3A_1249, %scan3A_1250 : i32
    %scan3A_1252 = arith.constant 1 : i32
    %scan3A_1253 = scf.for %scan3A_1557 = %scan3A_1249 to %scan3A_1251 step %scan3A_1252 iter_args(%scan3A_1558 = %broadcast_in_dim3A_1248) -> (vector<1x128xf32>)  : i32 {
      %mul3A_1559 = arith.constant 128 : i32
      %mul3A_1560 = arith.muli %scan3A_1557, %mul3A_1559 : i32
      %get3A_1561 = arith.index_cast %mul3A_1560 : i32 to index
      %get3A_1562 = arith.constant 0 : index
      %get3A_1563 = vector.load %arg4[%get3A_1561, %get3A_1562] : memref<2048x1xf32, #tpu.memory_space<vmem>>, vector<128x1xf32>
      %mul3A_1564 = arith.constant 128 : i32
      %mul3A_1565 = arith.muli %scan3A_1557, %mul3A_1564 : i32
      %get3A_1566 = arith.index_cast %mul3A_1565 : i32 to index
      %get3A_1567 = arith.constant 0 : index
      %get3A_1568 = vector.load %arg5[%get3A_1566, %get3A_1567] : memref<2048x1xf32, #tpu.memory_space<vmem>>, vector<128x1xf32>
      %mul3A_1569 = arith.constant 128 : i32
      %mul3A_1570 = arith.muli %scan3A_1557, %mul3A_1569 : i32
      %get3A_1571 = arith.index_cast %mul3A_1570 : i32 to index
      %get3A_1572 = arith.constant 0 : index
      %get3A_1573 = vector.load %arg6[%get3A_1571, %get3A_1572] : memref<2048x1xf32, #tpu.memory_space<vmem>>, vector<128x1xf32>
      %mul3A_1574 = arith.constant 128 : i32
      %mul3A_1575 = arith.muli %scan3A_1557, %mul3A_1574 : i32
      %get3A_1576 = arith.index_cast %mul3A_1575 : i32 to index
      %get3A_1577 = arith.constant 0 : index
      %get3A_1578 = vector.load %arg7[%get3A_1576, %get3A_1577] : memref<2048x1xf32, #tpu.memory_space<vmem>>, vector<128x1xf32>
      %sub3A_1579 = arith.subf %get3A_1573, %get3A_1563 : vector<128x1xf32>
      %sub3A_1580 = arith.subf %get3A_1578, %get3A_1568 : vector<128x1xf32>
      %mul3A_1581 = arith.mulf %sub3A_1579, %sub3A_1580 : vector<128x1xf32>
      %min3A_1582 = vector.broadcast %get3A_1573 : vector<128x1xf32> to vector<128x128xf32>
      %min3A_1583 = vector.broadcast %get3A_1185 : vector<1x128xf32> to vector<128x128xf32>
      %min3A_1584 = arith.minimumf %min3A_1582, %min3A_1583 : vector<128x128xf32>
      %max3A_1585 = vector.broadcast %get3A_1563 : vector<128x1xf32> to vector<128x128xf32>
      %max3A_1586 = vector.broadcast %get3A_1179 : vector<1x128xf32> to vector<128x128xf32>
      %max3A_1587 = arith.maximumf %max3A_1585, %max3A_1586 : vector<128x128xf32>
      %sub3A_1588 = arith.subf %min3A_1584, %max3A_1587 : vector<128x128xf32>
      %max3A_1589 = arith.constant 0.000000e+00 : f32
      %max3A_1590 = vector.broadcast %max3A_1589 : f32 to vector<128x128xf32>
      %max3A_1591 = arith.maximumf %sub3A_1588, %max3A_1590 : vector<128x128xf32>
      %min3A_1592 = vector.broadcast %get3A_1578 : vector<128x1xf32> to vector<128x128xf32>
      %min3A_1593 = vector.broadcast %get3A_1188 : vector<1x128xf32> to vector<128x128xf32>
      %min3A_1594 = arith.minimumf %min3A_1592, %min3A_1593 : vector<128x128xf32>
      %max3A_1595 = vector.broadcast %get3A_1568 : vector<128x1xf32> to vector<128x128xf32>
      %max3A_1596 = vector.broadcast %get3A_1182 : vector<1x128xf32> to vector<128x128xf32>
      %max3A_1597 = arith.maximumf %max3A_1595, %max3A_1596 : vector<128x128xf32>
      %sub3A_1598 = arith.subf %min3A_1594, %max3A_1597 : vector<128x128xf32>
      %max3A_1599 = arith.constant 0.000000e+00 : f32
      %max3A_1600 = vector.broadcast %max3A_1599 : f32 to vector<128x128xf32>
      %max3A_1601 = arith.maximumf %sub3A_1598, %max3A_1600 : vector<128x128xf32>
      %mul3A_1602 = arith.mulf %max3A_1591, %max3A_1601 : vector<128x128xf32>
      %add3A_1603 = vector.broadcast %mul3A_1581 : vector<128x1xf32> to vector<128x128xf32>
      %add3A_1604 = vector.broadcast %mul3A_1191 : vector<1x128xf32> to vector<128x128xf32>
      %add3A_1605 = arith.addf %add3A_1603, %add3A_1604 : vector<128x128xf32>
      %sub3A_1606 = arith.subf %add3A_1605, %mul3A_1602 : vector<128x128xf32>
      %max3A_1607 = arith.constant 9.99999971E-10 : f32
      %max3A_1608 = vector.broadcast %max3A_1607 : f32 to vector<128x128xf32>
      %max3A_1609 = arith.maximumf %sub3A_1606, %max3A_1608 : vector<128x128xf32>
      %div3A_1610 = arith.divf %mul3A_1602, %max3A_1609 : vector<128x128xf32>
      %gt3A_1611 = arith.constant 5.000000e-01 : f32
      %gt3A_1612 = vector.broadcast %gt3A_1611 : f32 to vector<128x128xf32>
      %gt3A_1613 = arith.cmpf ogt, %div3A_1610, %gt3A_1612 : vector<128x128xf32>
      %jit3A_1614 = arith.constant 1.000000e+00 : f32
      %jit3A_1615 = arith.constant 0.000000e+00 : f32
      %broadcast_in_dim3A_1616 = vector.broadcast %jit3A_1614 : f32 to vector<128x128xf32>
      %broadcast_in_dim3A_1617 = vector.broadcast %jit3A_1615 : f32 to vector<128x128xf32>
      %select_n3A_1618 = arith.select %gt3A_1613, %broadcast_in_dim3A_1616, %broadcast_in_dim3A_1617 : vector<128x128xi1>, vector<128x128xf32>
      %get3A_1619 = arith.index_cast %scan3A_1557 : i32 to index
      %get3A_1620 = arith.constant 0 : index
      %get3A_1621 = vector.load %arg8[%get3A_1619, %get3A_1620] : memref<16x128xf32, #tpu.memory_space<vmem>>, vector<1x128xf32>
      %sub3A_1622 = arith.constant 1.000000e+00 : f32
      %sub3A_1623 = vector.broadcast %sub3A_1622 : f32 to vector<1x128xf32>
      %sub3A_1624 = arith.subf %sub3A_1623, %get3A_1621 : vector<1x128xf32>
      %dot_general3A_1625 = arith.constant dense<0.000000e+00> : vector<1x128xf32>
      %dot_general3A_1626 = tpu.matmul %sub3A_1624, %select_n3A_1618, %dot_general3A_1625 {dimension_numbers = #tpu.dot_dimension_numbers<[1], [0], [0], [1], [0, 0, 1, 1], [], []>, transpose_lhs_hint = false} : vector<1x128xf32>, vector<128x128xf32>, vector<1x128xf32> -> vector<1x128xf32>
      %add3A_1627 = arith.addf %scan3A_1558, %dot_general3A_1626 : vector<1x128xf32>
      scf.yield %add3A_1627 : vector<1x128xf32>
    }
    %scan3A_1254 = arith.constant 12 : i32
    %gt3A_1255 = arith.constant 0.000000e+00 : f32
    %gt3A_1256 = vector.broadcast %gt3A_1255 : f32 to vector<1x128xf32>
    %gt3A_1257 = arith.cmpf ogt, %scan3A_1253, %gt3A_1256 : vector<1x128xf32>
    %jit3A_1258 = arith.constant 1.000000e+00 : f32
    %jit3A_1259 = arith.constant 0.000000e+00 : f32
    %broadcast_in_dim3A_1260 = vector.broadcast %jit3A_1258 : f32 to vector<1x128xf32>
    %broadcast_in_dim3A_1261 = vector.broadcast %jit3A_1259 : f32 to vector<1x128xf32>
    %select_n3A_1262 = arith.select %gt3A_1257, %broadcast_in_dim3A_1260, %broadcast_in_dim3A_1261 : vector<1x128xi1>, vector<1x128xf32>
    %scan3A_1263 = arith.constant 0 : i32
    %scan3A_1264 = arith.constant 128 : i32
    %scan3A_1265 = arith.addi %scan3A_1263, %scan3A_1264 : i32
    %scan3A_1266 = arith.constant 1 : i32
    %scan3A_1267 = scf.for %scan3A_1557 = %scan3A_1263 to %scan3A_1265 step %scan3A_1266 iter_args(%scan3A_1558 = %select_n3A_1262) -> (vector<1x128xf32>)  : i32 {
      %get3A_1559 = arith.index_cast %scan3A_1557 : i32 to index
      %get3A_1560 = arith.constant 0 : index
      %get3A_1561 = vector.load %arg9[%get3A_1559, %get3A_1560] : memref<128x128xf32, #tpu.memory_space<vmem>>, vector<1x128xf32>
      %eq3A = vector.broadcast %scan3A_1557 : i32 to vector<1x128xi32>
      %eq3A_1562 = arith.cmpi eq, %iota3A, %eq3A : vector<1x128xi32>
      %jit3A_1563 = arith.constant 1.000000e+00 : f32
      %jit3A_1564 = arith.constant 0.000000e+00 : f32
      %broadcast_in_dim3A_1565 = vector.broadcast %jit3A_1563 : f32 to vector<1x128xf32>
      %broadcast_in_dim3A_1566 = vector.broadcast %jit3A_1564 : f32 to vector<1x128xf32>
      %select_n3A_1567 = arith.select %eq3A_1562, %broadcast_in_dim3A_1565, %broadcast_in_dim3A_1566 : vector<1x128xi1>, vector<1x128xf32>
      %mul3A_1568 = arith.mulf %scan3A_1558, %select_n3A_1567 : vector<1x128xf32>
      %reduce_sum3A = vector.shape_cast %mul3A_1568 : vector<1x128xf32> to vector<1x1x128xf32>
      %reduce_sum3A_1569 = arith.constant dense<0.000000e+00> : vector<1xf32>
      %reduce_sum3A_1570 = vector.multi_reduction <add>, %reduce_sum3A, %reduce_sum3A_1569 [1, 2] : vector<1x1x128xf32> to vector<1xf32>
      %reduce_sum3A_1571 = vector.shape_cast %reduce_sum3A_1570 : vector<1xf32> to vector<1x1x1xf32>
      %reduce_sum3A_1572 = vector.extract %reduce_sum3A_1571[0, 0, 0] : f32 from vector<1x1x1xf32>
      %gt3A_1573 = vector.broadcast %scan3A_1557 : i32 to vector<1x128xi32>
      %gt3A_1574 = arith.cmpi sgt, %iota3A, %gt3A_1573 : vector<1x128xi32>
      %jit3A_1575 = arith.constant 1.000000e+00 : f32
      %jit3A_1576 = arith.constant 0.000000e+00 : f32
      %broadcast_in_dim3A_1577 = vector.broadcast %jit3A_1575 : f32 to vector<1x128xf32>
      %broadcast_in_dim3A_1578 = vector.broadcast %jit3A_1576 : f32 to vector<1x128xf32>
      %select_n3A_1579 = arith.select %gt3A_1574, %broadcast_in_dim3A_1577, %broadcast_in_dim3A_1578 : vector<1x128xi1>, vector<1x128xf32>
      %mul3A_1580 = arith.mulf %get3A_1561, %select_n3A_1579 : vector<1x128xf32>
      %lt3A = arith.constant 5.000000e-01 : f32
      %lt3A_1581 = arith.cmpf olt, %reduce_sum3A_1572, %lt3A : f32
      %jit3A_1582 = arith.constant 1.000000e+00 : f32
      %jit3A_1583 = arith.constant 0.000000e+00 : f32
      %select_n3A_1584 = arith.select %lt3A_1581, %jit3A_1582, %jit3A_1583 : f32
      %mul3A_1585 = vector.broadcast %select_n3A_1584 : f32 to vector<1x128xf32>
      %mul3A_1586 = arith.mulf %mul3A_1580, %mul3A_1585 : vector<1x128xf32>
      %max3A_1587 = arith.maximumf %scan3A_1558, %mul3A_1586 : vector<1x128xf32>
      scf.yield %max3A_1587 : vector<1x128xf32>
    }
    %scan3A_1268 = arith.constant 128 : i32
    %swap3A_1269 = arith.constant 12 : index
    %swap3A_1270 = arith.constant 0 : index
    %swap3A_1271 = vector.load %arg8[%swap3A_1269, %swap3A_1270] : memref<16x128xf32, #tpu.memory_space<vmem>>, vector<1x128xf32>
    tpu.vector_store %arg8[%swap3A_1269, %swap3A_1270], %scan3A_1267 {strides = array<i32>} : memref<16x128xf32, #tpu.memory_space<vmem>>, vector<1x128xf32>,
    %get3A_1272 = arith.constant 13 : index
    %get3A_1273 = arith.constant 0 : index
    %get3A_1274 = vector.load %arg0[%get3A_1272, %get3A_1273] : memref<16x128xf32, #tpu.memory_space<vmem>>, vector<1x128xf32>
    %get3A_1275 = arith.constant 13 : index
    %get3A_1276 = arith.constant 0 : index
    %get3A_1277 = vector.load %arg1[%get3A_1275, %get3A_1276] : memref<16x128xf32, #tpu.memory_space<vmem>>, vector<1x128xf32>
    %get3A_1278 = arith.constant 13 : index
    %get3A_1279 = arith.constant 0 : index
    %get3A_1280 = vector.load %arg2[%get3A_1278, %get3A_1279] : memref<16x128xf32, #tpu.memory_space<vmem>>, vector<1x128xf32>
    %get3A_1281 = arith.constant 13 : index
    %get3A_1282 = arith.constant 0 : index
    %get3A_1283 = vector.load %arg3[%get3A_1281, %get3A_1282] : memref<16x128xf32, #tpu.memory_space<vmem>>, vector<1x128xf32>
    %sub3A_1284 = arith.subf %get3A_1280, %get3A_1274 : vector<1x128xf32>
    %sub3A_1285 = arith.subf %get3A_1283, %get3A_1277 : vector<1x128xf32>
    %mul3A_1286 = arith.mulf %sub3A_1284, %sub3A_1285 : vector<1x128xf32>
    %get3A_1287 = arith.constant 1664 : index
    %get3A_1288 = arith.constant 0 : index
    %get3A_1289 = vector.load %arg4[%get3A_1287, %get3A_1288] : memref<2048x1xf32, #tpu.memory_space<vmem>>, vector<128x1xf32>
    %get3A_1290 = arith.constant 1664 : index
    %get3A_1291 = arith.constant 0 : index
    %get3A_1292 = vector.load %arg5[%get3A_1290, %get3A_1291] : memref<2048x1xf32, #tpu.memory_space<vmem>>, vector<128x1xf32>
    %get3A_1293 = arith.constant 1664 : index
    %get3A_1294 = arith.constant 0 : index
    %get3A_1295 = vector.load %arg6[%get3A_1293, %get3A_1294] : memref<2048x1xf32, #tpu.memory_space<vmem>>, vector<128x1xf32>
    %get3A_1296 = arith.constant 1664 : index
    %get3A_1297 = arith.constant 0 : index
    %get3A_1298 = vector.load %arg7[%get3A_1296, %get3A_1297] : memref<2048x1xf32, #tpu.memory_space<vmem>>, vector<128x1xf32>
    %sub3A_1299 = arith.subf %get3A_1295, %get3A_1289 : vector<128x1xf32>
    %sub3A_1300 = arith.subf %get3A_1298, %get3A_1292 : vector<128x1xf32>
    %mul3A_1301 = arith.mulf %sub3A_1299, %sub3A_1300 : vector<128x1xf32>
    %min3A_1302 = vector.broadcast %get3A_1295 : vector<128x1xf32> to vector<128x128xf32>
    %min3A_1303 = vector.broadcast %get3A_1280 : vector<1x128xf32> to vector<128x128xf32>
    %min3A_1304 = arith.minimumf %min3A_1302, %min3A_1303 : vector<128x128xf32>
    %max3A_1305 = vector.broadcast %get3A_1289 : vector<128x1xf32> to vector<128x128xf32>
    %max3A_1306 = vector.broadcast %get3A_1274 : vector<1x128xf32> to vector<128x128xf32>
    %max3A_1307 = arith.maximumf %max3A_1305, %max3A_1306 : vector<128x128xf32>
    %sub3A_1308 = arith.subf %min3A_1304, %max3A_1307 : vector<128x128xf32>
    %max3A_1309 = arith.constant 0.000000e+00 : f32
    %max3A_1310 = vector.broadcast %max3A_1309 : f32 to vector<128x128xf32>
    %max3A_1311 = arith.maximumf %sub3A_1308, %max3A_1310 : vector<128x128xf32>
    %min3A_1312 = vector.broadcast %get3A_1298 : vector<128x1xf32> to vector<128x128xf32>
    %min3A_1313 = vector.broadcast %get3A_1283 : vector<1x128xf32> to vector<128x128xf32>
    %min3A_1314 = arith.minimumf %min3A_1312, %min3A_1313 : vector<128x128xf32>
    %max3A_1315 = vector.broadcast %get3A_1292 : vector<128x1xf32> to vector<128x128xf32>
    %max3A_1316 = vector.broadcast %get3A_1277 : vector<1x128xf32> to vector<128x128xf32>
    %max3A_1317 = arith.maximumf %max3A_1315, %max3A_1316 : vector<128x128xf32>
    %sub3A_1318 = arith.subf %min3A_1314, %max3A_1317 : vector<128x128xf32>
    %max3A_1319 = arith.constant 0.000000e+00 : f32
    %max3A_1320 = vector.broadcast %max3A_1319 : f32 to vector<128x128xf32>
    %max3A_1321 = arith.maximumf %sub3A_1318, %max3A_1320 : vector<128x128xf32>
    %mul3A_1322 = arith.mulf %max3A_1311, %max3A_1321 : vector<128x128xf32>
    %add3A_1323 = vector.broadcast %mul3A_1301 : vector<128x1xf32> to vector<128x128xf32>
    %add3A_1324 = vector.broadcast %mul3A_1286 : vector<1x128xf32> to vector<128x128xf32>
    %add3A_1325 = arith.addf %add3A_1323, %add3A_1324 : vector<128x128xf32>
    %sub3A_1326 = arith.subf %add3A_1325, %mul3A_1322 : vector<128x128xf32>
    %max3A_1327 = arith.constant 9.99999971E-10 : f32
    %max3A_1328 = vector.broadcast %max3A_1327 : f32 to vector<128x128xf32>
    %max3A_1329 = arith.maximumf %sub3A_1326, %max3A_1328 : vector<128x128xf32>
    %div3A_1330 = arith.divf %mul3A_1322, %max3A_1329 : vector<128x128xf32>
    %gt3A_1331 = arith.constant 5.000000e-01 : f32
    %gt3A_1332 = vector.broadcast %gt3A_1331 : f32 to vector<128x128xf32>
    %gt3A_1333 = arith.cmpf ogt, %div3A_1330, %gt3A_1332 : vector<128x128xf32>
    %jit3A_1334 = arith.constant 1.000000e+00 : f32
    %jit3A_1335 = arith.constant 0.000000e+00 : f32
    %broadcast_in_dim3A_1336 = vector.broadcast %jit3A_1334 : f32 to vector<128x128xf32>
    %broadcast_in_dim3A_1337 = vector.broadcast %jit3A_1335 : f32 to vector<128x128xf32>
    %select_n3A_1338 = arith.select %gt3A_1333, %broadcast_in_dim3A_1336, %broadcast_in_dim3A_1337 : vector<128x128xi1>, vector<128x128xf32>
    %swap3A_1339 = arith.constant 0 : index
    %swap3A_1340 = arith.constant 0 : index
    %swap3A_1341 = vector.load %arg9[%swap3A_1339, %swap3A_1340] : memref<128x128xf32, #tpu.memory_space<vmem>>, vector<128x128xf32>
    tpu.vector_store %arg9[%swap3A_1339, %swap3A_1340], %select_n3A_1338 {strides = array<i32>} : memref<128x128xf32, #tpu.memory_space<vmem>>, vector<128x128xf32>,
    %broadcast_in_dim3A_1342 = arith.constant 0.000000e+00 : f32
    %broadcast_in_dim3A_1343 = vector.broadcast %broadcast_in_dim3A_1342 : f32 to vector<1x128xf32>
    %scan3A_1344 = arith.constant 0 : i32
    %scan3A_1345 = arith.constant 13 : i32
    %scan3A_1346 = arith.addi %scan3A_1344, %scan3A_1345 : i32
    %scan3A_1347 = arith.constant 1 : i32
    %scan3A_1348 = scf.for %scan3A_1557 = %scan3A_1344 to %scan3A_1346 step %scan3A_1347 iter_args(%scan3A_1558 = %broadcast_in_dim3A_1343) -> (vector<1x128xf32>)  : i32 {
      %mul3A_1559 = arith.constant 128 : i32
      %mul3A_1560 = arith.muli %scan3A_1557, %mul3A_1559 : i32
      %get3A_1561 = arith.index_cast %mul3A_1560 : i32 to index
      %get3A_1562 = arith.constant 0 : index
      %get3A_1563 = vector.load %arg4[%get3A_1561, %get3A_1562] : memref<2048x1xf32, #tpu.memory_space<vmem>>, vector<128x1xf32>
      %mul3A_1564 = arith.constant 128 : i32
      %mul3A_1565 = arith.muli %scan3A_1557, %mul3A_1564 : i32
      %get3A_1566 = arith.index_cast %mul3A_1565 : i32 to index
      %get3A_1567 = arith.constant 0 : index
      %get3A_1568 = vector.load %arg5[%get3A_1566, %get3A_1567] : memref<2048x1xf32, #tpu.memory_space<vmem>>, vector<128x1xf32>
      %mul3A_1569 = arith.constant 128 : i32
      %mul3A_1570 = arith.muli %scan3A_1557, %mul3A_1569 : i32
      %get3A_1571 = arith.index_cast %mul3A_1570 : i32 to index
      %get3A_1572 = arith.constant 0 : index
      %get3A_1573 = vector.load %arg6[%get3A_1571, %get3A_1572] : memref<2048x1xf32, #tpu.memory_space<vmem>>, vector<128x1xf32>
      %mul3A_1574 = arith.constant 128 : i32
      %mul3A_1575 = arith.muli %scan3A_1557, %mul3A_1574 : i32
      %get3A_1576 = arith.index_cast %mul3A_1575 : i32 to index
      %get3A_1577 = arith.constant 0 : index
      %get3A_1578 = vector.load %arg7[%get3A_1576, %get3A_1577] : memref<2048x1xf32, #tpu.memory_space<vmem>>, vector<128x1xf32>
      %sub3A_1579 = arith.subf %get3A_1573, %get3A_1563 : vector<128x1xf32>
      %sub3A_1580 = arith.subf %get3A_1578, %get3A_1568 : vector<128x1xf32>
      %mul3A_1581 = arith.mulf %sub3A_1579, %sub3A_1580 : vector<128x1xf32>
      %min3A_1582 = vector.broadcast %get3A_1573 : vector<128x1xf32> to vector<128x128xf32>
      %min3A_1583 = vector.broadcast %get3A_1280 : vector<1x128xf32> to vector<128x128xf32>
      %min3A_1584 = arith.minimumf %min3A_1582, %min3A_1583 : vector<128x128xf32>
      %max3A_1585 = vector.broadcast %get3A_1563 : vector<128x1xf32> to vector<128x128xf32>
      %max3A_1586 = vector.broadcast %get3A_1274 : vector<1x128xf32> to vector<128x128xf32>
      %max3A_1587 = arith.maximumf %max3A_1585, %max3A_1586 : vector<128x128xf32>
      %sub3A_1588 = arith.subf %min3A_1584, %max3A_1587 : vector<128x128xf32>
      %max3A_1589 = arith.constant 0.000000e+00 : f32
      %max3A_1590 = vector.broadcast %max3A_1589 : f32 to vector<128x128xf32>
      %max3A_1591 = arith.maximumf %sub3A_1588, %max3A_1590 : vector<128x128xf32>
      %min3A_1592 = vector.broadcast %get3A_1578 : vector<128x1xf32> to vector<128x128xf32>
      %min3A_1593 = vector.broadcast %get3A_1283 : vector<1x128xf32> to vector<128x128xf32>
      %min3A_1594 = arith.minimumf %min3A_1592, %min3A_1593 : vector<128x128xf32>
      %max3A_1595 = vector.broadcast %get3A_1568 : vector<128x1xf32> to vector<128x128xf32>
      %max3A_1596 = vector.broadcast %get3A_1277 : vector<1x128xf32> to vector<128x128xf32>
      %max3A_1597 = arith.maximumf %max3A_1595, %max3A_1596 : vector<128x128xf32>
      %sub3A_1598 = arith.subf %min3A_1594, %max3A_1597 : vector<128x128xf32>
      %max3A_1599 = arith.constant 0.000000e+00 : f32
      %max3A_1600 = vector.broadcast %max3A_1599 : f32 to vector<128x128xf32>
      %max3A_1601 = arith.maximumf %sub3A_1598, %max3A_1600 : vector<128x128xf32>
      %mul3A_1602 = arith.mulf %max3A_1591, %max3A_1601 : vector<128x128xf32>
      %add3A_1603 = vector.broadcast %mul3A_1581 : vector<128x1xf32> to vector<128x128xf32>
      %add3A_1604 = vector.broadcast %mul3A_1286 : vector<1x128xf32> to vector<128x128xf32>
      %add3A_1605 = arith.addf %add3A_1603, %add3A_1604 : vector<128x128xf32>
      %sub3A_1606 = arith.subf %add3A_1605, %mul3A_1602 : vector<128x128xf32>
      %max3A_1607 = arith.constant 9.99999971E-10 : f32
      %max3A_1608 = vector.broadcast %max3A_1607 : f32 to vector<128x128xf32>
      %max3A_1609 = arith.maximumf %sub3A_1606, %max3A_1608 : vector<128x128xf32>
      %div3A_1610 = arith.divf %mul3A_1602, %max3A_1609 : vector<128x128xf32>
      %gt3A_1611 = arith.constant 5.000000e-01 : f32
      %gt3A_1612 = vector.broadcast %gt3A_1611 : f32 to vector<128x128xf32>
      %gt3A_1613 = arith.cmpf ogt, %div3A_1610, %gt3A_1612 : vector<128x128xf32>
      %jit3A_1614 = arith.constant 1.000000e+00 : f32
      %jit3A_1615 = arith.constant 0.000000e+00 : f32
      %broadcast_in_dim3A_1616 = vector.broadcast %jit3A_1614 : f32 to vector<128x128xf32>
      %broadcast_in_dim3A_1617 = vector.broadcast %jit3A_1615 : f32 to vector<128x128xf32>
      %select_n3A_1618 = arith.select %gt3A_1613, %broadcast_in_dim3A_1616, %broadcast_in_dim3A_1617 : vector<128x128xi1>, vector<128x128xf32>
      %get3A_1619 = arith.index_cast %scan3A_1557 : i32 to index
      %get3A_1620 = arith.constant 0 : index
      %get3A_1621 = vector.load %arg8[%get3A_1619, %get3A_1620] : memref<16x128xf32, #tpu.memory_space<vmem>>, vector<1x128xf32>
      %sub3A_1622 = arith.constant 1.000000e+00 : f32
      %sub3A_1623 = vector.broadcast %sub3A_1622 : f32 to vector<1x128xf32>
      %sub3A_1624 = arith.subf %sub3A_1623, %get3A_1621 : vector<1x128xf32>
      %dot_general3A_1625 = arith.constant dense<0.000000e+00> : vector<1x128xf32>
      %dot_general3A_1626 = tpu.matmul %sub3A_1624, %select_n3A_1618, %dot_general3A_1625 {dimension_numbers = #tpu.dot_dimension_numbers<[1], [0], [0], [1], [0, 0, 1, 1], [], []>, transpose_lhs_hint = false} : vector<1x128xf32>, vector<128x128xf32>, vector<1x128xf32> -> vector<1x128xf32>
      %add3A_1627 = arith.addf %scan3A_1558, %dot_general3A_1626 : vector<1x128xf32>
      scf.yield %add3A_1627 : vector<1x128xf32>
    }
    %scan3A_1349 = arith.constant 13 : i32
    %gt3A_1350 = arith.constant 0.000000e+00 : f32
    %gt3A_1351 = vector.broadcast %gt3A_1350 : f32 to vector<1x128xf32>
    %gt3A_1352 = arith.cmpf ogt, %scan3A_1348, %gt3A_1351 : vector<1x128xf32>
    %jit3A_1353 = arith.constant 1.000000e+00 : f32
    %jit3A_1354 = arith.constant 0.000000e+00 : f32
    %broadcast_in_dim3A_1355 = vector.broadcast %jit3A_1353 : f32 to vector<1x128xf32>
    %broadcast_in_dim3A_1356 = vector.broadcast %jit3A_1354 : f32 to vector<1x128xf32>
    %select_n3A_1357 = arith.select %gt3A_1352, %broadcast_in_dim3A_1355, %broadcast_in_dim3A_1356 : vector<1x128xi1>, vector<1x128xf32>
    %scan3A_1358 = arith.constant 0 : i32
    %scan3A_1359 = arith.constant 128 : i32
    %scan3A_1360 = arith.addi %scan3A_1358, %scan3A_1359 : i32
    %scan3A_1361 = arith.constant 1 : i32
    %scan3A_1362 = scf.for %scan3A_1557 = %scan3A_1358 to %scan3A_1360 step %scan3A_1361 iter_args(%scan3A_1558 = %select_n3A_1357) -> (vector<1x128xf32>)  : i32 {
      %get3A_1559 = arith.index_cast %scan3A_1557 : i32 to index
      %get3A_1560 = arith.constant 0 : index
      %get3A_1561 = vector.load %arg9[%get3A_1559, %get3A_1560] : memref<128x128xf32, #tpu.memory_space<vmem>>, vector<1x128xf32>
      %eq3A = vector.broadcast %scan3A_1557 : i32 to vector<1x128xi32>
      %eq3A_1562 = arith.cmpi eq, %iota3A, %eq3A : vector<1x128xi32>
      %jit3A_1563 = arith.constant 1.000000e+00 : f32
      %jit3A_1564 = arith.constant 0.000000e+00 : f32
      %broadcast_in_dim3A_1565 = vector.broadcast %jit3A_1563 : f32 to vector<1x128xf32>
      %broadcast_in_dim3A_1566 = vector.broadcast %jit3A_1564 : f32 to vector<1x128xf32>
      %select_n3A_1567 = arith.select %eq3A_1562, %broadcast_in_dim3A_1565, %broadcast_in_dim3A_1566 : vector<1x128xi1>, vector<1x128xf32>
      %mul3A_1568 = arith.mulf %scan3A_1558, %select_n3A_1567 : vector<1x128xf32>
      %reduce_sum3A = vector.shape_cast %mul3A_1568 : vector<1x128xf32> to vector<1x1x128xf32>
      %reduce_sum3A_1569 = arith.constant dense<0.000000e+00> : vector<1xf32>
      %reduce_sum3A_1570 = vector.multi_reduction <add>, %reduce_sum3A, %reduce_sum3A_1569 [1, 2] : vector<1x1x128xf32> to vector<1xf32>
      %reduce_sum3A_1571 = vector.shape_cast %reduce_sum3A_1570 : vector<1xf32> to vector<1x1x1xf32>
      %reduce_sum3A_1572 = vector.extract %reduce_sum3A_1571[0, 0, 0] : f32 from vector<1x1x1xf32>
      %gt3A_1573 = vector.broadcast %scan3A_1557 : i32 to vector<1x128xi32>
      %gt3A_1574 = arith.cmpi sgt, %iota3A, %gt3A_1573 : vector<1x128xi32>
      %jit3A_1575 = arith.constant 1.000000e+00 : f32
      %jit3A_1576 = arith.constant 0.000000e+00 : f32
      %broadcast_in_dim3A_1577 = vector.broadcast %jit3A_1575 : f32 to vector<1x128xf32>
      %broadcast_in_dim3A_1578 = vector.broadcast %jit3A_1576 : f32 to vector<1x128xf32>
      %select_n3A_1579 = arith.select %gt3A_1574, %broadcast_in_dim3A_1577, %broadcast_in_dim3A_1578 : vector<1x128xi1>, vector<1x128xf32>
      %mul3A_1580 = arith.mulf %get3A_1561, %select_n3A_1579 : vector<1x128xf32>
      %lt3A = arith.constant 5.000000e-01 : f32
      %lt3A_1581 = arith.cmpf olt, %reduce_sum3A_1572, %lt3A : f32
      %jit3A_1582 = arith.constant 1.000000e+00 : f32
      %jit3A_1583 = arith.constant 0.000000e+00 : f32
      %select_n3A_1584 = arith.select %lt3A_1581, %jit3A_1582, %jit3A_1583 : f32
      %mul3A_1585 = vector.broadcast %select_n3A_1584 : f32 to vector<1x128xf32>
      %mul3A_1586 = arith.mulf %mul3A_1580, %mul3A_1585 : vector<1x128xf32>
      %max3A_1587 = arith.maximumf %scan3A_1558, %mul3A_1586 : vector<1x128xf32>
      scf.yield %max3A_1587 : vector<1x128xf32>
    }
    %scan3A_1363 = arith.constant 128 : i32
    %swap3A_1364 = arith.constant 13 : index
    %swap3A_1365 = arith.constant 0 : index
    %swap3A_1366 = vector.load %arg8[%swap3A_1364, %swap3A_1365] : memref<16x128xf32, #tpu.memory_space<vmem>>, vector<1x128xf32>
    tpu.vector_store %arg8[%swap3A_1364, %swap3A_1365], %scan3A_1362 {strides = array<i32>} : memref<16x128xf32, #tpu.memory_space<vmem>>, vector<1x128xf32>,
    %get3A_1367 = arith.constant 14 : index
    %get3A_1368 = arith.constant 0 : index
    %get3A_1369 = vector.load %arg0[%get3A_1367, %get3A_1368] : memref<16x128xf32, #tpu.memory_space<vmem>>, vector<1x128xf32>
    %get3A_1370 = arith.constant 14 : index
    %get3A_1371 = arith.constant 0 : index
    %get3A_1372 = vector.load %arg1[%get3A_1370, %get3A_1371] : memref<16x128xf32, #tpu.memory_space<vmem>>, vector<1x128xf32>
    %get3A_1373 = arith.constant 14 : index
    %get3A_1374 = arith.constant 0 : index
    %get3A_1375 = vector.load %arg2[%get3A_1373, %get3A_1374] : memref<16x128xf32, #tpu.memory_space<vmem>>, vector<1x128xf32>
    %get3A_1376 = arith.constant 14 : index
    %get3A_1377 = arith.constant 0 : index
    %get3A_1378 = vector.load %arg3[%get3A_1376, %get3A_1377] : memref<16x128xf32, #tpu.memory_space<vmem>>, vector<1x128xf32>
    %sub3A_1379 = arith.subf %get3A_1375, %get3A_1369 : vector<1x128xf32>
    %sub3A_1380 = arith.subf %get3A_1378, %get3A_1372 : vector<1x128xf32>
    %mul3A_1381 = arith.mulf %sub3A_1379, %sub3A_1380 : vector<1x128xf32>
    %get3A_1382 = arith.constant 1792 : index
    %get3A_1383 = arith.constant 0 : index
    %get3A_1384 = vector.load %arg4[%get3A_1382, %get3A_1383] : memref<2048x1xf32, #tpu.memory_space<vmem>>, vector<128x1xf32>
    %get3A_1385 = arith.constant 1792 : index
    %get3A_1386 = arith.constant 0 : index
    %get3A_1387 = vector.load %arg5[%get3A_1385, %get3A_1386] : memref<2048x1xf32, #tpu.memory_space<vmem>>, vector<128x1xf32>
    %get3A_1388 = arith.constant 1792 : index
    %get3A_1389 = arith.constant 0 : index
    %get3A_1390 = vector.load %arg6[%get3A_1388, %get3A_1389] : memref<2048x1xf32, #tpu.memory_space<vmem>>, vector<128x1xf32>
    %get3A_1391 = arith.constant 1792 : index
    %get3A_1392 = arith.constant 0 : index
    %get3A_1393 = vector.load %arg7[%get3A_1391, %get3A_1392] : memref<2048x1xf32, #tpu.memory_space<vmem>>, vector<128x1xf32>
    %sub3A_1394 = arith.subf %get3A_1390, %get3A_1384 : vector<128x1xf32>
    %sub3A_1395 = arith.subf %get3A_1393, %get3A_1387 : vector<128x1xf32>
    %mul3A_1396 = arith.mulf %sub3A_1394, %sub3A_1395 : vector<128x1xf32>
    %min3A_1397 = vector.broadcast %get3A_1390 : vector<128x1xf32> to vector<128x128xf32>
    %min3A_1398 = vector.broadcast %get3A_1375 : vector<1x128xf32> to vector<128x128xf32>
    %min3A_1399 = arith.minimumf %min3A_1397, %min3A_1398 : vector<128x128xf32>
    %max3A_1400 = vector.broadcast %get3A_1384 : vector<128x1xf32> to vector<128x128xf32>
    %max3A_1401 = vector.broadcast %get3A_1369 : vector<1x128xf32> to vector<128x128xf32>
    %max3A_1402 = arith.maximumf %max3A_1400, %max3A_1401 : vector<128x128xf32>
    %sub3A_1403 = arith.subf %min3A_1399, %max3A_1402 : vector<128x128xf32>
    %max3A_1404 = arith.constant 0.000000e+00 : f32
    %max3A_1405 = vector.broadcast %max3A_1404 : f32 to vector<128x128xf32>
    %max3A_1406 = arith.maximumf %sub3A_1403, %max3A_1405 : vector<128x128xf32>
    %min3A_1407 = vector.broadcast %get3A_1393 : vector<128x1xf32> to vector<128x128xf32>
    %min3A_1408 = vector.broadcast %get3A_1378 : vector<1x128xf32> to vector<128x128xf32>
    %min3A_1409 = arith.minimumf %min3A_1407, %min3A_1408 : vector<128x128xf32>
    %max3A_1410 = vector.broadcast %get3A_1387 : vector<128x1xf32> to vector<128x128xf32>
    %max3A_1411 = vector.broadcast %get3A_1372 : vector<1x128xf32> to vector<128x128xf32>
    %max3A_1412 = arith.maximumf %max3A_1410, %max3A_1411 : vector<128x128xf32>
    %sub3A_1413 = arith.subf %min3A_1409, %max3A_1412 : vector<128x128xf32>
    %max3A_1414 = arith.constant 0.000000e+00 : f32
    %max3A_1415 = vector.broadcast %max3A_1414 : f32 to vector<128x128xf32>
    %max3A_1416 = arith.maximumf %sub3A_1413, %max3A_1415 : vector<128x128xf32>
    %mul3A_1417 = arith.mulf %max3A_1406, %max3A_1416 : vector<128x128xf32>
    %add3A_1418 = vector.broadcast %mul3A_1396 : vector<128x1xf32> to vector<128x128xf32>
    %add3A_1419 = vector.broadcast %mul3A_1381 : vector<1x128xf32> to vector<128x128xf32>
    %add3A_1420 = arith.addf %add3A_1418, %add3A_1419 : vector<128x128xf32>
    %sub3A_1421 = arith.subf %add3A_1420, %mul3A_1417 : vector<128x128xf32>
    %max3A_1422 = arith.constant 9.99999971E-10 : f32
    %max3A_1423 = vector.broadcast %max3A_1422 : f32 to vector<128x128xf32>
    %max3A_1424 = arith.maximumf %sub3A_1421, %max3A_1423 : vector<128x128xf32>
    %div3A_1425 = arith.divf %mul3A_1417, %max3A_1424 : vector<128x128xf32>
    %gt3A_1426 = arith.constant 5.000000e-01 : f32
    %gt3A_1427 = vector.broadcast %gt3A_1426 : f32 to vector<128x128xf32>
    %gt3A_1428 = arith.cmpf ogt, %div3A_1425, %gt3A_1427 : vector<128x128xf32>
    %jit3A_1429 = arith.constant 1.000000e+00 : f32
    %jit3A_1430 = arith.constant 0.000000e+00 : f32
    %broadcast_in_dim3A_1431 = vector.broadcast %jit3A_1429 : f32 to vector<128x128xf32>
    %broadcast_in_dim3A_1432 = vector.broadcast %jit3A_1430 : f32 to vector<128x128xf32>
    %select_n3A_1433 = arith.select %gt3A_1428, %broadcast_in_dim3A_1431, %broadcast_in_dim3A_1432 : vector<128x128xi1>, vector<128x128xf32>
    %swap3A_1434 = arith.constant 0 : index
    %swap3A_1435 = arith.constant 0 : index
    %swap3A_1436 = vector.load %arg9[%swap3A_1434, %swap3A_1435] : memref<128x128xf32, #tpu.memory_space<vmem>>, vector<128x128xf32>
    tpu.vector_store %arg9[%swap3A_1434, %swap3A_1435], %select_n3A_1433 {strides = array<i32>} : memref<128x128xf32, #tpu.memory_space<vmem>>, vector<128x128xf32>,
    %broadcast_in_dim3A_1437 = arith.constant 0.000000e+00 : f32
    %broadcast_in_dim3A_1438 = vector.broadcast %broadcast_in_dim3A_1437 : f32 to vector<1x128xf32>
    %scan3A_1439 = arith.constant 0 : i32
    %scan3A_1440 = arith.constant 14 : i32
    %scan3A_1441 = arith.addi %scan3A_1439, %scan3A_1440 : i32
    %scan3A_1442 = arith.constant 1 : i32
    %scan3A_1443 = scf.for %scan3A_1557 = %scan3A_1439 to %scan3A_1441 step %scan3A_1442 iter_args(%scan3A_1558 = %broadcast_in_dim3A_1438) -> (vector<1x128xf32>)  : i32 {
      %mul3A_1559 = arith.constant 128 : i32
      %mul3A_1560 = arith.muli %scan3A_1557, %mul3A_1559 : i32
      %get3A_1561 = arith.index_cast %mul3A_1560 : i32 to index
      %get3A_1562 = arith.constant 0 : index
      %get3A_1563 = vector.load %arg4[%get3A_1561, %get3A_1562] : memref<2048x1xf32, #tpu.memory_space<vmem>>, vector<128x1xf32>
      %mul3A_1564 = arith.constant 128 : i32
      %mul3A_1565 = arith.muli %scan3A_1557, %mul3A_1564 : i32
      %get3A_1566 = arith.index_cast %mul3A_1565 : i32 to index
      %get3A_1567 = arith.constant 0 : index
      %get3A_1568 = vector.load %arg5[%get3A_1566, %get3A_1567] : memref<2048x1xf32, #tpu.memory_space<vmem>>, vector<128x1xf32>
      %mul3A_1569 = arith.constant 128 : i32
      %mul3A_1570 = arith.muli %scan3A_1557, %mul3A_1569 : i32
      %get3A_1571 = arith.index_cast %mul3A_1570 : i32 to index
      %get3A_1572 = arith.constant 0 : index
      %get3A_1573 = vector.load %arg6[%get3A_1571, %get3A_1572] : memref<2048x1xf32, #tpu.memory_space<vmem>>, vector<128x1xf32>
      %mul3A_1574 = arith.constant 128 : i32
      %mul3A_1575 = arith.muli %scan3A_1557, %mul3A_1574 : i32
      %get3A_1576 = arith.index_cast %mul3A_1575 : i32 to index
      %get3A_1577 = arith.constant 0 : index
      %get3A_1578 = vector.load %arg7[%get3A_1576, %get3A_1577] : memref<2048x1xf32, #tpu.memory_space<vmem>>, vector<128x1xf32>
      %sub3A_1579 = arith.subf %get3A_1573, %get3A_1563 : vector<128x1xf32>
      %sub3A_1580 = arith.subf %get3A_1578, %get3A_1568 : vector<128x1xf32>
      %mul3A_1581 = arith.mulf %sub3A_1579, %sub3A_1580 : vector<128x1xf32>
      %min3A_1582 = vector.broadcast %get3A_1573 : vector<128x1xf32> to vector<128x128xf32>
      %min3A_1583 = vector.broadcast %get3A_1375 : vector<1x128xf32> to vector<128x128xf32>
      %min3A_1584 = arith.minimumf %min3A_1582, %min3A_1583 : vector<128x128xf32>
      %max3A_1585 = vector.broadcast %get3A_1563 : vector<128x1xf32> to vector<128x128xf32>
      %max3A_1586 = vector.broadcast %get3A_1369 : vector<1x128xf32> to vector<128x128xf32>
      %max3A_1587 = arith.maximumf %max3A_1585, %max3A_1586 : vector<128x128xf32>
      %sub3A_1588 = arith.subf %min3A_1584, %max3A_1587 : vector<128x128xf32>
      %max3A_1589 = arith.constant 0.000000e+00 : f32
      %max3A_1590 = vector.broadcast %max3A_1589 : f32 to vector<128x128xf32>
      %max3A_1591 = arith.maximumf %sub3A_1588, %max3A_1590 : vector<128x128xf32>
      %min3A_1592 = vector.broadcast %get3A_1578 : vector<128x1xf32> to vector<128x128xf32>
      %min3A_1593 = vector.broadcast %get3A_1378 : vector<1x128xf32> to vector<128x128xf32>
      %min3A_1594 = arith.minimumf %min3A_1592, %min3A_1593 : vector<128x128xf32>
      %max3A_1595 = vector.broadcast %get3A_1568 : vector<128x1xf32> to vector<128x128xf32>
      %max3A_1596 = vector.broadcast %get3A_1372 : vector<1x128xf32> to vector<128x128xf32>
      %max3A_1597 = arith.maximumf %max3A_1595, %max3A_1596 : vector<128x128xf32>
      %sub3A_1598 = arith.subf %min3A_1594, %max3A_1597 : vector<128x128xf32>
      %max3A_1599 = arith.constant 0.000000e+00 : f32
      %max3A_1600 = vector.broadcast %max3A_1599 : f32 to vector<128x128xf32>
      %max3A_1601 = arith.maximumf %sub3A_1598, %max3A_1600 : vector<128x128xf32>
      %mul3A_1602 = arith.mulf %max3A_1591, %max3A_1601 : vector<128x128xf32>
      %add3A_1603 = vector.broadcast %mul3A_1581 : vector<128x1xf32> to vector<128x128xf32>
      %add3A_1604 = vector.broadcast %mul3A_1381 : vector<1x128xf32> to vector<128x128xf32>
      %add3A_1605 = arith.addf %add3A_1603, %add3A_1604 : vector<128x128xf32>
      %sub3A_1606 = arith.subf %add3A_1605, %mul3A_1602 : vector<128x128xf32>
      %max3A_1607 = arith.constant 9.99999971E-10 : f32
      %max3A_1608 = vector.broadcast %max3A_1607 : f32 to vector<128x128xf32>
      %max3A_1609 = arith.maximumf %sub3A_1606, %max3A_1608 : vector<128x128xf32>
      %div3A_1610 = arith.divf %mul3A_1602, %max3A_1609 : vector<128x128xf32>
      %gt3A_1611 = arith.constant 5.000000e-01 : f32
      %gt3A_1612 = vector.broadcast %gt3A_1611 : f32 to vector<128x128xf32>
      %gt3A_1613 = arith.cmpf ogt, %div3A_1610, %gt3A_1612 : vector<128x128xf32>
      %jit3A_1614 = arith.constant 1.000000e+00 : f32
      %jit3A_1615 = arith.constant 0.000000e+00 : f32
      %broadcast_in_dim3A_1616 = vector.broadcast %jit3A_1614 : f32 to vector<128x128xf32>
      %broadcast_in_dim3A_1617 = vector.broadcast %jit3A_1615 : f32 to vector<128x128xf32>
      %select_n3A_1618 = arith.select %gt3A_1613, %broadcast_in_dim3A_1616, %broadcast_in_dim3A_1617 : vector<128x128xi1>, vector<128x128xf32>
      %get3A_1619 = arith.index_cast %scan3A_1557 : i32 to index
      %get3A_1620 = arith.constant 0 : index
      %get3A_1621 = vector.load %arg8[%get3A_1619, %get3A_1620] : memref<16x128xf32, #tpu.memory_space<vmem>>, vector<1x128xf32>
      %sub3A_1622 = arith.constant 1.000000e+00 : f32
      %sub3A_1623 = vector.broadcast %sub3A_1622 : f32 to vector<1x128xf32>
      %sub3A_1624 = arith.subf %sub3A_1623, %get3A_1621 : vector<1x128xf32>
      %dot_general3A_1625 = arith.constant dense<0.000000e+00> : vector<1x128xf32>
      %dot_general3A_1626 = tpu.matmul %sub3A_1624, %select_n3A_1618, %dot_general3A_1625 {dimension_numbers = #tpu.dot_dimension_numbers<[1], [0], [0], [1], [0, 0, 1, 1], [], []>, transpose_lhs_hint = false} : vector<1x128xf32>, vector<128x128xf32>, vector<1x128xf32> -> vector<1x128xf32>
      %add3A_1627 = arith.addf %scan3A_1558, %dot_general3A_1626 : vector<1x128xf32>
      scf.yield %add3A_1627 : vector<1x128xf32>
    }
    %scan3A_1444 = arith.constant 14 : i32
    %gt3A_1445 = arith.constant 0.000000e+00 : f32
    %gt3A_1446 = vector.broadcast %gt3A_1445 : f32 to vector<1x128xf32>
    %gt3A_1447 = arith.cmpf ogt, %scan3A_1443, %gt3A_1446 : vector<1x128xf32>
    %jit3A_1448 = arith.constant 1.000000e+00 : f32
    %jit3A_1449 = arith.constant 0.000000e+00 : f32
    %broadcast_in_dim3A_1450 = vector.broadcast %jit3A_1448 : f32 to vector<1x128xf32>
    %broadcast_in_dim3A_1451 = vector.broadcast %jit3A_1449 : f32 to vector<1x128xf32>
    %select_n3A_1452 = arith.select %gt3A_1447, %broadcast_in_dim3A_1450, %broadcast_in_dim3A_1451 : vector<1x128xi1>, vector<1x128xf32>
    %scan3A_1453 = arith.constant 0 : i32
    %scan3A_1454 = arith.constant 128 : i32
    %scan3A_1455 = arith.addi %scan3A_1453, %scan3A_1454 : i32
    %scan3A_1456 = arith.constant 1 : i32
    %scan3A_1457 = scf.for %scan3A_1557 = %scan3A_1453 to %scan3A_1455 step %scan3A_1456 iter_args(%scan3A_1558 = %select_n3A_1452) -> (vector<1x128xf32>)  : i32 {
      %get3A_1559 = arith.index_cast %scan3A_1557 : i32 to index
      %get3A_1560 = arith.constant 0 : index
      %get3A_1561 = vector.load %arg9[%get3A_1559, %get3A_1560] : memref<128x128xf32, #tpu.memory_space<vmem>>, vector<1x128xf32>
      %eq3A = vector.broadcast %scan3A_1557 : i32 to vector<1x128xi32>
      %eq3A_1562 = arith.cmpi eq, %iota3A, %eq3A : vector<1x128xi32>
      %jit3A_1563 = arith.constant 1.000000e+00 : f32
      %jit3A_1564 = arith.constant 0.000000e+00 : f32
      %broadcast_in_dim3A_1565 = vector.broadcast %jit3A_1563 : f32 to vector<1x128xf32>
      %broadcast_in_dim3A_1566 = vector.broadcast %jit3A_1564 : f32 to vector<1x128xf32>
      %select_n3A_1567 = arith.select %eq3A_1562, %broadcast_in_dim3A_1565, %broadcast_in_dim3A_1566 : vector<1x128xi1>, vector<1x128xf32>
      %mul3A_1568 = arith.mulf %scan3A_1558, %select_n3A_1567 : vector<1x128xf32>
      %reduce_sum3A = vector.shape_cast %mul3A_1568 : vector<1x128xf32> to vector<1x1x128xf32>
      %reduce_sum3A_1569 = arith.constant dense<0.000000e+00> : vector<1xf32>
      %reduce_sum3A_1570 = vector.multi_reduction <add>, %reduce_sum3A, %reduce_sum3A_1569 [1, 2] : vector<1x1x128xf32> to vector<1xf32>
      %reduce_sum3A_1571 = vector.shape_cast %reduce_sum3A_1570 : vector<1xf32> to vector<1x1x1xf32>
      %reduce_sum3A_1572 = vector.extract %reduce_sum3A_1571[0, 0, 0] : f32 from vector<1x1x1xf32>
      %gt3A_1573 = vector.broadcast %scan3A_1557 : i32 to vector<1x128xi32>
      %gt3A_1574 = arith.cmpi sgt, %iota3A, %gt3A_1573 : vector<1x128xi32>
      %jit3A_1575 = arith.constant 1.000000e+00 : f32
      %jit3A_1576 = arith.constant 0.000000e+00 : f32
      %broadcast_in_dim3A_1577 = vector.broadcast %jit3A_1575 : f32 to vector<1x128xf32>
      %broadcast_in_dim3A_1578 = vector.broadcast %jit3A_1576 : f32 to vector<1x128xf32>
      %select_n3A_1579 = arith.select %gt3A_1574, %broadcast_in_dim3A_1577, %broadcast_in_dim3A_1578 : vector<1x128xi1>, vector<1x128xf32>
      %mul3A_1580 = arith.mulf %get3A_1561, %select_n3A_1579 : vector<1x128xf32>
      %lt3A = arith.constant 5.000000e-01 : f32
      %lt3A_1581 = arith.cmpf olt, %reduce_sum3A_1572, %lt3A : f32
      %jit3A_1582 = arith.constant 1.000000e+00 : f32
      %jit3A_1583 = arith.constant 0.000000e+00 : f32
      %select_n3A_1584 = arith.select %lt3A_1581, %jit3A_1582, %jit3A_1583 : f32
      %mul3A_1585 = vector.broadcast %select_n3A_1584 : f32 to vector<1x128xf32>
      %mul3A_1586 = arith.mulf %mul3A_1580, %mul3A_1585 : vector<1x128xf32>
      %max3A_1587 = arith.maximumf %scan3A_1558, %mul3A_1586 : vector<1x128xf32>
      scf.yield %max3A_1587 : vector<1x128xf32>
    }
    %scan3A_1458 = arith.constant 128 : i32
    %swap3A_1459 = arith.constant 14 : index
    %swap3A_1460 = arith.constant 0 : index
    %swap3A_1461 = vector.load %arg8[%swap3A_1459, %swap3A_1460] : memref<16x128xf32, #tpu.memory_space<vmem>>, vector<1x128xf32>
    tpu.vector_store %arg8[%swap3A_1459, %swap3A_1460], %scan3A_1457 {strides = array<i32>} : memref<16x128xf32, #tpu.memory_space<vmem>>, vector<1x128xf32>,
    %get3A_1462 = arith.constant 15 : index
    %get3A_1463 = arith.constant 0 : index
    %get3A_1464 = vector.load %arg0[%get3A_1462, %get3A_1463] : memref<16x128xf32, #tpu.memory_space<vmem>>, vector<1x128xf32>
    %get3A_1465 = arith.constant 15 : index
    %get3A_1466 = arith.constant 0 : index
    %get3A_1467 = vector.load %arg1[%get3A_1465, %get3A_1466] : memref<16x128xf32, #tpu.memory_space<vmem>>, vector<1x128xf32>
    %get3A_1468 = arith.constant 15 : index
    %get3A_1469 = arith.constant 0 : index
    %get3A_1470 = vector.load %arg2[%get3A_1468, %get3A_1469] : memref<16x128xf32, #tpu.memory_space<vmem>>, vector<1x128xf32>
    %get3A_1471 = arith.constant 15 : index
    %get3A_1472 = arith.constant 0 : index
    %get3A_1473 = vector.load %arg3[%get3A_1471, %get3A_1472] : memref<16x128xf32, #tpu.memory_space<vmem>>, vector<1x128xf32>
    %sub3A_1474 = arith.subf %get3A_1470, %get3A_1464 : vector<1x128xf32>
    %sub3A_1475 = arith.subf %get3A_1473, %get3A_1467 : vector<1x128xf32>
    %mul3A_1476 = arith.mulf %sub3A_1474, %sub3A_1475 : vector<1x128xf32>
    %get3A_1477 = arith.constant 1920 : index
    %get3A_1478 = arith.constant 0 : index
    %get3A_1479 = vector.load %arg4[%get3A_1477, %get3A_1478] : memref<2048x1xf32, #tpu.memory_space<vmem>>, vector<128x1xf32>
    %get3A_1480 = arith.constant 1920 : index
    %get3A_1481 = arith.constant 0 : index
    %get3A_1482 = vector.load %arg5[%get3A_1480, %get3A_1481] : memref<2048x1xf32, #tpu.memory_space<vmem>>, vector<128x1xf32>
    %get3A_1483 = arith.constant 1920 : index
    %get3A_1484 = arith.constant 0 : index
    %get3A_1485 = vector.load %arg6[%get3A_1483, %get3A_1484] : memref<2048x1xf32, #tpu.memory_space<vmem>>, vector<128x1xf32>
    %get3A_1486 = arith.constant 1920 : index
    %get3A_1487 = arith.constant 0 : index
    %get3A_1488 = vector.load %arg7[%get3A_1486, %get3A_1487] : memref<2048x1xf32, #tpu.memory_space<vmem>>, vector<128x1xf32>
    %sub3A_1489 = arith.subf %get3A_1485, %get3A_1479 : vector<128x1xf32>
    %sub3A_1490 = arith.subf %get3A_1488, %get3A_1482 : vector<128x1xf32>
    %mul3A_1491 = arith.mulf %sub3A_1489, %sub3A_1490 : vector<128x1xf32>
    %min3A_1492 = vector.broadcast %get3A_1485 : vector<128x1xf32> to vector<128x128xf32>
    %min3A_1493 = vector.broadcast %get3A_1470 : vector<1x128xf32> to vector<128x128xf32>
    %min3A_1494 = arith.minimumf %min3A_1492, %min3A_1493 : vector<128x128xf32>
    %max3A_1495 = vector.broadcast %get3A_1479 : vector<128x1xf32> to vector<128x128xf32>
    %max3A_1496 = vector.broadcast %get3A_1464 : vector<1x128xf32> to vector<128x128xf32>
    %max3A_1497 = arith.maximumf %max3A_1495, %max3A_1496 : vector<128x128xf32>
    %sub3A_1498 = arith.subf %min3A_1494, %max3A_1497 : vector<128x128xf32>
    %max3A_1499 = arith.constant 0.000000e+00 : f32
    %max3A_1500 = vector.broadcast %max3A_1499 : f32 to vector<128x128xf32>
    %max3A_1501 = arith.maximumf %sub3A_1498, %max3A_1500 : vector<128x128xf32>
    %min3A_1502 = vector.broadcast %get3A_1488 : vector<128x1xf32> to vector<128x128xf32>
    %min3A_1503 = vector.broadcast %get3A_1473 : vector<1x128xf32> to vector<128x128xf32>
    %min3A_1504 = arith.minimumf %min3A_1502, %min3A_1503 : vector<128x128xf32>
    %max3A_1505 = vector.broadcast %get3A_1482 : vector<128x1xf32> to vector<128x128xf32>
    %max3A_1506 = vector.broadcast %get3A_1467 : vector<1x128xf32> to vector<128x128xf32>
    %max3A_1507 = arith.maximumf %max3A_1505, %max3A_1506 : vector<128x128xf32>
    %sub3A_1508 = arith.subf %min3A_1504, %max3A_1507 : vector<128x128xf32>
    %max3A_1509 = arith.constant 0.000000e+00 : f32
    %max3A_1510 = vector.broadcast %max3A_1509 : f32 to vector<128x128xf32>
    %max3A_1511 = arith.maximumf %sub3A_1508, %max3A_1510 : vector<128x128xf32>
    %mul3A_1512 = arith.mulf %max3A_1501, %max3A_1511 : vector<128x128xf32>
    %add3A_1513 = vector.broadcast %mul3A_1491 : vector<128x1xf32> to vector<128x128xf32>
    %add3A_1514 = vector.broadcast %mul3A_1476 : vector<1x128xf32> to vector<128x128xf32>
    %add3A_1515 = arith.addf %add3A_1513, %add3A_1514 : vector<128x128xf32>
    %sub3A_1516 = arith.subf %add3A_1515, %mul3A_1512 : vector<128x128xf32>
    %max3A_1517 = arith.constant 9.99999971E-10 : f32
    %max3A_1518 = vector.broadcast %max3A_1517 : f32 to vector<128x128xf32>
    %max3A_1519 = arith.maximumf %sub3A_1516, %max3A_1518 : vector<128x128xf32>
    %div3A_1520 = arith.divf %mul3A_1512, %max3A_1519 : vector<128x128xf32>
    %gt3A_1521 = arith.constant 5.000000e-01 : f32
    %gt3A_1522 = vector.broadcast %gt3A_1521 : f32 to vector<128x128xf32>
    %gt3A_1523 = arith.cmpf ogt, %div3A_1520, %gt3A_1522 : vector<128x128xf32>
    %jit3A_1524 = arith.constant 1.000000e+00 : f32
    %jit3A_1525 = arith.constant 0.000000e+00 : f32
    %broadcast_in_dim3A_1526 = vector.broadcast %jit3A_1524 : f32 to vector<128x128xf32>
    %broadcast_in_dim3A_1527 = vector.broadcast %jit3A_1525 : f32 to vector<128x128xf32>
    %select_n3A_1528 = arith.select %gt3A_1523, %broadcast_in_dim3A_1526, %broadcast_in_dim3A_1527 : vector<128x128xi1>, vector<128x128xf32>
    %swap3A_1529 = arith.constant 0 : index
    %swap3A_1530 = arith.constant 0 : index
    %swap3A_1531 = vector.load %arg9[%swap3A_1529, %swap3A_1530] : memref<128x128xf32, #tpu.memory_space<vmem>>, vector<128x128xf32>
    tpu.vector_store %arg9[%swap3A_1529, %swap3A_1530], %select_n3A_1528 {strides = array<i32>} : memref<128x128xf32, #tpu.memory_space<vmem>>, vector<128x128xf32>,
    %broadcast_in_dim3A_1532 = arith.constant 0.000000e+00 : f32
    %broadcast_in_dim3A_1533 = vector.broadcast %broadcast_in_dim3A_1532 : f32 to vector<1x128xf32>
    %scan3A_1534 = arith.constant 0 : i32
    %scan3A_1535 = arith.constant 15 : i32
    %scan3A_1536 = arith.addi %scan3A_1534, %scan3A_1535 : i32
    %scan3A_1537 = arith.constant 1 : i32
    %scan3A_1538 = scf.for %scan3A_1557 = %scan3A_1534 to %scan3A_1536 step %scan3A_1537 iter_args(%scan3A_1558 = %broadcast_in_dim3A_1533) -> (vector<1x128xf32>)  : i32 {
      %mul3A_1559 = arith.constant 128 : i32
      %mul3A_1560 = arith.muli %scan3A_1557, %mul3A_1559 : i32
      %get3A_1561 = arith.index_cast %mul3A_1560 : i32 to index
      %get3A_1562 = arith.constant 0 : index
      %get3A_1563 = vector.load %arg4[%get3A_1561, %get3A_1562] : memref<2048x1xf32, #tpu.memory_space<vmem>>, vector<128x1xf32>
      %mul3A_1564 = arith.constant 128 : i32
      %mul3A_1565 = arith.muli %scan3A_1557, %mul3A_1564 : i32
      %get3A_1566 = arith.index_cast %mul3A_1565 : i32 to index
      %get3A_1567 = arith.constant 0 : index
      %get3A_1568 = vector.load %arg5[%get3A_1566, %get3A_1567] : memref<2048x1xf32, #tpu.memory_space<vmem>>, vector<128x1xf32>
      %mul3A_1569 = arith.constant 128 : i32
      %mul3A_1570 = arith.muli %scan3A_1557, %mul3A_1569 : i32
      %get3A_1571 = arith.index_cast %mul3A_1570 : i32 to index
      %get3A_1572 = arith.constant 0 : index
      %get3A_1573 = vector.load %arg6[%get3A_1571, %get3A_1572] : memref<2048x1xf32, #tpu.memory_space<vmem>>, vector<128x1xf32>
      %mul3A_1574 = arith.constant 128 : i32
      %mul3A_1575 = arith.muli %scan3A_1557, %mul3A_1574 : i32
      %get3A_1576 = arith.index_cast %mul3A_1575 : i32 to index
      %get3A_1577 = arith.constant 0 : index
      %get3A_1578 = vector.load %arg7[%get3A_1576, %get3A_1577] : memref<2048x1xf32, #tpu.memory_space<vmem>>, vector<128x1xf32>
      %sub3A_1579 = arith.subf %get3A_1573, %get3A_1563 : vector<128x1xf32>
      %sub3A_1580 = arith.subf %get3A_1578, %get3A_1568 : vector<128x1xf32>
      %mul3A_1581 = arith.mulf %sub3A_1579, %sub3A_1580 : vector<128x1xf32>
      %min3A_1582 = vector.broadcast %get3A_1573 : vector<128x1xf32> to vector<128x128xf32>
      %min3A_1583 = vector.broadcast %get3A_1470 : vector<1x128xf32> to vector<128x128xf32>
      %min3A_1584 = arith.minimumf %min3A_1582, %min3A_1583 : vector<128x128xf32>
      %max3A_1585 = vector.broadcast %get3A_1563 : vector<128x1xf32> to vector<128x128xf32>
      %max3A_1586 = vector.broadcast %get3A_1464 : vector<1x128xf32> to vector<128x128xf32>
      %max3A_1587 = arith.maximumf %max3A_1585, %max3A_1586 : vector<128x128xf32>
      %sub3A_1588 = arith.subf %min3A_1584, %max3A_1587 : vector<128x128xf32>
      %max3A_1589 = arith.constant 0.000000e+00 : f32
      %max3A_1590 = vector.broadcast %max3A_1589 : f32 to vector<128x128xf32>
      %max3A_1591 = arith.maximumf %sub3A_1588, %max3A_1590 : vector<128x128xf32>
      %min3A_1592 = vector.broadcast %get3A_1578 : vector<128x1xf32> to vector<128x128xf32>
      %min3A_1593 = vector.broadcast %get3A_1473 : vector<1x128xf32> to vector<128x128xf32>
      %min3A_1594 = arith.minimumf %min3A_1592, %min3A_1593 : vector<128x128xf32>
      %max3A_1595 = vector.broadcast %get3A_1568 : vector<128x1xf32> to vector<128x128xf32>
      %max3A_1596 = vector.broadcast %get3A_1467 : vector<1x128xf32> to vector<128x128xf32>
      %max3A_1597 = arith.maximumf %max3A_1595, %max3A_1596 : vector<128x128xf32>
      %sub3A_1598 = arith.subf %min3A_1594, %max3A_1597 : vector<128x128xf32>
      %max3A_1599 = arith.constant 0.000000e+00 : f32
      %max3A_1600 = vector.broadcast %max3A_1599 : f32 to vector<128x128xf32>
      %max3A_1601 = arith.maximumf %sub3A_1598, %max3A_1600 : vector<128x128xf32>
      %mul3A_1602 = arith.mulf %max3A_1591, %max3A_1601 : vector<128x128xf32>
      %add3A_1603 = vector.broadcast %mul3A_1581 : vector<128x1xf32> to vector<128x128xf32>
      %add3A_1604 = vector.broadcast %mul3A_1476 : vector<1x128xf32> to vector<128x128xf32>
      %add3A_1605 = arith.addf %add3A_1603, %add3A_1604 : vector<128x128xf32>
      %sub3A_1606 = arith.subf %add3A_1605, %mul3A_1602 : vector<128x128xf32>
      %max3A_1607 = arith.constant 9.99999971E-10 : f32
      %max3A_1608 = vector.broadcast %max3A_1607 : f32 to vector<128x128xf32>
      %max3A_1609 = arith.maximumf %sub3A_1606, %max3A_1608 : vector<128x128xf32>
      %div3A_1610 = arith.divf %mul3A_1602, %max3A_1609 : vector<128x128xf32>
      %gt3A_1611 = arith.constant 5.000000e-01 : f32
      %gt3A_1612 = vector.broadcast %gt3A_1611 : f32 to vector<128x128xf32>
      %gt3A_1613 = arith.cmpf ogt, %div3A_1610, %gt3A_1612 : vector<128x128xf32>
      %jit3A_1614 = arith.constant 1.000000e+00 : f32
      %jit3A_1615 = arith.constant 0.000000e+00 : f32
      %broadcast_in_dim3A_1616 = vector.broadcast %jit3A_1614 : f32 to vector<128x128xf32>
      %broadcast_in_dim3A_1617 = vector.broadcast %jit3A_1615 : f32 to vector<128x128xf32>
      %select_n3A_1618 = arith.select %gt3A_1613, %broadcast_in_dim3A_1616, %broadcast_in_dim3A_1617 : vector<128x128xi1>, vector<128x128xf32>
      %get3A_1619 = arith.index_cast %scan3A_1557 : i32 to index
      %get3A_1620 = arith.constant 0 : index
      %get3A_1621 = vector.load %arg8[%get3A_1619, %get3A_1620] : memref<16x128xf32, #tpu.memory_space<vmem>>, vector<1x128xf32>
      %sub3A_1622 = arith.constant 1.000000e+00 : f32
      %sub3A_1623 = vector.broadcast %sub3A_1622 : f32 to vector<1x128xf32>
      %sub3A_1624 = arith.subf %sub3A_1623, %get3A_1621 : vector<1x128xf32>
      %dot_general3A_1625 = arith.constant dense<0.000000e+00> : vector<1x128xf32>
      %dot_general3A_1626 = tpu.matmul %sub3A_1624, %select_n3A_1618, %dot_general3A_1625 {dimension_numbers = #tpu.dot_dimension_numbers<[1], [0], [0], [1], [0, 0, 1, 1], [], []>, transpose_lhs_hint = false} : vector<1x128xf32>, vector<128x128xf32>, vector<1x128xf32> -> vector<1x128xf32>
      %add3A_1627 = arith.addf %scan3A_1558, %dot_general3A_1626 : vector<1x128xf32>
      scf.yield %add3A_1627 : vector<1x128xf32>
    }
    %scan3A_1539 = arith.constant 15 : i32
    %gt3A_1540 = arith.constant 0.000000e+00 : f32
    %gt3A_1541 = vector.broadcast %gt3A_1540 : f32 to vector<1x128xf32>
    %gt3A_1542 = arith.cmpf ogt, %scan3A_1538, %gt3A_1541 : vector<1x128xf32>
    %jit3A_1543 = arith.constant 1.000000e+00 : f32
    %jit3A_1544 = arith.constant 0.000000e+00 : f32
    %broadcast_in_dim3A_1545 = vector.broadcast %jit3A_1543 : f32 to vector<1x128xf32>
    %broadcast_in_dim3A_1546 = vector.broadcast %jit3A_1544 : f32 to vector<1x128xf32>
    %select_n3A_1547 = arith.select %gt3A_1542, %broadcast_in_dim3A_1545, %broadcast_in_dim3A_1546 : vector<1x128xi1>, vector<1x128xf32>
    %scan3A_1548 = arith.constant 0 : i32
    %scan3A_1549 = arith.constant 128 : i32
    %scan3A_1550 = arith.addi %scan3A_1548, %scan3A_1549 : i32
    %scan3A_1551 = arith.constant 1 : i32
    %scan3A_1552 = scf.for %scan3A_1557 = %scan3A_1548 to %scan3A_1550 step %scan3A_1551 iter_args(%scan3A_1558 = %select_n3A_1547) -> (vector<1x128xf32>)  : i32 {
      %get3A_1559 = arith.index_cast %scan3A_1557 : i32 to index
      %get3A_1560 = arith.constant 0 : index
      %get3A_1561 = vector.load %arg9[%get3A_1559, %get3A_1560] : memref<128x128xf32, #tpu.memory_space<vmem>>, vector<1x128xf32>
      %eq3A = vector.broadcast %scan3A_1557 : i32 to vector<1x128xi32>
      %eq3A_1562 = arith.cmpi eq, %iota3A, %eq3A : vector<1x128xi32>
      %jit3A_1563 = arith.constant 1.000000e+00 : f32
      %jit3A_1564 = arith.constant 0.000000e+00 : f32
      %broadcast_in_dim3A_1565 = vector.broadcast %jit3A_1563 : f32 to vector<1x128xf32>
      %broadcast_in_dim3A_1566 = vector.broadcast %jit3A_1564 : f32 to vector<1x128xf32>
      %select_n3A_1567 = arith.select %eq3A_1562, %broadcast_in_dim3A_1565, %broadcast_in_dim3A_1566 : vector<1x128xi1>, vector<1x128xf32>
      %mul3A_1568 = arith.mulf %scan3A_1558, %select_n3A_1567 : vector<1x128xf32>
      %reduce_sum3A = vector.shape_cast %mul3A_1568 : vector<1x128xf32> to vector<1x1x128xf32>
      %reduce_sum3A_1569 = arith.constant dense<0.000000e+00> : vector<1xf32>
      %reduce_sum3A_1570 = vector.multi_reduction <add>, %reduce_sum3A, %reduce_sum3A_1569 [1, 2] : vector<1x1x128xf32> to vector<1xf32>
      %reduce_sum3A_1571 = vector.shape_cast %reduce_sum3A_1570 : vector<1xf32> to vector<1x1x1xf32>
      %reduce_sum3A_1572 = vector.extract %reduce_sum3A_1571[0, 0, 0] : f32 from vector<1x1x1xf32>
      %gt3A_1573 = vector.broadcast %scan3A_1557 : i32 to vector<1x128xi32>
      %gt3A_1574 = arith.cmpi sgt, %iota3A, %gt3A_1573 : vector<1x128xi32>
      %jit3A_1575 = arith.constant 1.000000e+00 : f32
      %jit3A_1576 = arith.constant 0.000000e+00 : f32
      %broadcast_in_dim3A_1577 = vector.broadcast %jit3A_1575 : f32 to vector<1x128xf32>
      %broadcast_in_dim3A_1578 = vector.broadcast %jit3A_1576 : f32 to vector<1x128xf32>
      %select_n3A_1579 = arith.select %gt3A_1574, %broadcast_in_dim3A_1577, %broadcast_in_dim3A_1578 : vector<1x128xi1>, vector<1x128xf32>
      %mul3A_1580 = arith.mulf %get3A_1561, %select_n3A_1579 : vector<1x128xf32>
      %lt3A = arith.constant 5.000000e-01 : f32
      %lt3A_1581 = arith.cmpf olt, %reduce_sum3A_1572, %lt3A : f32
      %jit3A_1582 = arith.constant 1.000000e+00 : f32
      %jit3A_1583 = arith.constant 0.000000e+00 : f32
      %select_n3A_1584 = arith.select %lt3A_1581, %jit3A_1582, %jit3A_1583 : f32
      %mul3A_1585 = vector.broadcast %select_n3A_1584 : f32 to vector<1x128xf32>
      %mul3A_1586 = arith.mulf %mul3A_1580, %mul3A_1585 : vector<1x128xf32>
      %max3A_1587 = arith.maximumf %scan3A_1558, %mul3A_1586 : vector<1x128xf32>
      scf.yield %max3A_1587 : vector<1x128xf32>
    }
    %scan3A_1553 = arith.constant 128 : i32
    %swap3A_1554 = arith.constant 15 : index
    %swap3A_1555 = arith.constant 0 : index
    %swap3A_1556 = vector.load %arg8[%swap3A_1554, %swap3A_1555] : memref<16x128xf32, #tpu.memory_space<vmem>>, vector<1x128xf32>
    tpu.vector_store %arg8[%swap3A_1554, %swap3A_1555], %scan3A_1552 {strides = array<i32>} : memref<16x128xf32, #tpu.memory_space<vmem>>, vector<1x128xf32>,
    return
  }
}

</mosaic_0001>

<sc_bundles>
// kernel: gather_offload_async_start
scs
__scs_entry_jumppad:
0x0: {  	(pc) =	sbr.rel $0x88, $3  }
0x1: {  	(tag) =	ssettag $0x0;
	lr =	simm.s32 $0x1  }
0x2: {  	[smem:$0x3F9F] =	sst lr;
	_ =	strace $0xD0000000  }
0x3: {  	_ = 	snop  }
0x4: {  	_ = 	snop  }
0x5: {  	_ = 	snop  }
0x6: {  	_ = 	snop  }
0x7: {  	_ = 	snop  }
__scs_overlays_trampoline_lowered:
0x8: {  	[smem:$0x3FAE] =	sst s0  }
0x9: {  	[smem:$0x3FAF] =	sst s1  }
0xa: {  	[smem:$0x3FB0] =	sst s2  }
0xb: {  	[smem:$0x3FB1] =	sst s3  }
0xc: {  	[smem:$0x3FB2] =	sst s4  }
0xd: {  	[smem:$0x3FB3] =	sst s5  }
0xe: {  	[smem:$0x3FB4] =	sst s6  }
0xf: {  	[smem:$0x3FB5] =	sst s7  }
0x10: {  	[smem:$0x3FB6] =	sst s8  }
0x11: {  	[smem:$0x3FB7] =	sst s9;
	s0 =	simm.s32 @!p0 $0x0  }
0x12: {  	s1 =	sld [smem:$0x3F9D];
	s0 =	simm.s32 @p0 $0x1  }
0x13: {  	[smem:$0x3FB8] =	sst s0;
	s0 =	simm.s32 @!p1 $0x0  }
0x14: {  	s2 =	sld [smem:$0x3F9C];
	s0 =	simm.s32 @p1 $0x1  }
0x15: {  	[smem:$0x3FB9] =	sst s0;
	s0 =	simm.s32 @!p2 $0x0  }
0x16: {  	s3 =	sld [smem:$0x3FDB];
	s0 =	simm.s32 @p2 $0x1  }
0x17: {  	s4 =	simm.s32 $0x1BF5;
	[smem:$0x3FBB] =	sst s0  }
0x18: {  	s0 =	sld [smem:$0x3F9E];
	_ =	swait.ge [sflag:s4], $0x0  }
0x19: {  	s7 =	sld [smem:$0x3F9F]  }
0x1a: {  	s8 =	sadd.s32 $0xFFFFE003, lr  }
0x1b: {  	s9 =	sadd.s32 $0xFFFFFEF7, lr;
	s5 =	simm.s32 $0xFFFFFFFF;
	p2 =	slt.u32 s8, $0xFFFFF086  }
0x1c: {  	p1 =	slt.u32 s9, $0xF7A;
	s5 =	simm.s32 @!p2 $0x0  }
0x1d: {  	s5 =	simm.s32 @p1 $0x1;
	p0 =	seq.s32 s7, s2  }
0x1e: {  	s7 =	smul.u32 @!p0 $0xF7A, s2;
	p2 =	seq.s32 @!p0 s5, $0x0  }
0x1f: {  	s9 =	smul.u32 $0xF7A, s1;
	s8 =	simm.s32 @!p0 $0x1BF5;
	p2 =	por !p2, p0  }
0x20: {  	[sflag:s8] =	ssyncset.s32 @!p0 $0xFFFFF086;
	s6 =	sadd.s32 @!p0 s3, s7;
	s7 =	simm.s32 @!p0 $0x108  }
0x21: {  	s3 =	sadd.s32 s3, s9;
	s6 =	sadd.s32 @!p0 $0x88, s6;
	s7 =	simm.s32 @p2 $0x1082  }
0x22: {  	[simem:s7], [sflag:s8] =	dma.local @!p0 [hbm:s6], $0xF7A  }
0x23: {  	s9 =	sor.u32 $0xD0000000, s2;
	s6 =	simm.s32 $0x108;
	_ =	swait.ge @!p0 [sflag:s8], $0x0  }
0x24: {  	s3 =	sadd.s32 $0x88, s3;
	s6 =	simm.s32 @!p1 $0x1082;
	[sflag:s4] =	ssyncset.s32 $0xFFFFF086  }
0x25: {  	[simem:s6], [sflag:s4] =	dma.local [hbm:s3], $0xF7A  }
0x26: {  	[smem:$0x3F9F] =	sst s1;
	(tag) =	ssettag s2;
	_ =	strace s9  }
0x27: {  	s1 =	sld [smem:$0x3FAF]  }
0x28: {  	s2 =	sld [smem:$0x3FB0]  }
0x29: {  	s4 =	sld [smem:$0x3FB2]  }
0x2a: {  	p0 =	seq.s32 s5, $0x0;
	s5 =	sld [smem:$0x3FB3]  }
0x2b: {  	s6 =	sld [smem:$0x3FB4]  }
0x2c: {  	s7 =	sld [smem:$0x3FB5]  }
0x2d: {  	s3 =	simm.s32 $0x108;
	s8 =	sld [smem:$0x3FB6]  }
0x2e: {  	s3 =	simm.s32 @!p0 $0x1082;
	s9 =	sld [smem:$0x3FB7]  }
0x2f: {  	lr =	sadd.s32 s0, s3;
	s0 =	sld [smem:$0x3FAE]  }
0x30: {  	s3 =	sld [smem:$0x3FB1]  }
0x31: {  	[smem:$0x3FBA] =	sst s10  }
0x32: {  	s10 =	sld [smem:$0x3FB8];
	_ =	sdelay $0x3  }
0x33: {  	p0 =	seq.s32 s10, $0x1;
	s10 =	sld [smem:$0x3FBA];
	_ =	sdelay $0x3  }
0x34: {  	[smem:$0x3FBA] =	sst s10  }
0x35: {  	s10 =	sld [smem:$0x3FB9];
	_ =	sdelay $0x3  }
0x36: {  	p1 =	seq.s32 s10, $0x1;
	s10 =	sld [smem:$0x3FBA];
	_ =	sdelay $0x3  }
0x37: {  	[smem:$0x3FBA] =	sst s10  }
0x38: {  	s10 =	sld [smem:$0x3FBB]  }
0x39: {  	_ = 	snop;
	(pc) =	sbr.ind lr, $3  }
0x3a: {  	_ = 	snop  }
0x3b: {  	_ = 	snop  }
0x3c: {  	p2 =	seq.s32 s10, $0x1;
	s10 =	sld [smem:$0x3FBA]  }
0x3d: {  	_ =	shalt  }
0x3e: {  	_ =	shalt  }
0x3f: {  	_ =	shalt  }
0x40: {  	_ =	shalt  }
0x41: {  	_ =	shalt  }
0x42: {  	_ =	shalt  }
0x43: {  	_ =	shalt  }
0x44: {  	_ =	shalt  }
0x45: {  	_ =	shalt  }
0x46: {  	_ =	shalt  }
0x47: {  	_ =	shalt  }
0x48: {  	_ =	shalt  }
0x49: {  	_ =	shalt  }
0x4a: {  	_ =	shalt  }
0x4b: {  	_ =	shalt  }
0x4c: {  	_ =	shalt  }
0x4d: {  	_ =	shalt  }
0x4e: {  	_ =	shalt  }
0x4f: {  	_ =	shalt  }
0x50: {  	_ =	shalt  }
0x51: {  	_ =	shalt  }
0x52: {  	_ =	shalt  }
0x53: {  	_ =	shalt  }
0x54: {  	_ =	shalt  }
0x55: {  	_ =	shalt  }
0x56: {  	_ =	shalt  }
0x57: {  	_ =	shalt  }
0x58: {  	_ =	shalt  }
0x59: {  	_ =	shalt  }
0x5a: {  	_ =	shalt  }
0x5b: {  	_ =	shalt  }
0x5c: {  	_ =	shalt  }
0x5d: {  	_ =	shalt  }
0x5e: {  	_ =	shalt  }
0x5f: {  	_ =	shalt  }
0x60: {  	_ =	shalt  }
0x61: {  	_ =	shalt  }
0x62: {  	_ =	shalt  }
0x63: {  	_ =	shalt  }
0x64: {  	_ =	shalt  }
0x65: {  	_ =	shalt  }
0x66: {  	_ =	shalt  }
0x67: {  	_ =	shalt  }
0x68: {  	_ =	shalt  }
0x69: {  	_ =	shalt  }
0x6a: {  	_ =	shalt  }
0x6b: {  	_ =	shalt  }
0x6c: {  	_ =	shalt  }
0x6d: {  	_ =	shalt  }
0x6e: {  	_ =	shalt  }
0x6f: {  	_ =	shalt  }
0x70: {  	_ =	shalt  }
0x71: {  	_ =	shalt  }
0x72: {  	_ =	shalt  }
0x73: {  	_ =	shalt  }
0x74: {  	_ =	shalt  }
0x75: {  	_ =	shalt  }
0x76: {  	_ =	shalt  }
0x77: {  	_ =	shalt  }
0x78: {  	_ =	shalt  }
0x79: {  	_ =	shalt  }
0x7a: {  	_ =	shalt  }
0x7b: {  	_ =	shalt  }
0x7c: {  	_ =	shalt  }
0x7d: {  	_ =	shalt  }
0x7e: {  	_ =	shalt  }
0x7f: {  	_ =	shalt  }
0x80: {  	_ =	shalt  }
0x81: {  	_ =	shalt  }
0x82: {  	_ =	shalt  }
0x83: {  	_ =	shalt  }
0x84: {  	_ =	shalt  }
0x85: {  	_ =	shalt  }
0x86: {  	_ =	shalt  }
0x87: {  	_ =	shalt  }
.Lfunc_end0:
.L_simem_size_0:
called_computation_lowered:
.L_overlay_start_0:
0x88: {  	s0 =	sld [smem:$0x3FD9]  }
0x89: {  	s1 =	sld [smem:$0x3FFE];
	_ =	sdelay $0x3  }
0x8a: {  	s0 =	sadd.s32 s1, s0  }
0x8b: {  	[smem:$0x3FC6] =	sst s0  }
0x8c: {  	_ = 	snop  }
0x8d: {  	s0 =	sld [smem:$0x3FD0];
	(tm) =	ssettm $0x1  }
0x8e: {  	s16 =	sld [smem:$0x3FFB];
	_ =	sdelay $0x3  }
0x8f: {  	_ =	strace s16  }
0x90: {  	s1 =	sld [smem:$0x3FFC];
	_ =	sdelay $0x3  }
0x91: {  	_ =	strace s1  }
0x92: {  	s1 =	sld [smem:$0x3FFD];
	_ =	sdelay $0x3  }
0x93: {  	_ =	strace s1  }
0x94: {  	_ =	strace $0x8FFFFFFF  }
0x95: {  	s17 =	sld [smem:$0x3FDB];
	_ =	sdelay $0x1  }
0x96: {  	s2 =	simm.s32 $_scs_section_size  }
0x97: {  	s3 =	simm.s32 $_size__tile_overlayer_lowered;
	s4 =	simm.s32 $_tile_overlayer_lowered  }
0x98: {  	s20 =	simm.s32 $0x1BFF;
	s19 =	sshll.u32 s4, $0x1;
	s1 =	sadd.s32 s2, s17  }
0x99: {  	s5 =	simm.s32 $0x0;
	s18 =	sshll.u32 s3, $0x1;
	s3 =	sadd.s32 s19, s1  }
0x9a: {  	[timem:s5], [sflag:s20] =	dma.local [hbm:s3], s18  }
0x9b: {  	_ =	swait.ge [sflag:s20], s18  }
0x9c: {  	s2 =	ssub.s32 $0x0, s18;
	[sflag:s20] =	ssyncset.done $0x0  }
0x9d: {  	[sflag:s20] =	ssyncadd.s32 s2;
	_ =	sdelay $0x1  }
0x9e: {  	s21 =	simm.s32 $0x1B8B  }
0x9f: {  	_ =	swait.ge [sflag:s21], $0x1  }
0xa0: {  	[sflag:s21] =	ssyncset.done $0x0  }
0xa1: {  	s23 =	simm.s32 $0x1B8E;
	s22 =	sld [smem:$0x3FFE];
	[sflag:s21] =	ssyncadd.s32 $0xFFFFFFFF  }
0xa2: {  	s24 =	simm.s32 $execute0_lowered;
	[smem:$0x3FD2] =	sst s23  }
0xa3: {  	s3 =	sshll.u32 s24, $0x1;
	_ =	strace $0x80000046;
	[dreg:$0x1] =	wrdreg $0xFFFFFFFF  }
0xa4: {  	s25 =	simm.s32 $_size_execute0_lowered;
	s1 =	sadd.s32 s1, s3;
	[dreg:$0x0] =	wrdreg $0x0  }
0xa5: {  	s3 =	sshll.u32 s25, $0x1;
	[dreg:$0x2] =	wrdreg s1  }
0xa6: {  	[dreg:$0x3] =	wrdreg s3  }
0xa7: {  	[dreg:$0x4] =	wrdreg $0xC0  }
0xa8: {  	_ =	task [dreg:s5], $0x5FFFF  }
0xa9: {  	[dreg:$0x1] =	wrdreg $0xFFFFFFFF  }
0xaa: {  	[dreg:$0x0] =	wrdreg $0x60  }
0xab: {  	[dreg:$0x2] =	wrdreg s22  }
0xac: {  	[dreg:$0x3] =	wrdreg s0  }
0xad: {  	[dreg:$0x4] =	wrdreg $0x9  }
0xae: {  	_ =	task.clear_ibuf [dreg:s5], $0x5FFFF;
	_ =	strace $0x90000046  }
0xaf: {  	s26 =	simm.s32 $0x9;
	_ =	strace $0x80000048  }
0xb0: {  	_ =	swait.ge [sflag:s26], $0x1  }
0xb1: {  	[sflag:s26] =	ssyncadd.s32 $0xFFFFFFFF  }
0xb2: {  	_ =	strace $0x90000048  }
0xb3: {  	_ =	sfence  }
0xb4: {  	s28 =	sld [smem:$0x0];
	_ =	sdelay $0x1  }
0xb5: {  	s29 =	srdreg.scid  }
0xb6: {  	s30 =	sshll.u32 s29, $0xD;
	s31 =	sshrl.u32 s29, $0x2  }
0xb7: {  	s2 =	sand.u32 $0x4000, s30;
	s1 =	sand.u32 $0x1, s29;
	s0 =	sadd.s32 s31, s28  }
0xb8: {  	s1 =	sor.u32 s2, s1;
	s0 =	sshll.u32 s0, $0x11  }
0xb9: {  	s0 =	sor.u32 s0, s1  }
0xba: {  	s0 =	sadd.s32 $0x8F2B, s0  }
0xbb: {  	[sflag:s0] =	ssyncadd.remote.s32 $0x1  }
0xbc: {  	_ =	sfence.sel $0xFFFF  }
0xbd: {  	[dreg:$0x0] =	wrdreg $0xFFFFFFFF;
	(pc) =	sbr.abs _section_cstart, $3  }
0xbe: {  	[dreg:$0x1] =	wrdreg $0xFFFFFFFF  }
0xbf: {  	_ =	task.clear_ibuf [dreg:s5], $0x2FFFF;
	_ =	strace $0x9FFFFFFF  }
0xc0: {  	(tm) =	ssettm $0x7FFFFFFF  }
0xc1: {  	_ =	shalt  }
tec
execute0_lowered:
.L_overlay_start_1:
0x0: {  	(tag) =	ssettag $0x1  }
0x1: {  	s0 =	stileid.u32  }
0x2: {  	s1 =	smin.u32 s0, $0x9  }
0x3: {  	s1 =	sadd.s32 s0, s1  }
0x4: {  	s2 =	simm.s32 $0xA0;
	p0 =	slt.u32 s0, $0x9;
	s1 =	smul.u32 $0x50, s1  }
0x5: {  	s2 =	simm.s32 @!p0 $0x50  }
0x6: {  	s2 =	sadd.s32 s2, s1  }
0x7: {  	s3 =	smin.u32 s2, $0x7D0  }
0x8: {  	s7 =	ssub.s32 s3, s1  }
0x9: {  	p0 =	sgt.s32 s7, $0x0  }
0xa: {  	s7 =	simm.s32 @!p0 $0x0  }
0xb: {  	s4 =	rddreg [dreg:$0x0];
	s31 =	smul.u32 $0xCCCD, s7  }
0xc: {  	s5 =	rddreg [dreg:$0x1]  }
0xd: {  	s6 =	simm.s32 $0x1;
	s10 =	simm.s32 $0x3;
	s8 =	sshrl.u32 s31, $0x16  }
0xe: {  	s13 =	simm.s32 $0x0;
	s12 =	simm.s32 $0x0;
	s9 =	smul.u32 $0x50, s8  }
.Ltmp0:
0xf: {  	s11 =	smov.u32 s1;
	s2 =	rddreg [dreg:$0x2];
	(pc) =	sbr.rel .LBB2_1-.Ltmp0, $4  }
0x10: {  	_ =	strace $0x80000047;
	p0 =	sne.s32 s7, s9;
	s9 =	simm.s32 $0x1  }
0x11: {  	[sflag:s6] =	ssyncpa.u1 $0x0;
	s7 =	simm.s32 $0x2;
	s9 =	simm.s32 @!p0 $0x0  }
0x12: {  	[sflag:s7] =	ssyncpa.u1 $0x0;
	p0 =	por $0x0, $0x0;
	s8 =	sadd.s32 s8, s9  }
0x13: {  	vm0 =	vmmov $0xff;
	vm1 =	vcmask $0x3F20;
	s9 =	sadd.s32 $0x13A00, s4;
	[sflag:s10] =	ssyncpa.u1 $0x0;
	s10 =	sadd.s32 $0x1, s8  }
.LBB2_6:
0x14: {  	[hbm:s17] =	stream.linear.scatter [tilespmem:s14], [sflag:$0x3], $0x400, $0x38;
	[tilespmem:$0x50A0] =	vst v63  }
.LBB2_7:
0x15: {  	s13 =	sadd.s32 $0x50, s11  }
0x16: {  	s15 =	smov.u32 s1;
	p2 =	slt.s32 s13, s3  }
0x17: {  	s15 =	smov.u32 @p2 s13;
	p2 =	sne.s32 s12, s10  }
.Ltmp1:
0x18: {  	p1 =	slt.u32 s12, $0x2;
	(pc) =	sbr.rel @!p2 .LBB2_8-.Ltmp1, $4  }
0x19: {  	s14 =	simm.s32 @!p1 $0x3  }
0x1a: {  	s16 =	sadd.s32 $0x1, s12;
	_ =	swait.ge @!p1 [sflag:s14], $0x2800  }
0x1b: {  	p0 =	por !p0, !p0;
	s13 =	smov.u32 s11;
	[sflag:s14] =	ssyncset.done @!p1 $0x0  }
0x1c: {  	s12 =	smov.u32 s16;
	s11 =	smov.u32 s15;
	[sflag:s14] =	ssyncadd.s32 @!p1 $0xFFFFD800  }
.LBB2_1:
0x1d: {  	p1 =	sge.u32 s12, s8  }
0x1e: {  	s14 =	sxor.u32 @!p1 $0xFFFFFFFF, s12  }
0x1f: {  	s14 =	sand.u32 @!p1 $0x1, s14  }
0x20: {  	s14 =	smul.u32 @!p1 $0x140, s14  }
0x21: {  	s31 =	sadd.s32 $0xFFFFFFFF, s12;
	s15 =	sshrl.u32 @!p1 s11, $0x3  }
0x22: {  	s16 =	sand.u32 @!p1 $0x7, s11;
	s15 =	sadd.s32 @!p1 s5, s15;
	s14 =	sshrl.u32 @!p1 s14, $0x2  }
0x23: {  	[tilespmem:s14], [sflag:$0x2] =	stream.linear.gather @!p1 [hbm4b:s15+s16], $0x50, $0x38;
	[tilespmem:$0x50A0] =	vst v63  }
0x24: {  	p1 =	sge.u32 s31, s8  }
.Ltmp2:
0x25: {  	_ = 	snop;
	(pc) =	sbr.rel @p1 .LBB2_7-.Ltmp2, $1  }
0x26: {  	_ =	sdelay $0x3  }
0x27: {  	s14 =	simm.s32 $0x1  }
0x28: {  	s14 =	simm.s32 @!p0 $0x0  }
0x29: {  	s15 =	smul.u32 $0x140, s14  }
0x2a: {  	_ =	swait.ge [sflag:s7], $0x50  }
0x2b: {  	[sflag:s7] =	ssyncset.done $0x0;
	s16 =	sshrl.u32 s15, $0x2  }
0x2c: {  	[sflag:s7] =	ssyncadd.s32 $0xFFFFFFB0;
	s15 =	sadd.s32 $0x0, s16  }
0x2d: {  	v0 =	vld.msk [tilespmem:s15+$0x0 ss:$0x1], $0xffff;
	_ =	sdelay $0x4  }
0x2e: {  	vm2 =	vgt.s32 v0, $0x0  }
0x2f: {  	v0 =	vnsel vm2, $0x0, v0  }
0x30: {  	v0 =	vmin.u32 v0, $0x1387  }
0x31: {  	v0 =	vshll.u32 v0, $0x4  }
0x32: {  	s14 =	smul.u32 $0xA000, s14;
	_ =	sdelay $0x1  }
0x33: {  	s14 =	sshrl.u32 s14, $0x2  }
0x34: {  	s14 =	sor.u32 $0xA0, s14  }
0x35: {  	[tilespmem:s14], [sflag:$0x1] =	stream.indirect_vreg.gather [hbm:s4], $0x80, v0, vm0, $0x38;
	[tilespmem:$0x50A0] =	vst v63  }
0x36: {  	s17 =	sadd.s32 $0x10, s16;
	s15 =	sadd.s32 $0x400, s14  }
0x37: {  	[tilespmem:s15], [sflag:$0x1] =	stream.indirect_vreg.gather [hbm:s4], $0x80, v0, vm1, $0x38;
	[tilespmem:$0x50A0] =	vst v63  }
0x38: {  	s18 =	simm.s32 $0x80;
	v0 =	vld.msk [tilespmem:s17+$0x0 ss:$0x1], $0xffff;
	s17 =	smov.u32 s14  }
.LBB2_3:
0x39: {  	p1 =	sne.s32 s18, $0x100;
	_ =	sdelay $0x4  }
0x3a: {  	vm2 =	vgt.s32 v0, $0x0  }
0x3b: {  	v0 =	vnsel vm2, $0x0, v0  }
0x3c: {  	v0 =	vmin.u32 v0, $0x1387  }
0x3d: {  	v0 =	vshll.u32 v0, $0x4;
	_ =	sdelay $0x3  }
.Ltmp3:
0x3e: {  	s19 =	sshra.s32 s18, $0x2;
	s17 =	sadd.s32 $0x800, s17;
	(pc) =	sbr.rel @p1 .LBB2_3-.Ltmp3, $4  }
0x3f: {  	[tilespmem:s17], [sflag:$0x1] =	stream.indirect_vreg.gather [hbm:s4], $0x80, v0, vm0, $0x38;
	[tilespmem:$0x50A0] =	vst v63  }
0x40: {  	s19 =	sadd.s32 s19, s16;
	s20 =	sadd.s32 $0x400, s17  }
0x41: {  	[tilespmem:s20], [sflag:$0x1] =	stream.indirect_vreg.gather [hbm:s4], $0x80, v0, vm1, $0x38;
	[tilespmem:$0x50A0] =	vst v63  }
0x42: {  	s18 =	sadd.s32 $0x40, s18;
	v0 =	vld.msk [tilespmem:s19+$0x0 ss:$0x1], $0xffff  }
0x43: {  	_ =	sdelay $0x3  }
0x44: {  	vm2 =	vgt.s32 v0, $0x0  }
0x45: {  	v0 =	vnsel vm2, $0x0, v0  }
0x46: {  	v0 =	vmin.u32 v0, $0x1387  }
0x47: {  	v0 =	vshll.u32 v0, $0x4;
	_ =	sdelay $0x3  }
0x48: {  	s16 =	sadd.s32 $0x800, s17  }
0x49: {  	[tilespmem:s16], [sflag:$0x1] =	stream.indirect_vreg.gather [hbm:s4], $0x80, v0, vm0, $0x38;
	[tilespmem:$0x50A0] =	vst v63  }
0x4a: {  	s16 =	sadd.s32 $0x400, s16  }
0x4b: {  	[tilespmem:s16], [sflag:$0x1] =	stream.indirect_vreg.gather [hbm:s4], $0x80, v0, vm1, $0x38;
	[tilespmem:$0x50A0] =	vst v63  }
0x4c: {  	s13 =	sshll.u32 s13, $0x4;
	_ =	swait.ge [sflag:s6], $0x2800  }
0x4d: {  	s13 =	sadd.s32 s13, s9;
	[sflag:s6] =	ssyncset.done $0x0  }
0x4e: {  	s17 =	sadd.s32 $0x0, s13;
	s16 =	simm.s32 $0x80;
	[sflag:s6] =	ssyncadd.s32 $0xFFFFD800  }
.LBB2_5:
0x4f: {  	[hbm:s17] =	stream.linear.scatter [tilespmem:s14], [sflag:$0x3], $0x400, $0x38;
	[tilespmem:$0x50A0] =	vst v63  }
0x50: {  	s17 =	smov.u32 s16;
	s14 =	smov.u32 s15;
	p1 =	sne.s32 s16, $0x480  }
.Ltmp4:
0x51: {  	s16 =	sadd.s32 $0x80, s16;
	(pc) =	sbr.rel @p1 .LBB2_5-.Ltmp4, $2  }
0x52: {  	_ =	sdelay $0x2  }
0x53: {  	s15 =	sadd.s32 $0x400, s15;
	s17 =	sadd.s32 s17, s13  }
.Ltmp5:
0x54: {  	_ = 	snop;
	(pc) =	sbr.rel .LBB2_6-.Ltmp5, $1  }
0x55: {  	_ =	sdelay $0x3  }
.LBB2_8:
0x56: {  	_ =	sfence.sel $0x180000  }
0x57: {  	s1 =	simm.s32 $0x2;
	[bflag:$0x0] =	sbarrier.arrive $0xFFFF  }
0x58: {  	s30 =	simm.s32 $0x3;
	[sflag:s1] =	ssyncpa.u1 $0x1  }
0x59: {  	s31 =	simm.s32 $0x1;
	[sflag:s30] =	ssyncpa.u1 $0x1  }
0x5a: {  	[sflag:s31] =	ssyncpa.u1 $0x1  }
0x5b: {  	p0 =	sne.s32 s0, $0x0;
	_ =	strace $0x90000047  }
0x5c: {  	s0 =	sadd.s32 @!p0 $0x100000, s2;
	[bflag:$0x2] =	sbarrier.arrive $0xFFFF  }
0x5d: {  	[sflag:s0] =	ssyncadd.tile.s32 @!p0 $0x1;
	_ =	shalt  }
.Lfunc_end2:
_tile_overlayer_lowered:
.L_overlay_start_2:
0x5e: {  	(tag) =	ssettag $0x2  }
0x5f: {  	s0 =	rddreg [dreg:$0x0];
	s2 =	stileid.u32  }
0x60: {  	s1 =	rddreg [dreg:$0x1];
	p0 =	sne.s32 s2, $0x0  }
0x61: {  	s3 =	rddreg [dreg:$0x2];
	[bflag:$0x3] =	sbarrier.arrive $0xFFFF;
	s2 =	simm.s32 @!p0 $0x1C01  }
0x62: {  	[timem:s3], [sflag:s2] =	dma.local @!p0 [hbm:s0], s1  }
0x63: {  	s0 =	simm.s32 @!p0 $0x1  }
0x64: {  	_ =	swait.ge @!p0 [sflag:s0], s1  }
0x65: {  	s1 =	ssub.s32 @!p0 $0x0, s1;
	[sflag:s0] =	ssyncset.done @!p0 $0x0  }
0x66: {  	[sflag:s0] =	ssyncadd.s32 @!p0 s1  }
0x67: {  	[bflag:$0x3] =	sbarrier.arrive $0xFFFF  }
0x68: {  	_ =	shalt  }

</sc_bundles>
